<compile_context>
chip_gen: v7x
topology: tpu7x:2x2x1
jax: 0.10.2.dev20260603
libtpu: 0.0.44.dev20260713+nightly
codegen_flags: <defaults>
</compile_context>

<pallas_src>
import jax
import jax.numpy as jnp
from jax import lax
from jax.experimental import pallas as pl
from jax.experimental.pallas import tpu as pltpu
from jax.experimental.pallas import tpu_sc as plsc

EMB_DIM = 128
BATCH = 16384
NC, NS = 2, 16
NW = NC * NS
B_PER_W = BATCH // NW
CHUNK = 64
N_CHUNKS = B_PER_W // CHUNK
GROUPS = CHUNK // 16
NBUF = 4


def _sc_body(ne, ce, si, ti, lab, out_hbm, idx_s, idx_t, lab_v, srows, trows,
             out_v, sem_stage, sem0, sem1, sem2, sem3):
    wid = lax.axis_index("s") * NC + lax.axis_index("c")
    base = wid * B_PER_W
    cp_i = pltpu.async_copy(si.at[pl.ds(base, B_PER_W)], idx_s, sem_stage)
    cp_j = pltpu.async_copy(ti.at[pl.ds(base, B_PER_W)], idx_t, sem_stage)
    cp_l = pltpu.async_copy(lab.at[pl.ds(base, B_PER_W)], lab_v, sem_stage)
    cp_i.wait()
    cp_j.wait()
    sems = (sem0, sem1, sem2, sem3)
    copies = [None] * NBUF

    def start(chunk):
        buf = chunk % NBUF
        sl = pl.ds(chunk * CHUNK, CHUNK)
        copies[buf] = (
            pltpu.async_copy(ne.at[idx_s.at[sl]], srows.at[buf], sems[buf]),
            pltpu.async_copy(ce.at[idx_t.at[sl]], trows.at[buf], sems[buf]),
        )

    lane = lax.iota(jnp.int32, 16)
    rowbases = [g * 16 + lane for g in range(GROUPS)]
    zeros = tuple(jnp.zeros((16,), jnp.float32) for _ in range(GROUPS))

    for chunk in range(min(NBUF, N_CHUNKS)):
        start(chunk)
    cp_l.wait()
    out_copies = []
    for chunk in range(N_CHUNKS):
        buf = chunk % NBUF
        cp_s, cp_t = copies[buf]
        cp_s.wait()
        cp_t.wait()
        sbuf = srows.at[buf]
        tbuf = trows.at[buf]

        @plsc.parallel_loop(0, EMB_DIM, unroll=2, carry=zeros)
        def accs(d, accs_in, sbuf=sbuf, tbuf=tbuf):
            col = (jnp.broadcast_to(d, (16,)).astype(jnp.int32) + lane) & 127
            out = []
            for g in range(GROUPS):
                s = plsc.load_gather(sbuf, [rowbases[g], col])
                t = plsc.load_gather(tbuf, [rowbases[g], col])
                out.append(accs_in[g] + s * t)
            return tuple(out)

        if chunk + NBUF < N_CHUNKS:
            start(chunk + NBUF)
        for g in range(GROUPS):
            sl = pl.ds(chunk * CHUNK + g * 16, 16)
            out_v[sl] = accs[g] * lab_v[sl]
        osl = pl.ds(chunk * CHUNK, CHUNK)
        out_copies.append(
            pltpu.async_copy(out_v.at[osl], out_hbm.at[wid].at[osl],
                             sem_stage))
    for cp in out_copies:
        cp.wait()


_sc_inner = pl.kernel(
    _sc_body,
    out_type=jax.ShapeDtypeStruct((NW, B_PER_W), jnp.float32),
    mesh=plsc.VectorSubcoreMesh(core_axis_name="c", subcore_axis_name="s"),
    scratch_types=[
        pltpu.VMEM((B_PER_W,), jnp.int32),
        pltpu.VMEM((B_PER_W,), jnp.int32),
        pltpu.VMEM((B_PER_W,), jnp.float32),
        pltpu.VMEM((NBUF, CHUNK, EMB_DIM), jnp.float32),
        pltpu.VMEM((NBUF, CHUNK, EMB_DIM), jnp.float32),
        pltpu.VMEM((B_PER_W,), jnp.float32),
        pltpu.SemaphoreType.DMA,
        pltpu.SemaphoreType.DMA,
        pltpu.SemaphoreType.DMA,
        pltpu.SemaphoreType.DMA,
        pltpu.SemaphoreType.DMA,
    ],
    compiler_params=pltpu.CompilerParams(
        needs_layout_passes=False, disable_bounds_checks=True),
)


def _loss_body(x_ref, o_ref):
    x = x_ref[...]
    ls = jnp.minimum(x, 0.0) - jnp.log1p(jnp.exp(-jnp.abs(x)))
    o_ref[0, 0] = -jnp.sum(ls) * (1.0 / BATCH)


_loss = pl.pallas_call(
    _loss_body,
    out_shape=jax.ShapeDtypeStruct((1, 1), jnp.float32),
    out_specs=pl.BlockSpec(memory_space=pltpu.SMEM),
)


def kernel(source_node, target_node, label, nodes_embed, context_nodes_embed):
    si = source_node.astype(jnp.int32)
    ti = target_node.astype(jnp.int32)
    pos = _sc_inner(nodes_embed, context_nodes_embed, si, ti, label)
    loss = _loss(pos)
    return loss[0, 0]

# --- scband reference (transcript-rebuilt; emitter-appended) ---
"""Pipeline reference for scband-skip-gram-model-54357106098651 (READ-ONLY COPY).

The authoritative reference and input builder live on the scoring server;
editing this copy changes nothing except your own understanding.
"""

import jax, jax.numpy as jnp
import numpy as np

EMB_SIZE = 100000
EMB_DIM = 128
BATCH = 16384

def setup_inputs(seed: int = 0) -> dict:
    key = jax.random.key(seed)
    k1, k2, k3, k4 = jax.random.split(key, 4)
    source_node = jax.random.randint(k1, (BATCH,), 0, EMB_SIZE, dtype=jnp.int64 if jax.config.jax_enable_x64 else jnp.int32)
    target_node = jax.random.randint(k2, (BATCH,), 0, EMB_SIZE, dtype=jnp.int64 if jax.config.jax_enable_x64 else jnp.int32)
    label = jax.random.normal(k3, (BATCH,), dtype=jnp.float32)
    initrange = 1.0 / EMB_DIM
    nodes_embed = jax.random.uniform(k4, (EMB_SIZE, EMB_DIM), dtype=jnp.float32, minval=-initrange, maxval=initrange)
    context_nodes_embed = jnp.zeros((EMB_SIZE, EMB_DIM), dtype=jnp.float32)
    return {"source_node": source_node, "target_node": target_node, "label": label, "nodes_embed": nodes_embed, "context_nodes_embed": context_nodes_embed}

def reference(source_node, target_node, label, nodes_embed, context_nodes_embed):
    source_embed = jnp.take(nodes_embed, source_node, axis=0)
    target_embed = jnp.take(context_nodes_embed, target_node, axis=0)
    inner_product = jnp.sum(source_embed * target_embed, axis=1)
    pos_neg = label * inner_product
    line_loss = jax.nn.log_sigmoid(pos_neg)
    mean_loss = -jnp.mean(line_loss)
    return mean_loss

if __name__ == "__main__":
    import jax
    _d = setup_inputs()
    print(jax.jit(kernel)(*tuple(_d.values())))

</pallas_src>

<mosaic_0001>
#map = affine_map<(d0, d1) -> (0, 0)>
#map1 = affine_map<(d0, d1) -> (0)>
module attributes {stable_mosaic.version = 14 : i64} {
  func.func @_sc_body(%arg0: i32, %arg1: i32, %arg2: memref<100000x128xf32, #tpu.memory_space<hbm>>, %arg3: memref<100000x128xf32, #tpu.memory_space<hbm>>, %arg4: memref<16384xi32, #tpu.memory_space<hbm>>, %arg5: memref<16384xi32, #tpu.memory_space<hbm>>, %arg6: memref<16384xf32, #tpu.memory_space<hbm>>, %arg7: memref<32x512xf32, #tpu.memory_space<hbm>>, %arg8: memref<512xi32, #tpu.memory_space<vmem>>, %arg9: memref<512xi32, #tpu.memory_space<vmem>>, %arg10: memref<512xf32, #tpu.memory_space<vmem>>, %arg11: memref<4x64x128xf32, #tpu.memory_space<vmem>>, %arg12: memref<4x64x128xf32, #tpu.memory_space<vmem>>, %arg13: memref<512xf32, #tpu.memory_space<vmem>>, %arg14: memref<!tpu.dma_semaphore, #tpu.memory_space<semaphore_mem>>, %arg15: memref<!tpu.dma_semaphore, #tpu.memory_space<semaphore_mem>>, %arg16: memref<!tpu.dma_semaphore, #tpu.memory_space<semaphore_mem>>, %arg17: memref<!tpu.dma_semaphore, #tpu.memory_space<semaphore_mem>>, %arg18: memref<!tpu.dma_semaphore, #tpu.memory_space<semaphore_mem>>) attributes {dimension_semantics = [#tpu.dimension_semantics<core_parallel>, #tpu.dimension_semantics<subcore_parallel>], iteration_bounds = array<i64: 2, 16>, scalar_prefetch = 0 : i64, scratch_operands = 11 : i64, tpu.core_type = #tpu.core_type<sc_vector_subcore>, window_params = [{transform_indices = #map}, {transform_indices = #map}, {transform_indices = #map1}, {transform_indices = #map1}, {transform_indices = #map1}, {transform_indices = #map}]} {
    %mul3A = arith.constant 2 : i32
    %mul3A_0 = arith.muli %arg1, %mul3A : i32
    %add3A = arith.addi %mul3A_0, %arg0 : i32
    %mul3A_1 = arith.constant 512 : i32
    %mul3A_2 = arith.muli %add3A, %mul3A_1 : i32
    %dma_start3A = tpu.memref_slice %arg4[%mul3A_2] : memref<16384xi32, #tpu.memory_space<hbm>> -> memref<512xi32, #tpu.memory_space<hbm>>
    %dma_start3A_3 = tpu.memref_slice %arg4[%mul3A_2] : memref<16384xi32, #tpu.memory_space<hbm>> -> memref<512xi32, #tpu.memory_space<hbm>>
    tpu.enqueue_dma source(%dma_start3A_3 : memref<512xi32, #tpu.memory_space<hbm>>) target(%arg8 : memref<512xi32, #tpu.memory_space<vmem>>) target_semaphore(%arg14 : memref<!tpu.dma_semaphore, #tpu.memory_space<semaphore_mem>>)
    %dma_start3A_4 = tpu.memref_slice %arg5[%mul3A_2] : memref<16384xi32, #tpu.memory_space<hbm>> -> memref<512xi32, #tpu.memory_space<hbm>>
    %dma_start3A_5 = tpu.memref_slice %arg5[%mul3A_2] : memref<16384xi32, #tpu.memory_space<hbm>> -> memref<512xi32, #tpu.memory_space<hbm>>
    tpu.enqueue_dma source(%dma_start3A_5 : memref<512xi32, #tpu.memory_space<hbm>>) target(%arg9 : memref<512xi32, #tpu.memory_space<vmem>>) target_semaphore(%arg14 : memref<!tpu.dma_semaphore, #tpu.memory_space<semaphore_mem>>)
    %dma_start3A_6 = tpu.memref_slice %arg6[%mul3A_2] : memref<16384xf32, #tpu.memory_space<hbm>> -> memref<512xf32, #tpu.memory_space<hbm>>
    %dma_start3A_7 = tpu.memref_slice %arg6[%mul3A_2] : memref<16384xf32, #tpu.memory_space<hbm>> -> memref<512xf32, #tpu.memory_space<hbm>>
    tpu.enqueue_dma source(%dma_start3A_7 : memref<512xf32, #tpu.memory_space<hbm>>) target(%arg10 : memref<512xf32, #tpu.memory_space<vmem>>) target_semaphore(%arg14 : memref<!tpu.dma_semaphore, #tpu.memory_space<semaphore_mem>>)
    %dma_wait3A = tpu.memref_slice %arg4[%mul3A_2] : memref<16384xi32, #tpu.memory_space<hbm>> -> memref<512xi32, #tpu.memory_space<hbm>>
    %dma_wait3A_8 = tpu.memref_slice %arg4[%mul3A_2] : memref<16384xi32, #tpu.memory_space<hbm>> -> memref<512xi32, #tpu.memory_space<hbm>>
    tpu.wait_dma2 semaphore(%arg14 : memref<!tpu.dma_semaphore, #tpu.memory_space<semaphore_mem>>) src(%dma_wait3A_8 : memref<512xi32, #tpu.memory_space<hbm>>) dst(%arg8 : memref<512xi32, #tpu.memory_space<vmem>>)
    %dma_wait3A_9 = tpu.memref_slice %arg5[%mul3A_2] : memref<16384xi32, #tpu.memory_space<hbm>> -> memref<512xi32, #tpu.memory_space<hbm>>
    %dma_wait3A_10 = tpu.memref_slice %arg5[%mul3A_2] : memref<16384xi32, #tpu.memory_space<hbm>> -> memref<512xi32, #tpu.memory_space<hbm>>
    tpu.wait_dma2 semaphore(%arg14 : memref<!tpu.dma_semaphore, #tpu.memory_space<semaphore_mem>>) src(%dma_wait3A_10 : memref<512xi32, #tpu.memory_space<hbm>>) dst(%arg9 : memref<512xi32, #tpu.memory_space<vmem>>)
    %iota3A = tpu.iota {dimensions = array<i32: 0>} : vector<16xi32>
    %add3A_11 = arith.constant 0 : i32
    %add3A_12 = vector.broadcast %add3A_11 : i32 to vector<16xi32>
    %add3A_13 = arith.addi %add3A_12, %iota3A : vector<16xi32>
    %add3A_14 = arith.constant 16 : i32
    %add3A_15 = vector.broadcast %add3A_14 : i32 to vector<16xi32>
    %add3A_16 = arith.addi %add3A_15, %iota3A : vector<16xi32>
    %add3A_17 = arith.constant 32 : i32
    %add3A_18 = vector.broadcast %add3A_17 : i32 to vector<16xi32>
    %add3A_19 = arith.addi %add3A_18, %iota3A : vector<16xi32>
    %add3A_20 = arith.constant 48 : i32
    %add3A_21 = vector.broadcast %add3A_20 : i32 to vector<16xi32>
    %add3A_22 = arith.addi %add3A_21, %iota3A : vector<16xi32>
    %broadcast_in_dim3A = arith.constant 0.000000e+00 : f32
    %broadcast_in_dim3A_23 = vector.broadcast %broadcast_in_dim3A : f32 to vector<16xf32>
    %broadcast_in_dim3A_24 = arith.constant 0.000000e+00 : f32
    %broadcast_in_dim3A_25 = vector.broadcast %broadcast_in_dim3A_24 : f32 to vector<16xf32>
    %broadcast_in_dim3A_26 = arith.constant 0.000000e+00 : f32
    %broadcast_in_dim3A_27 = vector.broadcast %broadcast_in_dim3A_26 : f32 to vector<16xf32>
    %broadcast_in_dim3A_28 = arith.constant 0.000000e+00 : f32
    %broadcast_in_dim3A_29 = vector.broadcast %broadcast_in_dim3A_28 : f32 to vector<16xf32>
    %dma_start3A_30 = arith.constant 0 : i32
    %dma_start3A_31 = arith.constant 0 : i32
    %dma_start3A_32 = arith.constant 0 : i32
    %dma_start3A_33 = tpu.memref_slice %arg11[%dma_start3A_30, %dma_start3A_31, %dma_start3A_32] : memref<4x64x128xf32, #tpu.memory_space<vmem>> -> memref<1x64x128xf32, #tpu.memory_space<vmem>>
    %dma_start3A_34 = tpu.memref_squeeze %dma_start3A_33 : memref<1x64x128xf32, #tpu.memory_space<vmem>> -> memref<64x128xf32, #tpu.memory_space<vmem>>
    %dma_start3A_35 = arith.constant 0 : i32
    %dma_start3A_36 = tpu.memref_slice %arg8[%dma_start3A_35] : memref<512xi32, #tpu.memory_space<vmem>> -> memref<64xi32, #tpu.memory_space<vmem>>
    %dma_start3A_37 = arith.constant 0 : i32
    %dma_start3A_38 = arith.constant 0 : i32
    %dma_start3A_39 = tpu.memref_slice %arg2[%dma_start3A_37, %dma_start3A_38] : memref<100000x128xf32, #tpu.memory_space<hbm>> -> memref<100000x128xf32, #tpu.memory_space<hbm>>
    tpu.enqueue_indirect_dma source(%dma_start3A_39 : memref<100000x128xf32, #tpu.memory_space<hbm>>) target(%dma_start3A_34 : memref<64x128xf32, #tpu.memory_space<vmem>>) offsets(%dma_start3A_36 : memref<64xi32, #tpu.memory_space<vmem>>) semaphore(%arg15 : memref<!tpu.dma_semaphore, #tpu.memory_space<semaphore_mem>>)
    %dma_start3A_40 = arith.constant 0 : i32
    %dma_start3A_41 = arith.constant 0 : i32
    %dma_start3A_42 = arith.constant 0 : i32
    %dma_start3A_43 = tpu.memref_slice %arg12[%dma_start3A_40, %dma_start3A_41, %dma_start3A_42] : memref<4x64x128xf32, #tpu.memory_space<vmem>> -> memref<1x64x128xf32, #tpu.memory_space<vmem>>
    %dma_start3A_44 = tpu.memref_squeeze %dma_start3A_43 : memref<1x64x128xf32, #tpu.memory_space<vmem>> -> memref<64x128xf32, #tpu.memory_space<vmem>>
    %dma_start3A_45 = arith.constant 0 : i32
    %dma_start3A_46 = tpu.memref_slice %arg9[%dma_start3A_45] : memref<512xi32, #tpu.memory_space<vmem>> -> memref<64xi32, #tpu.memory_space<vmem>>
    %dma_start3A_47 = arith.constant 0 : i32
    %dma_start3A_48 = arith.constant 0 : i32
    %dma_start3A_49 = tpu.memref_slice %arg3[%dma_start3A_47, %dma_start3A_48] : memref<100000x128xf32, #tpu.memory_space<hbm>> -> memref<100000x128xf32, #tpu.memory_space<hbm>>
    tpu.enqueue_indirect_dma source(%dma_start3A_49 : memref<100000x128xf32, #tpu.memory_space<hbm>>) target(%dma_start3A_44 : memref<64x128xf32, #tpu.memory_space<vmem>>) offsets(%dma_start3A_46 : memref<64xi32, #tpu.memory_space<vmem>>) semaphore(%arg15 : memref<!tpu.dma_semaphore, #tpu.memory_space<semaphore_mem>>)
    %dma_start3A_50 = arith.constant 1 : i32
    %dma_start3A_51 = arith.constant 0 : i32
    %dma_start3A_52 = arith.constant 0 : i32
    %dma_start3A_53 = tpu.memref_slice %arg11[%dma_start3A_50, %dma_start3A_51, %dma_start3A_52] : memref<4x64x128xf32, #tpu.memory_space<vmem>> -> memref<1x64x128xf32, #tpu.memory_space<vmem>>
    %dma_start3A_54 = tpu.memref_squeeze %dma_start3A_53 : memref<1x64x128xf32, #tpu.memory_space<vmem>> -> memref<64x128xf32, #tpu.memory_space<vmem>>
    %dma_start3A_55 = arith.constant 64 : i32
    %dma_start3A_56 = tpu.memref_slice %arg8[%dma_start3A_55] : memref<512xi32, #tpu.memory_space<vmem>> -> memref<64xi32, #tpu.memory_space<vmem>>
    %dma_start3A_57 = arith.constant 0 : i32
    %dma_start3A_58 = arith.constant 0 : i32
    %dma_start3A_59 = tpu.memref_slice %arg2[%dma_start3A_57, %dma_start3A_58] : memref<100000x128xf32, #tpu.memory_space<hbm>> -> memref<100000x128xf32, #tpu.memory_space<hbm>>
    tpu.enqueue_indirect_dma source(%dma_start3A_59 : memref<100000x128xf32, #tpu.memory_space<hbm>>) target(%dma_start3A_54 : memref<64x128xf32, #tpu.memory_space<vmem>>) offsets(%dma_start3A_56 : memref<64xi32, #tpu.memory_space<vmem>>) semaphore(%arg16 : memref<!tpu.dma_semaphore, #tpu.memory_space<semaphore_mem>>)
    %dma_start3A_60 = arith.constant 1 : i32
    %dma_start3A_61 = arith.constant 0 : i32
    %dma_start3A_62 = arith.constant 0 : i32
    %dma_start3A_63 = tpu.memref_slice %arg12[%dma_start3A_60, %dma_start3A_61, %dma_start3A_62] : memref<4x64x128xf32, #tpu.memory_space<vmem>> -> memref<1x64x128xf32, #tpu.memory_space<vmem>>
    %dma_start3A_64 = tpu.memref_squeeze %dma_start3A_63 : memref<1x64x128xf32, #tpu.memory_space<vmem>> -> memref<64x128xf32, #tpu.memory_space<vmem>>
    %dma_start3A_65 = arith.constant 64 : i32
    %dma_start3A_66 = tpu.memref_slice %arg9[%dma_start3A_65] : memref<512xi32, #tpu.memory_space<vmem>> -> memref<64xi32, #tpu.memory_space<vmem>>
    %dma_start3A_67 = arith.constant 0 : i32
    %dma_start3A_68 = arith.constant 0 : i32
    %dma_start3A_69 = tpu.memref_slice %arg3[%dma_start3A_67, %dma_start3A_68] : memref<100000x128xf32, #tpu.memory_space<hbm>> -> memref<100000x128xf32, #tpu.memory_space<hbm>>
    tpu.enqueue_indirect_dma source(%dma_start3A_69 : memref<100000x128xf32, #tpu.memory_space<hbm>>) target(%dma_start3A_64 : memref<64x128xf32, #tpu.memory_space<vmem>>) offsets(%dma_start3A_66 : memref<64xi32, #tpu.memory_space<vmem>>) semaphore(%arg16 : memref<!tpu.dma_semaphore, #tpu.memory_space<semaphore_mem>>)
    %dma_start3A_70 = arith.constant 2 : i32
    %dma_start3A_71 = arith.constant 0 : i32
    %dma_start3A_72 = arith.constant 0 : i32
    %dma_start3A_73 = tpu.memref_slice %arg11[%dma_start3A_70, %dma_start3A_71, %dma_start3A_72] : memref<4x64x128xf32, #tpu.memory_space<vmem>> -> memref<1x64x128xf32, #tpu.memory_space<vmem>>
    %dma_start3A_74 = tpu.memref_squeeze %dma_start3A_73 : memref<1x64x128xf32, #tpu.memory_space<vmem>> -> memref<64x128xf32, #tpu.memory_space<vmem>>
    %dma_start3A_75 = arith.constant 128 : i32
    %dma_start3A_76 = tpu.memref_slice %arg8[%dma_start3A_75] : memref<512xi32, #tpu.memory_space<vmem>> -> memref<64xi32, #tpu.memory_space<vmem>>
    %dma_start3A_77 = arith.constant 0 : i32
    %dma_start3A_78 = arith.constant 0 : i32
    %dma_start3A_79 = tpu.memref_slice %arg2[%dma_start3A_77, %dma_start3A_78] : memref<100000x128xf32, #tpu.memory_space<hbm>> -> memref<100000x128xf32, #tpu.memory_space<hbm>>
    tpu.enqueue_indirect_dma source(%dma_start3A_79 : memref<100000x128xf32, #tpu.memory_space<hbm>>) target(%dma_start3A_74 : memref<64x128xf32, #tpu.memory_space<vmem>>) offsets(%dma_start3A_76 : memref<64xi32, #tpu.memory_space<vmem>>) semaphore(%arg17 : memref<!tpu.dma_semaphore, #tpu.memory_space<semaphore_mem>>)
    %dma_start3A_80 = arith.constant 2 : i32
    %dma_start3A_81 = arith.constant 0 : i32
    %dma_start3A_82 = arith.constant 0 : i32
    %dma_start3A_83 = tpu.memref_slice %arg12[%dma_start3A_80, %dma_start3A_81, %dma_start3A_82] : memref<4x64x128xf32, #tpu.memory_space<vmem>> -> memref<1x64x128xf32, #tpu.memory_space<vmem>>
    %dma_start3A_84 = tpu.memref_squeeze %dma_start3A_83 : memref<1x64x128xf32, #tpu.memory_space<vmem>> -> memref<64x128xf32, #tpu.memory_space<vmem>>
    %dma_start3A_85 = arith.constant 128 : i32
    %dma_start3A_86 = tpu.memref_slice %arg9[%dma_start3A_85] : memref<512xi32, #tpu.memory_space<vmem>> -> memref<64xi32, #tpu.memory_space<vmem>>
    %dma_start3A_87 = arith.constant 0 : i32
    %dma_start3A_88 = arith.constant 0 : i32
    %dma_start3A_89 = tpu.memref_slice %arg3[%dma_start3A_87, %dma_start3A_88] : memref<100000x128xf32, #tpu.memory_space<hbm>> -> memref<100000x128xf32, #tpu.memory_space<hbm>>
    tpu.enqueue_indirect_dma source(%dma_start3A_89 : memref<100000x128xf32, #tpu.memory_space<hbm>>) target(%dma_start3A_84 : memref<64x128xf32, #tpu.memory_space<vmem>>) offsets(%dma_start3A_86 : memref<64xi32, #tpu.memory_space<vmem>>) semaphore(%arg17 : memref<!tpu.dma_semaphore, #tpu.memory_space<semaphore_mem>>)
    %dma_start3A_90 = arith.constant 3 : i32
    %dma_start3A_91 = arith.constant 0 : i32
    %dma_start3A_92 = arith.constant 0 : i32
    %dma_start3A_93 = tpu.memref_slice %arg11[%dma_start3A_90, %dma_start3A_91, %dma_start3A_92] : memref<4x64x128xf32, #tpu.memory_space<vmem>> -> memref<1x64x128xf32, #tpu.memory_space<vmem>>
    %dma_start3A_94 = tpu.memref_squeeze %dma_start3A_93 : memref<1x64x128xf32, #tpu.memory_space<vmem>> -> memref<64x128xf32, #tpu.memory_space<vmem>>
    %dma_start3A_95 = arith.constant 192 : i32
    %dma_start3A_96 = tpu.memref_slice %arg8[%dma_start3A_95] : memref<512xi32, #tpu.memory_space<vmem>> -> memref<64xi32, #tpu.memory_space<vmem>>
    %dma_start3A_97 = arith.constant 0 : i32
    %dma_start3A_98 = arith.constant 0 : i32
    %dma_start3A_99 = tpu.memref_slice %arg2[%dma_start3A_97, %dma_start3A_98] : memref<100000x128xf32, #tpu.memory_space<hbm>> -> memref<100000x128xf32, #tpu.memory_space<hbm>>
    tpu.enqueue_indirect_dma source(%dma_start3A_99 : memref<100000x128xf32, #tpu.memory_space<hbm>>) target(%dma_start3A_94 : memref<64x128xf32, #tpu.memory_space<vmem>>) offsets(%dma_start3A_96 : memref<64xi32, #tpu.memory_space<vmem>>) semaphore(%arg18 : memref<!tpu.dma_semaphore, #tpu.memory_space<semaphore_mem>>)
    %dma_start3A_100 = arith.constant 3 : i32
    %dma_start3A_101 = arith.constant 0 : i32
    %dma_start3A_102 = arith.constant 0 : i32
    %dma_start3A_103 = tpu.memref_slice %arg12[%dma_start3A_100, %dma_start3A_101, %dma_start3A_102] : memref<4x64x128xf32, #tpu.memory_space<vmem>> -> memref<1x64x128xf32, #tpu.memory_space<vmem>>
    %dma_start3A_104 = tpu.memref_squeeze %dma_start3A_103 : memref<1x64x128xf32, #tpu.memory_space<vmem>> -> memref<64x128xf32, #tpu.memory_space<vmem>>
    %dma_start3A_105 = arith.constant 192 : i32
    %dma_start3A_106 = tpu.memref_slice %arg9[%dma_start3A_105] : memref<512xi32, #tpu.memory_space<vmem>> -> memref<64xi32, #tpu.memory_space<vmem>>
    %dma_start3A_107 = arith.constant 0 : i32
    %dma_start3A_108 = arith.constant 0 : i32
    %dma_start3A_109 = tpu.memref_slice %arg3[%dma_start3A_107, %dma_start3A_108] : memref<100000x128xf32, #tpu.memory_space<hbm>> -> memref<100000x128xf32, #tpu.memory_space<hbm>>
    tpu.enqueue_indirect_dma source(%dma_start3A_109 : memref<100000x128xf32, #tpu.memory_space<hbm>>) target(%dma_start3A_104 : memref<64x128xf32, #tpu.memory_space<vmem>>) offsets(%dma_start3A_106 : memref<64xi32, #tpu.memory_space<vmem>>) semaphore(%arg18 : memref<!tpu.dma_semaphore, #tpu.memory_space<semaphore_mem>>)
    %dma_wait3A_110 = tpu.memref_slice %arg6[%mul3A_2] : memref<16384xf32, #tpu.memory_space<hbm>> -> memref<512xf32, #tpu.memory_space<hbm>>
    %dma_wait3A_111 = tpu.memref_slice %arg6[%mul3A_2] : memref<16384xf32, #tpu.memory_space<hbm>> -> memref<512xf32, #tpu.memory_space<hbm>>
    tpu.wait_dma2 semaphore(%arg14 : memref<!tpu.dma_semaphore, #tpu.memory_space<semaphore_mem>>) src(%dma_wait3A_111 : memref<512xf32, #tpu.memory_space<hbm>>) dst(%arg10 : memref<512xf32, #tpu.memory_space<vmem>>)
    %dma_wait3A_112 = arith.constant 0 : i32
    %dma_wait3A_113 = arith.constant 0 : i32
    %dma_wait3A_114 = arith.constant 0 : i32
    %dma_wait3A_115 = tpu.memref_slice %arg11[%dma_wait3A_112, %dma_wait3A_113, %dma_wait3A_114] : memref<4x64x128xf32, #tpu.memory_space<vmem>> -> memref<1x64x128xf32, #tpu.memory_space<vmem>>
    %dma_wait3A_116 = tpu.memref_squeeze %dma_wait3A_115 : memref<1x64x128xf32, #tpu.memory_space<vmem>> -> memref<64x128xf32, #tpu.memory_space<vmem>>
    %dma_wait3A_117 = arith.constant 0 : i32
    %dma_wait3A_118 = tpu.memref_slice %arg8[%dma_wait3A_117] : memref<512xi32, #tpu.memory_space<vmem>> -> memref<64xi32, #tpu.memory_space<vmem>>
    %dma_wait3A_119 = arith.constant 0 : i32
    %dma_wait3A_120 = arith.constant 0 : i32
    %dma_wait3A_121 = tpu.memref_slice %arg2[%dma_wait3A_119, %dma_wait3A_120] : memref<100000x128xf32, #tpu.memory_space<hbm>> -> memref<100000x128xf32, #tpu.memory_space<hbm>>
    tpu.wait_indirect_dma semaphore(%arg15 : memref<!tpu.dma_semaphore, #tpu.memory_space<semaphore_mem>>) src(%dma_wait3A_121 : memref<100000x128xf32, #tpu.memory_space<hbm>>) dst(%dma_wait3A_116 : memref<64x128xf32, #tpu.memory_space<vmem>>)
    %dma_wait3A_122 = arith.constant 0 : i32
    %dma_wait3A_123 = arith.constant 0 : i32
    %dma_wait3A_124 = arith.constant 0 : i32
    %dma_wait3A_125 = tpu.memref_slice %arg12[%dma_wait3A_122, %dma_wait3A_123, %dma_wait3A_124] : memref<4x64x128xf32, #tpu.memory_space<vmem>> -> memref<1x64x128xf32, #tpu.memory_space<vmem>>
    %dma_wait3A_126 = tpu.memref_squeeze %dma_wait3A_125 : memref<1x64x128xf32, #tpu.memory_space<vmem>> -> memref<64x128xf32, #tpu.memory_space<vmem>>
    %dma_wait3A_127 = arith.constant 0 : i32
    %dma_wait3A_128 = tpu.memref_slice %arg9[%dma_wait3A_127] : memref<512xi32, #tpu.memory_space<vmem>> -> memref<64xi32, #tpu.memory_space<vmem>>
    %dma_wait3A_129 = arith.constant 0 : i32
    %dma_wait3A_130 = arith.constant 0 : i32
    %dma_wait3A_131 = tpu.memref_slice %arg3[%dma_wait3A_129, %dma_wait3A_130] : memref<100000x128xf32, #tpu.memory_space<hbm>> -> memref<100000x128xf32, #tpu.memory_space<hbm>>
    tpu.wait_indirect_dma semaphore(%arg15 : memref<!tpu.dma_semaphore, #tpu.memory_space<semaphore_mem>>) src(%dma_wait3A_131 : memref<100000x128xf32, #tpu.memory_space<hbm>>) dst(%dma_wait3A_126 : memref<64x128xf32, #tpu.memory_space<vmem>>)
    %parallel_loop3A = arith.constant 0 : i32
    %parallel_loop3A_132 = arith.constant 128 : i32
    %parallel_loop3A_133 = arith.constant 1 : i32
    %parallel_loop3A_134 = arith.constant 0 : i32
    %parallel_loop3A_135 = arith.constant 0 : i32
    %parallel_loop3A_136:4 = scf.for %parallel_loop3A_781 = %parallel_loop3A to %parallel_loop3A_132 step %parallel_loop3A_133 iter_args(%parallel_loop3A_782 = %broadcast_in_dim3A_23, %parallel_loop3A_783 = %broadcast_in_dim3A_25, %parallel_loop3A_784 = %broadcast_in_dim3A_27, %parallel_loop3A_785 = %broadcast_in_dim3A_29) -> (vector<16xf32>, vector<16xf32>, vector<16xf32>, vector<16xf32>)  : i32 {
      %parallel_loop3A_786 = vector.broadcast %parallel_loop3A_781 : i32 to vector<16xi32>
      %parallel_loop3A_787 = arith.addi %parallel_loop3A_786, %iota3A : vector<16xi32>
      %parallel_loop3A_788 = arith.constant 127 : i32
      %parallel_loop3A_789 = vector.broadcast %parallel_loop3A_788 : i32 to vector<16xi32>
      %parallel_loop3A_790 = arith.andi %parallel_loop3A_787, %parallel_loop3A_789 : vector<16xi32>
      %parallel_loop3A_791 = arith.constant 0 : i32
      %parallel_loop3A_792 = arith.constant 0 : i32
      %parallel_loop3A_793 = tpu.memref_slice %arg11[%parallel_loop3A_134, %parallel_loop3A_791, %parallel_loop3A_792] : memref<4x64x128xf32, #tpu.memory_space<vmem>> -> memref<1x64x128xf32, #tpu.memory_space<vmem>>
      %parallel_loop3A_794 = tpu.memref_squeeze %parallel_loop3A_793 : memref<1x64x128xf32, #tpu.memory_space<vmem>> -> memref<64x128xf32, #tpu.memory_space<vmem>>
      %parallel_loop3A_795 = tpu.vector_load_idx %parallel_loop3A_794[%add3A_13, %parallel_loop3A_790] : memref<64x128xf32, #tpu.memory_space<vmem>>[vector<16xi32>, vector<16xi32>], vector<16xf32>,
      %parallel_loop3A_796 = arith.constant 0 : i32
      %parallel_loop3A_797 = arith.constant 0 : i32
      %parallel_loop3A_798 = tpu.memref_slice %arg12[%parallel_loop3A_135, %parallel_loop3A_796, %parallel_loop3A_797] : memref<4x64x128xf32, #tpu.memory_space<vmem>> -> memref<1x64x128xf32, #tpu.memory_space<vmem>>
      %parallel_loop3A_799 = tpu.memref_squeeze %parallel_loop3A_798 : memref<1x64x128xf32, #tpu.memory_space<vmem>> -> memref<64x128xf32, #tpu.memory_space<vmem>>
      %parallel_loop3A_800 = tpu.vector_load_idx %parallel_loop3A_799[%add3A_13, %parallel_loop3A_790] : memref<64x128xf32, #tpu.memory_space<vmem>>[vector<16xi32>, vector<16xi32>], vector<16xf32>,
      %parallel_loop3A_801 = arith.mulf %parallel_loop3A_795, %parallel_loop3A_800 : vector<16xf32>
      %parallel_loop3A_802 = arith.addf %parallel_loop3A_782, %parallel_loop3A_801 : vector<16xf32>
      %parallel_loop3A_803 = arith.constant 0 : i32
      %parallel_loop3A_804 = arith.constant 0 : i32
      %parallel_loop3A_805 = tpu.memref_slice %arg11[%parallel_loop3A_134, %parallel_loop3A_803, %parallel_loop3A_804] : memref<4x64x128xf32, #tpu.memory_space<vmem>> -> memref<1x64x128xf32, #tpu.memory_space<vmem>>
      %parallel_loop3A_806 = tpu.memref_squeeze %parallel_loop3A_805 : memref<1x64x128xf32, #tpu.memory_space<vmem>> -> memref<64x128xf32, #tpu.memory_space<vmem>>
      %parallel_loop3A_807 = tpu.vector_load_idx %parallel_loop3A_806[%add3A_16, %parallel_loop3A_790] : memref<64x128xf32, #tpu.memory_space<vmem>>[vector<16xi32>, vector<16xi32>], vector<16xf32>,
      %parallel_loop3A_808 = arith.constant 0 : i32
      %parallel_loop3A_809 = arith.constant 0 : i32
      %parallel_loop3A_810 = tpu.memref_slice %arg12[%parallel_loop3A_135, %parallel_loop3A_808, %parallel_loop3A_809] : memref<4x64x128xf32, #tpu.memory_space<vmem>> -> memref<1x64x128xf32, #tpu.memory_space<vmem>>
      %parallel_loop3A_811 = tpu.memref_squeeze %parallel_loop3A_810 : memref<1x64x128xf32, #tpu.memory_space<vmem>> -> memref<64x128xf32, #tpu.memory_space<vmem>>
      %parallel_loop3A_812 = tpu.vector_load_idx %parallel_loop3A_811[%add3A_16, %parallel_loop3A_790] : memref<64x128xf32, #tpu.memory_space<vmem>>[vector<16xi32>, vector<16xi32>], vector<16xf32>,
      %parallel_loop3A_813 = arith.mulf %parallel_loop3A_807, %parallel_loop3A_812 : vector<16xf32>
      %parallel_loop3A_814 = arith.addf %parallel_loop3A_783, %parallel_loop3A_813 : vector<16xf32>
      %parallel_loop3A_815 = arith.constant 0 : i32
      %parallel_loop3A_816 = arith.constant 0 : i32
      %parallel_loop3A_817 = tpu.memref_slice %arg11[%parallel_loop3A_134, %parallel_loop3A_815, %parallel_loop3A_816] : memref<4x64x128xf32, #tpu.memory_space<vmem>> -> memref<1x64x128xf32, #tpu.memory_space<vmem>>
      %parallel_loop3A_818 = tpu.memref_squeeze %parallel_loop3A_817 : memref<1x64x128xf32, #tpu.memory_space<vmem>> -> memref<64x128xf32, #tpu.memory_space<vmem>>
      %parallel_loop3A_819 = tpu.vector_load_idx %parallel_loop3A_818[%add3A_19, %parallel_loop3A_790] : memref<64x128xf32, #tpu.memory_space<vmem>>[vector<16xi32>, vector<16xi32>], vector<16xf32>,
      %parallel_loop3A_820 = arith.constant 0 : i32
      %parallel_loop3A_821 = arith.constant 0 : i32
      %parallel_loop3A_822 = tpu.memref_slice %arg12[%parallel_loop3A_135, %parallel_loop3A_820, %parallel_loop3A_821] : memref<4x64x128xf32, #tpu.memory_space<vmem>> -> memref<1x64x128xf32, #tpu.memory_space<vmem>>
      %parallel_loop3A_823 = tpu.memref_squeeze %parallel_loop3A_822 : memref<1x64x128xf32, #tpu.memory_space<vmem>> -> memref<64x128xf32, #tpu.memory_space<vmem>>
      %parallel_loop3A_824 = tpu.vector_load_idx %parallel_loop3A_823[%add3A_19, %parallel_loop3A_790] : memref<64x128xf32, #tpu.memory_space<vmem>>[vector<16xi32>, vector<16xi32>], vector<16xf32>,
      %parallel_loop3A_825 = arith.mulf %parallel_loop3A_819, %parallel_loop3A_824 : vector<16xf32>
      %parallel_loop3A_826 = arith.addf %parallel_loop3A_784, %parallel_loop3A_825 : vector<16xf32>
      %parallel_loop3A_827 = arith.constant 0 : i32
      %parallel_loop3A_828 = arith.constant 0 : i32
      %parallel_loop3A_829 = tpu.memref_slice %arg11[%parallel_loop3A_134, %parallel_loop3A_827, %parallel_loop3A_828] : memref<4x64x128xf32, #tpu.memory_space<vmem>> -> memref<1x64x128xf32, #tpu.memory_space<vmem>>
      %parallel_loop3A_830 = tpu.memref_squeeze %parallel_loop3A_829 : memref<1x64x128xf32, #tpu.memory_space<vmem>> -> memref<64x128xf32, #tpu.memory_space<vmem>>
      %parallel_loop3A_831 = tpu.vector_load_idx %parallel_loop3A_830[%add3A_22, %parallel_loop3A_790] : memref<64x128xf32, #tpu.memory_space<vmem>>[vector<16xi32>, vector<16xi32>], vector<16xf32>,
      %parallel_loop3A_832 = arith.constant 0 : i32
      %parallel_loop3A_833 = arith.constant 0 : i32
      %parallel_loop3A_834 = tpu.memref_slice %arg12[%parallel_loop3A_135, %parallel_loop3A_832, %parallel_loop3A_833] : memref<4x64x128xf32, #tpu.memory_space<vmem>> -> memref<1x64x128xf32, #tpu.memory_space<vmem>>
      %parallel_loop3A_835 = tpu.memref_squeeze %parallel_loop3A_834 : memref<1x64x128xf32, #tpu.memory_space<vmem>> -> memref<64x128xf32, #tpu.memory_space<vmem>>
      %parallel_loop3A_836 = tpu.vector_load_idx %parallel_loop3A_835[%add3A_22, %parallel_loop3A_790] : memref<64x128xf32, #tpu.memory_space<vmem>>[vector<16xi32>, vector<16xi32>], vector<16xf32>,
      %parallel_loop3A_837 = arith.mulf %parallel_loop3A_831, %parallel_loop3A_836 : vector<16xf32>
      %parallel_loop3A_838 = arith.addf %parallel_loop3A_785, %parallel_loop3A_837 : vector<16xf32>
      scf.yield %parallel_loop3A_802, %parallel_loop3A_814, %parallel_loop3A_826, %parallel_loop3A_838 : vector<16xf32>, vector<16xf32>, vector<16xf32>, vector<16xf32>
    } {sc.loop_unroll_factor = 2 : i64, sc.parallel_access}
    %dma_start3A_137 = arith.constant 0 : i32
    %dma_start3A_138 = arith.constant 0 : i32
    %dma_start3A_139 = arith.constant 0 : i32
    %dma_start3A_140 = tpu.memref_slice %arg11[%dma_start3A_137, %dma_start3A_138, %dma_start3A_139] : memref<4x64x128xf32, #tpu.memory_space<vmem>> -> memref<1x64x128xf32, #tpu.memory_space<vmem>>
    %dma_start3A_141 = tpu.memref_squeeze %dma_start3A_140 : memref<1x64x128xf32, #tpu.memory_space<vmem>> -> memref<64x128xf32, #tpu.memory_space<vmem>>
    %dma_start3A_142 = arith.constant 256 : i32
    %dma_start3A_143 = tpu.memref_slice %arg8[%dma_start3A_142] : memref<512xi32, #tpu.memory_space<vmem>> -> memref<64xi32, #tpu.memory_space<vmem>>
    %dma_start3A_144 = arith.constant 0 : i32
    %dma_start3A_145 = arith.constant 0 : i32
    %dma_start3A_146 = tpu.memref_slice %arg2[%dma_start3A_144, %dma_start3A_145] : memref<100000x128xf32, #tpu.memory_space<hbm>> -> memref<100000x128xf32, #tpu.memory_space<hbm>>
    tpu.enqueue_indirect_dma source(%dma_start3A_146 : memref<100000x128xf32, #tpu.memory_space<hbm>>) target(%dma_start3A_141 : memref<64x128xf32, #tpu.memory_space<vmem>>) offsets(%dma_start3A_143 : memref<64xi32, #tpu.memory_space<vmem>>) semaphore(%arg15 : memref<!tpu.dma_semaphore, #tpu.memory_space<semaphore_mem>>)
    %dma_start3A_147 = arith.constant 0 : i32
    %dma_start3A_148 = arith.constant 0 : i32
    %dma_start3A_149 = arith.constant 0 : i32
    %dma_start3A_150 = tpu.memref_slice %arg12[%dma_start3A_147, %dma_start3A_148, %dma_start3A_149] : memref<4x64x128xf32, #tpu.memory_space<vmem>> -> memref<1x64x128xf32, #tpu.memory_space<vmem>>
    %dma_start3A_151 = tpu.memref_squeeze %dma_start3A_150 : memref<1x64x128xf32, #tpu.memory_space<vmem>> -> memref<64x128xf32, #tpu.memory_space<vmem>>
    %dma_start3A_152 = arith.constant 256 : i32
    %dma_start3A_153 = tpu.memref_slice %arg9[%dma_start3A_152] : memref<512xi32, #tpu.memory_space<vmem>> -> memref<64xi32, #tpu.memory_space<vmem>>
    %dma_start3A_154 = arith.constant 0 : i32
    %dma_start3A_155 = arith.constant 0 : i32
    %dma_start3A_156 = tpu.memref_slice %arg3[%dma_start3A_154, %dma_start3A_155] : memref<100000x128xf32, #tpu.memory_space<hbm>> -> memref<100000x128xf32, #tpu.memory_space<hbm>>
    tpu.enqueue_indirect_dma source(%dma_start3A_156 : memref<100000x128xf32, #tpu.memory_space<hbm>>) target(%dma_start3A_151 : memref<64x128xf32, #tpu.memory_space<vmem>>) offsets(%dma_start3A_153 : memref<64xi32, #tpu.memory_space<vmem>>) semaphore(%arg15 : memref<!tpu.dma_semaphore, #tpu.memory_space<semaphore_mem>>)
    %get3A = arith.constant 0 : index
    %get3A_157 = tpu.vector_load %arg10[%get3A] {strides = array<i32>} : memref<512xf32, #tpu.memory_space<vmem>>, vector<16xf32>,
    %mul3A_158 = arith.mulf %parallel_loop3A_136#0, %get3A_157 : vector<16xf32>
    %swap3A = arith.constant 0 : index
    %swap3A_159 = tpu.vector_load %arg13[%swap3A] {strides = array<i32>} : memref<512xf32, #tpu.memory_space<vmem>>, vector<16xf32>,
    tpu.vector_store %arg13[%swap3A], %mul3A_158 {strides = array<i32>} : memref<512xf32, #tpu.memory_space<vmem>>, vector<16xf32>,
    %get3A_160 = arith.constant 16 : index
    %get3A_161 = tpu.vector_load %arg10[%get3A_160] {strides = array<i32>} : memref<512xf32, #tpu.memory_space<vmem>>, vector<16xf32>,
    %mul3A_162 = arith.mulf %parallel_loop3A_136#1, %get3A_161 : vector<16xf32>
    %swap3A_163 = arith.constant 16 : index
    %swap3A_164 = tpu.vector_load %arg13[%swap3A_163] {strides = array<i32>} : memref<512xf32, #tpu.memory_space<vmem>>, vector<16xf32>,
    tpu.vector_store %arg13[%swap3A_163], %mul3A_162 {strides = array<i32>} : memref<512xf32, #tpu.memory_space<vmem>>, vector<16xf32>,
    %get3A_165 = arith.constant 32 : index
    %get3A_166 = tpu.vector_load %arg10[%get3A_165] {strides = array<i32>} : memref<512xf32, #tpu.memory_space<vmem>>, vector<16xf32>,
    %mul3A_167 = arith.mulf %parallel_loop3A_136#2, %get3A_166 : vector<16xf32>
    %swap3A_168 = arith.constant 32 : index
    %swap3A_169 = tpu.vector_load %arg13[%swap3A_168] {strides = array<i32>} : memref<512xf32, #tpu.memory_space<vmem>>, vector<16xf32>,
    tpu.vector_store %arg13[%swap3A_168], %mul3A_167 {strides = array<i32>} : memref<512xf32, #tpu.memory_space<vmem>>, vector<16xf32>,
    %get3A_170 = arith.constant 48 : index
    %get3A_171 = tpu.vector_load %arg10[%get3A_170] {strides = array<i32>} : memref<512xf32, #tpu.memory_space<vmem>>, vector<16xf32>,
    %mul3A_172 = arith.mulf %parallel_loop3A_136#3, %get3A_171 : vector<16xf32>
    %swap3A_173 = arith.constant 48 : index
    %swap3A_174 = tpu.vector_load %arg13[%swap3A_173] {strides = array<i32>} : memref<512xf32, #tpu.memory_space<vmem>>, vector<16xf32>,
    tpu.vector_store %arg13[%swap3A_173], %mul3A_172 {strides = array<i32>} : memref<512xf32, #tpu.memory_space<vmem>>, vector<16xf32>,
    %dma_start3A_175 = arith.constant 0 : i32
    %dma_start3A_176 = tpu.memref_slice %arg13[%dma_start3A_175] : memref<512xf32, #tpu.memory_space<vmem>> -> memref<64xf32, #tpu.memory_space<vmem>>
    %dma_start3A_177 = arith.constant 0 : i32
    %dma_start3A_178 = tpu.memref_slice %arg7[%add3A, %dma_start3A_177] : memref<32x512xf32, #tpu.memory_space<hbm>> -> memref<1x512xf32, #tpu.memory_space<hbm>>
    %dma_start3A_179 = tpu.memref_squeeze %dma_start3A_178 : memref<1x512xf32, #tpu.memory_space<hbm>> -> memref<512xf32, #tpu.memory_space<hbm>>
    %dma_start3A_180 = arith.constant 0 : i32
    %dma_start3A_181 = tpu.memref_slice %dma_start3A_179[%dma_start3A_180] : memref<512xf32, #tpu.memory_space<hbm>> -> memref<64xf32, #tpu.memory_space<hbm>>
    %dma_start3A_182 = arith.constant 0 : i32
    %dma_start3A_183 = tpu.memref_slice %arg7[%add3A, %dma_start3A_182] : memref<32x512xf32, #tpu.memory_space<hbm>> -> memref<1x512xf32, #tpu.memory_space<hbm>>
    %dma_start3A_184 = tpu.memref_squeeze %dma_start3A_183 : memref<1x512xf32, #tpu.memory_space<hbm>> -> memref<512xf32, #tpu.memory_space<hbm>>
    %dma_start3A_185 = arith.constant 0 : i32
    %dma_start3A_186 = tpu.memref_slice %dma_start3A_184[%dma_start3A_185] : memref<512xf32, #tpu.memory_space<hbm>> -> memref<64xf32, #tpu.memory_space<hbm>>
    %dma_start3A_187 = arith.constant 0 : i32
    %dma_start3A_188 = tpu.memref_slice %arg13[%dma_start3A_187] : memref<512xf32, #tpu.memory_space<vmem>> -> memref<64xf32, #tpu.memory_space<vmem>>
    tpu.enqueue_dma source(%dma_start3A_188 : memref<64xf32, #tpu.memory_space<vmem>>) target(%dma_start3A_186 : memref<64xf32, #tpu.memory_space<hbm>>) target_semaphore(%arg14 : memref<!tpu.dma_semaphore, #tpu.memory_space<semaphore_mem>>)
    %dma_wait3A_189 = arith.constant 1 : i32
    %dma_wait3A_190 = arith.constant 0 : i32
    %dma_wait3A_191 = arith.constant 0 : i32
    %dma_wait3A_192 = tpu.memref_slice %arg11[%dma_wait3A_189, %dma_wait3A_190, %dma_wait3A_191] : memref<4x64x128xf32, #tpu.memory_space<vmem>> -> memref<1x64x128xf32, #tpu.memory_space<vmem>>
    %dma_wait3A_193 = tpu.memref_squeeze %dma_wait3A_192 : memref<1x64x128xf32, #tpu.memory_space<vmem>> -> memref<64x128xf32, #tpu.memory_space<vmem>>
    %dma_wait3A_194 = arith.constant 64 : i32
    %dma_wait3A_195 = tpu.memref_slice %arg8[%dma_wait3A_194] : memref<512xi32, #tpu.memory_space<vmem>> -> memref<64xi32, #tpu.memory_space<vmem>>
    %dma_wait3A_196 = arith.constant 0 : i32
    %dma_wait3A_197 = arith.constant 0 : i32
    %dma_wait3A_198 = tpu.memref_slice %arg2[%dma_wait3A_196, %dma_wait3A_197] : memref<100000x128xf32, #tpu.memory_space<hbm>> -> memref<100000x128xf32, #tpu.memory_space<hbm>>
    tpu.wait_indirect_dma semaphore(%arg16 : memref<!tpu.dma_semaphore, #tpu.memory_space<semaphore_mem>>) src(%dma_wait3A_198 : memref<100000x128xf32, #tpu.memory_space<hbm>>) dst(%dma_wait3A_193 : memref<64x128xf32, #tpu.memory_space<vmem>>)
    %dma_wait3A_199 = arith.constant 1 : i32
    %dma_wait3A_200 = arith.constant 0 : i32
    %dma_wait3A_201 = arith.constant 0 : i32
    %dma_wait3A_202 = tpu.memref_slice %arg12[%dma_wait3A_199, %dma_wait3A_200, %dma_wait3A_201] : memref<4x64x128xf32, #tpu.memory_space<vmem>> -> memref<1x64x128xf32, #tpu.memory_space<vmem>>
    %dma_wait3A_203 = tpu.memref_squeeze %dma_wait3A_202 : memref<1x64x128xf32, #tpu.memory_space<vmem>> -> memref<64x128xf32, #tpu.memory_space<vmem>>
    %dma_wait3A_204 = arith.constant 64 : i32
    %dma_wait3A_205 = tpu.memref_slice %arg9[%dma_wait3A_204] : memref<512xi32, #tpu.memory_space<vmem>> -> memref<64xi32, #tpu.memory_space<vmem>>
    %dma_wait3A_206 = arith.constant 0 : i32
    %dma_wait3A_207 = arith.constant 0 : i32
    %dma_wait3A_208 = tpu.memref_slice %arg3[%dma_wait3A_206, %dma_wait3A_207] : memref<100000x128xf32, #tpu.memory_space<hbm>> -> memref<100000x128xf32, #tpu.memory_space<hbm>>
    tpu.wait_indirect_dma semaphore(%arg16 : memref<!tpu.dma_semaphore, #tpu.memory_space<semaphore_mem>>) src(%dma_wait3A_208 : memref<100000x128xf32, #tpu.memory_space<hbm>>) dst(%dma_wait3A_203 : memref<64x128xf32, #tpu.memory_space<vmem>>)
    %parallel_loop3A_209 = arith.constant 0 : i32
    %parallel_loop3A_210 = arith.constant 128 : i32
    %parallel_loop3A_211 = arith.constant 1 : i32
    %parallel_loop3A_212 = arith.constant 1 : i32
    %parallel_loop3A_213 = arith.constant 1 : i32
    %parallel_loop3A_214:4 = scf.for %parallel_loop3A_781 = %parallel_loop3A_209 to %parallel_loop3A_210 step %parallel_loop3A_211 iter_args(%parallel_loop3A_782 = %broadcast_in_dim3A_23, %parallel_loop3A_783 = %broadcast_in_dim3A_25, %parallel_loop3A_784 = %broadcast_in_dim3A_27, %parallel_loop3A_785 = %broadcast_in_dim3A_29) -> (vector<16xf32>, vector<16xf32>, vector<16xf32>, vector<16xf32>)  : i32 {
      %parallel_loop3A_786 = vector.broadcast %parallel_loop3A_781 : i32 to vector<16xi32>
      %parallel_loop3A_787 = arith.addi %parallel_loop3A_786, %iota3A : vector<16xi32>
      %parallel_loop3A_788 = arith.constant 127 : i32
      %parallel_loop3A_789 = vector.broadcast %parallel_loop3A_788 : i32 to vector<16xi32>
      %parallel_loop3A_790 = arith.andi %parallel_loop3A_787, %parallel_loop3A_789 : vector<16xi32>
      %parallel_loop3A_791 = arith.constant 0 : i32
      %parallel_loop3A_792 = arith.constant 0 : i32
      %parallel_loop3A_793 = tpu.memref_slice %arg11[%parallel_loop3A_212, %parallel_loop3A_791, %parallel_loop3A_792] : memref<4x64x128xf32, #tpu.memory_space<vmem>> -> memref<1x64x128xf32, #tpu.memory_space<vmem>>
      %parallel_loop3A_794 = tpu.memref_squeeze %parallel_loop3A_793 : memref<1x64x128xf32, #tpu.memory_space<vmem>> -> memref<64x128xf32, #tpu.memory_space<vmem>>
      %parallel_loop3A_795 = tpu.vector_load_idx %parallel_loop3A_794[%add3A_13, %parallel_loop3A_790] : memref<64x128xf32, #tpu.memory_space<vmem>>[vector<16xi32>, vector<16xi32>], vector<16xf32>,
      %parallel_loop3A_796 = arith.constant 0 : i32
      %parallel_loop3A_797 = arith.constant 0 : i32
      %parallel_loop3A_798 = tpu.memref_slice %arg12[%parallel_loop3A_213, %parallel_loop3A_796, %parallel_loop3A_797] : memref<4x64x128xf32, #tpu.memory_space<vmem>> -> memref<1x64x128xf32, #tpu.memory_space<vmem>>
      %parallel_loop3A_799 = tpu.memref_squeeze %parallel_loop3A_798 : memref<1x64x128xf32, #tpu.memory_space<vmem>> -> memref<64x128xf32, #tpu.memory_space<vmem>>
      %parallel_loop3A_800 = tpu.vector_load_idx %parallel_loop3A_799[%add3A_13, %parallel_loop3A_790] : memref<64x128xf32, #tpu.memory_space<vmem>>[vector<16xi32>, vector<16xi32>], vector<16xf32>,
      %parallel_loop3A_801 = arith.mulf %parallel_loop3A_795, %parallel_loop3A_800 : vector<16xf32>
      %parallel_loop3A_802 = arith.addf %parallel_loop3A_782, %parallel_loop3A_801 : vector<16xf32>
      %parallel_loop3A_803 = arith.constant 0 : i32
      %parallel_loop3A_804 = arith.constant 0 : i32
      %parallel_loop3A_805 = tpu.memref_slice %arg11[%parallel_loop3A_212, %parallel_loop3A_803, %parallel_loop3A_804] : memref<4x64x128xf32, #tpu.memory_space<vmem>> -> memref<1x64x128xf32, #tpu.memory_space<vmem>>
      %parallel_loop3A_806 = tpu.memref_squeeze %parallel_loop3A_805 : memref<1x64x128xf32, #tpu.memory_space<vmem>> -> memref<64x128xf32, #tpu.memory_space<vmem>>
      %parallel_loop3A_807 = tpu.vector_load_idx %parallel_loop3A_806[%add3A_16, %parallel_loop3A_790] : memref<64x128xf32, #tpu.memory_space<vmem>>[vector<16xi32>, vector<16xi32>], vector<16xf32>,
      %parallel_loop3A_808 = arith.constant 0 : i32
      %parallel_loop3A_809 = arith.constant 0 : i32
      %parallel_loop3A_810 = tpu.memref_slice %arg12[%parallel_loop3A_213, %parallel_loop3A_808, %parallel_loop3A_809] : memref<4x64x128xf32, #tpu.memory_space<vmem>> -> memref<1x64x128xf32, #tpu.memory_space<vmem>>
      %parallel_loop3A_811 = tpu.memref_squeeze %parallel_loop3A_810 : memref<1x64x128xf32, #tpu.memory_space<vmem>> -> memref<64x128xf32, #tpu.memory_space<vmem>>
      %parallel_loop3A_812 = tpu.vector_load_idx %parallel_loop3A_811[%add3A_16, %parallel_loop3A_790] : memref<64x128xf32, #tpu.memory_space<vmem>>[vector<16xi32>, vector<16xi32>], vector<16xf32>,
      %parallel_loop3A_813 = arith.mulf %parallel_loop3A_807, %parallel_loop3A_812 : vector<16xf32>
      %parallel_loop3A_814 = arith.addf %parallel_loop3A_783, %parallel_loop3A_813 : vector<16xf32>
      %parallel_loop3A_815 = arith.constant 0 : i32
      %parallel_loop3A_816 = arith.constant 0 : i32
      %parallel_loop3A_817 = tpu.memref_slice %arg11[%parallel_loop3A_212, %parallel_loop3A_815, %parallel_loop3A_816] : memref<4x64x128xf32, #tpu.memory_space<vmem>> -> memref<1x64x128xf32, #tpu.memory_space<vmem>>
      %parallel_loop3A_818 = tpu.memref_squeeze %parallel_loop3A_817 : memref<1x64x128xf32, #tpu.memory_space<vmem>> -> memref<64x128xf32, #tpu.memory_space<vmem>>
      %parallel_loop3A_819 = tpu.vector_load_idx %parallel_loop3A_818[%add3A_19, %parallel_loop3A_790] : memref<64x128xf32, #tpu.memory_space<vmem>>[vector<16xi32>, vector<16xi32>], vector<16xf32>,
      %parallel_loop3A_820 = arith.constant 0 : i32
      %parallel_loop3A_821 = arith.constant 0 : i32
      %parallel_loop3A_822 = tpu.memref_slice %arg12[%parallel_loop3A_213, %parallel_loop3A_820, %parallel_loop3A_821] : memref<4x64x128xf32, #tpu.memory_space<vmem>> -> memref<1x64x128xf32, #tpu.memory_space<vmem>>
      %parallel_loop3A_823 = tpu.memref_squeeze %parallel_loop3A_822 : memref<1x64x128xf32, #tpu.memory_space<vmem>> -> memref<64x128xf32, #tpu.memory_space<vmem>>
      %parallel_loop3A_824 = tpu.vector_load_idx %parallel_loop3A_823[%add3A_19, %parallel_loop3A_790] : memref<64x128xf32, #tpu.memory_space<vmem>>[vector<16xi32>, vector<16xi32>], vector<16xf32>,
      %parallel_loop3A_825 = arith.mulf %parallel_loop3A_819, %parallel_loop3A_824 : vector<16xf32>
      %parallel_loop3A_826 = arith.addf %parallel_loop3A_784, %parallel_loop3A_825 : vector<16xf32>
      %parallel_loop3A_827 = arith.constant 0 : i32
      %parallel_loop3A_828 = arith.constant 0 : i32
      %parallel_loop3A_829 = tpu.memref_slice %arg11[%parallel_loop3A_212, %parallel_loop3A_827, %parallel_loop3A_828] : memref<4x64x128xf32, #tpu.memory_space<vmem>> -> memref<1x64x128xf32, #tpu.memory_space<vmem>>
      %parallel_loop3A_830 = tpu.memref_squeeze %parallel_loop3A_829 : memref<1x64x128xf32, #tpu.memory_space<vmem>> -> memref<64x128xf32, #tpu.memory_space<vmem>>
      %parallel_loop3A_831 = tpu.vector_load_idx %parallel_loop3A_830[%add3A_22, %parallel_loop3A_790] : memref<64x128xf32, #tpu.memory_space<vmem>>[vector<16xi32>, vector<16xi32>], vector<16xf32>,
      %parallel_loop3A_832 = arith.constant 0 : i32
      %parallel_loop3A_833 = arith.constant 0 : i32
      %parallel_loop3A_834 = tpu.memref_slice %arg12[%parallel_loop3A_213, %parallel_loop3A_832, %parallel_loop3A_833] : memref<4x64x128xf32, #tpu.memory_space<vmem>> -> memref<1x64x128xf32, #tpu.memory_space<vmem>>
      %parallel_loop3A_835 = tpu.memref_squeeze %parallel_loop3A_834 : memref<1x64x128xf32, #tpu.memory_space<vmem>> -> memref<64x128xf32, #tpu.memory_space<vmem>>
      %parallel_loop3A_836 = tpu.vector_load_idx %parallel_loop3A_835[%add3A_22, %parallel_loop3A_790] : memref<64x128xf32, #tpu.memory_space<vmem>>[vector<16xi32>, vector<16xi32>], vector<16xf32>,
      %parallel_loop3A_837 = arith.mulf %parallel_loop3A_831, %parallel_loop3A_836 : vector<16xf32>
      %parallel_loop3A_838 = arith.addf %parallel_loop3A_785, %parallel_loop3A_837 : vector<16xf32>
      scf.yield %parallel_loop3A_802, %parallel_loop3A_814, %parallel_loop3A_826, %parallel_loop3A_838 : vector<16xf32>, vector<16xf32>, vector<16xf32>, vector<16xf32>
    } {sc.loop_unroll_factor = 2 : i64, sc.parallel_access}
    %dma_start3A_215 = arith.constant 1 : i32
    %dma_start3A_216 = arith.constant 0 : i32
    %dma_start3A_217 = arith.constant 0 : i32
    %dma_start3A_218 = tpu.memref_slice %arg11[%dma_start3A_215, %dma_start3A_216, %dma_start3A_217] : memref<4x64x128xf32, #tpu.memory_space<vmem>> -> memref<1x64x128xf32, #tpu.memory_space<vmem>>
    %dma_start3A_219 = tpu.memref_squeeze %dma_start3A_218 : memref<1x64x128xf32, #tpu.memory_space<vmem>> -> memref<64x128xf32, #tpu.memory_space<vmem>>
    %dma_start3A_220 = arith.constant 320 : i32
    %dma_start3A_221 = tpu.memref_slice %arg8[%dma_start3A_220] : memref<512xi32, #tpu.memory_space<vmem>> -> memref<64xi32, #tpu.memory_space<vmem>>
    %dma_start3A_222 = arith.constant 0 : i32
    %dma_start3A_223 = arith.constant 0 : i32
    %dma_start3A_224 = tpu.memref_slice %arg2[%dma_start3A_222, %dma_start3A_223] : memref<100000x128xf32, #tpu.memory_space<hbm>> -> memref<100000x128xf32, #tpu.memory_space<hbm>>
    tpu.enqueue_indirect_dma source(%dma_start3A_224 : memref<100000x128xf32, #tpu.memory_space<hbm>>) target(%dma_start3A_219 : memref<64x128xf32, #tpu.memory_space<vmem>>) offsets(%dma_start3A_221 : memref<64xi32, #tpu.memory_space<vmem>>) semaphore(%arg16 : memref<!tpu.dma_semaphore, #tpu.memory_space<semaphore_mem>>)
    %dma_start3A_225 = arith.constant 1 : i32
    %dma_start3A_226 = arith.constant 0 : i32
    %dma_start3A_227 = arith.constant 0 : i32
    %dma_start3A_228 = tpu.memref_slice %arg12[%dma_start3A_225, %dma_start3A_226, %dma_start3A_227] : memref<4x64x128xf32, #tpu.memory_space<vmem>> -> memref<1x64x128xf32, #tpu.memory_space<vmem>>
    %dma_start3A_229 = tpu.memref_squeeze %dma_start3A_228 : memref<1x64x128xf32, #tpu.memory_space<vmem>> -> memref<64x128xf32, #tpu.memory_space<vmem>>
    %dma_start3A_230 = arith.constant 320 : i32
    %dma_start3A_231 = tpu.memref_slice %arg9[%dma_start3A_230] : memref<512xi32, #tpu.memory_space<vmem>> -> memref<64xi32, #tpu.memory_space<vmem>>
    %dma_start3A_232 = arith.constant 0 : i32
    %dma_start3A_233 = arith.constant 0 : i32
    %dma_start3A_234 = tpu.memref_slice %arg3[%dma_start3A_232, %dma_start3A_233] : memref<100000x128xf32, #tpu.memory_space<hbm>> -> memref<100000x128xf32, #tpu.memory_space<hbm>>
    tpu.enqueue_indirect_dma source(%dma_start3A_234 : memref<100000x128xf32, #tpu.memory_space<hbm>>) target(%dma_start3A_229 : memref<64x128xf32, #tpu.memory_space<vmem>>) offsets(%dma_start3A_231 : memref<64xi32, #tpu.memory_space<vmem>>) semaphore(%arg16 : memref<!tpu.dma_semaphore, #tpu.memory_space<semaphore_mem>>)
    %get3A_235 = arith.constant 64 : index
    %get3A_236 = tpu.vector_load %arg10[%get3A_235] {strides = array<i32>} : memref<512xf32, #tpu.memory_space<vmem>>, vector<16xf32>,
    %mul3A_237 = arith.mulf %parallel_loop3A_214#0, %get3A_236 : vector<16xf32>
    %swap3A_238 = arith.constant 64 : index
    %swap3A_239 = tpu.vector_load %arg13[%swap3A_238] {strides = array<i32>} : memref<512xf32, #tpu.memory_space<vmem>>, vector<16xf32>,
    tpu.vector_store %arg13[%swap3A_238], %mul3A_237 {strides = array<i32>} : memref<512xf32, #tpu.memory_space<vmem>>, vector<16xf32>,
    %get3A_240 = arith.constant 80 : index
    %get3A_241 = tpu.vector_load %arg10[%get3A_240] {strides = array<i32>} : memref<512xf32, #tpu.memory_space<vmem>>, vector<16xf32>,
    %mul3A_242 = arith.mulf %parallel_loop3A_214#1, %get3A_241 : vector<16xf32>
    %swap3A_243 = arith.constant 80 : index
    %swap3A_244 = tpu.vector_load %arg13[%swap3A_243] {strides = array<i32>} : memref<512xf32, #tpu.memory_space<vmem>>, vector<16xf32>,
    tpu.vector_store %arg13[%swap3A_243], %mul3A_242 {strides = array<i32>} : memref<512xf32, #tpu.memory_space<vmem>>, vector<16xf32>,
    %get3A_245 = arith.constant 96 : index
    %get3A_246 = tpu.vector_load %arg10[%get3A_245] {strides = array<i32>} : memref<512xf32, #tpu.memory_space<vmem>>, vector<16xf32>,
    %mul3A_247 = arith.mulf %parallel_loop3A_214#2, %get3A_246 : vector<16xf32>
    %swap3A_248 = arith.constant 96 : index
    %swap3A_249 = tpu.vector_load %arg13[%swap3A_248] {strides = array<i32>} : memref<512xf32, #tpu.memory_space<vmem>>, vector<16xf32>,
    tpu.vector_store %arg13[%swap3A_248], %mul3A_247 {strides = array<i32>} : memref<512xf32, #tpu.memory_space<vmem>>, vector<16xf32>,
    %get3A_250 = arith.constant 112 : index
    %get3A_251 = tpu.vector_load %arg10[%get3A_250] {strides = array<i32>} : memref<512xf32, #tpu.memory_space<vmem>>, vector<16xf32>,
    %mul3A_252 = arith.mulf %parallel_loop3A_214#3, %get3A_251 : vector<16xf32>
    %swap3A_253 = arith.constant 112 : index
    %swap3A_254 = tpu.vector_load %arg13[%swap3A_253] {strides = array<i32>} : memref<512xf32, #tpu.memory_space<vmem>>, vector<16xf32>,
    tpu.vector_store %arg13[%swap3A_253], %mul3A_252 {strides = array<i32>} : memref<512xf32, #tpu.memory_space<vmem>>, vector<16xf32>,
    %dma_start3A_255 = arith.constant 64 : i32
    %dma_start3A_256 = tpu.memref_slice %arg13[%dma_start3A_255] : memref<512xf32, #tpu.memory_space<vmem>> -> memref<64xf32, #tpu.memory_space<vmem>>
    %dma_start3A_257 = arith.constant 0 : i32
    %dma_start3A_258 = tpu.memref_slice %arg7[%add3A, %dma_start3A_257] : memref<32x512xf32, #tpu.memory_space<hbm>> -> memref<1x512xf32, #tpu.memory_space<hbm>>
    %dma_start3A_259 = tpu.memref_squeeze %dma_start3A_258 : memref<1x512xf32, #tpu.memory_space<hbm>> -> memref<512xf32, #tpu.memory_space<hbm>>
    %dma_start3A_260 = arith.constant 64 : i32
    %dma_start3A_261 = tpu.memref_slice %dma_start3A_259[%dma_start3A_260] : memref<512xf32, #tpu.memory_space<hbm>> -> memref<64xf32, #tpu.memory_space<hbm>>
    %dma_start3A_262 = arith.constant 0 : i32
    %dma_start3A_263 = tpu.memref_slice %arg7[%add3A, %dma_start3A_262] : memref<32x512xf32, #tpu.memory_space<hbm>> -> memref<1x512xf32, #tpu.memory_space<hbm>>
    %dma_start3A_264 = tpu.memref_squeeze %dma_start3A_263 : memref<1x512xf32, #tpu.memory_space<hbm>> -> memref<512xf32, #tpu.memory_space<hbm>>
    %dma_start3A_265 = arith.constant 64 : i32
    %dma_start3A_266 = tpu.memref_slice %dma_start3A_264[%dma_start3A_265] : memref<512xf32, #tpu.memory_space<hbm>> -> memref<64xf32, #tpu.memory_space<hbm>>
    %dma_start3A_267 = arith.constant 64 : i32
    %dma_start3A_268 = tpu.memref_slice %arg13[%dma_start3A_267] : memref<512xf32, #tpu.memory_space<vmem>> -> memref<64xf32, #tpu.memory_space<vmem>>
    tpu.enqueue_dma source(%dma_start3A_268 : memref<64xf32, #tpu.memory_space<vmem>>) target(%dma_start3A_266 : memref<64xf32, #tpu.memory_space<hbm>>) target_semaphore(%arg14 : memref<!tpu.dma_semaphore, #tpu.memory_space<semaphore_mem>>)
    %dma_wait3A_269 = arith.constant 2 : i32
    %dma_wait3A_270 = arith.constant 0 : i32
    %dma_wait3A_271 = arith.constant 0 : i32
    %dma_wait3A_272 = tpu.memref_slice %arg11[%dma_wait3A_269, %dma_wait3A_270, %dma_wait3A_271] : memref<4x64x128xf32, #tpu.memory_space<vmem>> -> memref<1x64x128xf32, #tpu.memory_space<vmem>>
    %dma_wait3A_273 = tpu.memref_squeeze %dma_wait3A_272 : memref<1x64x128xf32, #tpu.memory_space<vmem>> -> memref<64x128xf32, #tpu.memory_space<vmem>>
    %dma_wait3A_274 = arith.constant 128 : i32
    %dma_wait3A_275 = tpu.memref_slice %arg8[%dma_wait3A_274] : memref<512xi32, #tpu.memory_space<vmem>> -> memref<64xi32, #tpu.memory_space<vmem>>
    %dma_wait3A_276 = arith.constant 0 : i32
    %dma_wait3A_277 = arith.constant 0 : i32
    %dma_wait3A_278 = tpu.memref_slice %arg2[%dma_wait3A_276, %dma_wait3A_277] : memref<100000x128xf32, #tpu.memory_space<hbm>> -> memref<100000x128xf32, #tpu.memory_space<hbm>>
    tpu.wait_indirect_dma semaphore(%arg17 : memref<!tpu.dma_semaphore, #tpu.memory_space<semaphore_mem>>) src(%dma_wait3A_278 : memref<100000x128xf32, #tpu.memory_space<hbm>>) dst(%dma_wait3A_273 : memref<64x128xf32, #tpu.memory_space<vmem>>)
    %dma_wait3A_279 = arith.constant 2 : i32
    %dma_wait3A_280 = arith.constant 0 : i32
    %dma_wait3A_281 = arith.constant 0 : i32
    %dma_wait3A_282 = tpu.memref_slice %arg12[%dma_wait3A_279, %dma_wait3A_280, %dma_wait3A_281] : memref<4x64x128xf32, #tpu.memory_space<vmem>> -> memref<1x64x128xf32, #tpu.memory_space<vmem>>
    %dma_wait3A_283 = tpu.memref_squeeze %dma_wait3A_282 : memref<1x64x128xf32, #tpu.memory_space<vmem>> -> memref<64x128xf32, #tpu.memory_space<vmem>>
    %dma_wait3A_284 = arith.constant 128 : i32
    %dma_wait3A_285 = tpu.memref_slice %arg9[%dma_wait3A_284] : memref<512xi32, #tpu.memory_space<vmem>> -> memref<64xi32, #tpu.memory_space<vmem>>
    %dma_wait3A_286 = arith.constant 0 : i32
    %dma_wait3A_287 = arith.constant 0 : i32
    %dma_wait3A_288 = tpu.memref_slice %arg3[%dma_wait3A_286, %dma_wait3A_287] : memref<100000x128xf32, #tpu.memory_space<hbm>> -> memref<100000x128xf32, #tpu.memory_space<hbm>>
    tpu.wait_indirect_dma semaphore(%arg17 : memref<!tpu.dma_semaphore, #tpu.memory_space<semaphore_mem>>) src(%dma_wait3A_288 : memref<100000x128xf32, #tpu.memory_space<hbm>>) dst(%dma_wait3A_283 : memref<64x128xf32, #tpu.memory_space<vmem>>)
    %parallel_loop3A_289 = arith.constant 0 : i32
    %parallel_loop3A_290 = arith.constant 128 : i32
    %parallel_loop3A_291 = arith.constant 1 : i32
    %parallel_loop3A_292 = arith.constant 2 : i32
    %parallel_loop3A_293 = arith.constant 2 : i32
    %parallel_loop3A_294:4 = scf.for %parallel_loop3A_781 = %parallel_loop3A_289 to %parallel_loop3A_290 step %parallel_loop3A_291 iter_args(%parallel_loop3A_782 = %broadcast_in_dim3A_23, %parallel_loop3A_783 = %broadcast_in_dim3A_25, %parallel_loop3A_784 = %broadcast_in_dim3A_27, %parallel_loop3A_785 = %broadcast_in_dim3A_29) -> (vector<16xf32>, vector<16xf32>, vector<16xf32>, vector<16xf32>)  : i32 {
      %parallel_loop3A_786 = vector.broadcast %parallel_loop3A_781 : i32 to vector<16xi32>
      %parallel_loop3A_787 = arith.addi %parallel_loop3A_786, %iota3A : vector<16xi32>
      %parallel_loop3A_788 = arith.constant 127 : i32
      %parallel_loop3A_789 = vector.broadcast %parallel_loop3A_788 : i32 to vector<16xi32>
      %parallel_loop3A_790 = arith.andi %parallel_loop3A_787, %parallel_loop3A_789 : vector<16xi32>
      %parallel_loop3A_791 = arith.constant 0 : i32
      %parallel_loop3A_792 = arith.constant 0 : i32
      %parallel_loop3A_793 = tpu.memref_slice %arg11[%parallel_loop3A_292, %parallel_loop3A_791, %parallel_loop3A_792] : memref<4x64x128xf32, #tpu.memory_space<vmem>> -> memref<1x64x128xf32, #tpu.memory_space<vmem>>
      %parallel_loop3A_794 = tpu.memref_squeeze %parallel_loop3A_793 : memref<1x64x128xf32, #tpu.memory_space<vmem>> -> memref<64x128xf32, #tpu.memory_space<vmem>>
      %parallel_loop3A_795 = tpu.vector_load_idx %parallel_loop3A_794[%add3A_13, %parallel_loop3A_790] : memref<64x128xf32, #tpu.memory_space<vmem>>[vector<16xi32>, vector<16xi32>], vector<16xf32>,
      %parallel_loop3A_796 = arith.constant 0 : i32
      %parallel_loop3A_797 = arith.constant 0 : i32
      %parallel_loop3A_798 = tpu.memref_slice %arg12[%parallel_loop3A_293, %parallel_loop3A_796, %parallel_loop3A_797] : memref<4x64x128xf32, #tpu.memory_space<vmem>> -> memref<1x64x128xf32, #tpu.memory_space<vmem>>
      %parallel_loop3A_799 = tpu.memref_squeeze %parallel_loop3A_798 : memref<1x64x128xf32, #tpu.memory_space<vmem>> -> memref<64x128xf32, #tpu.memory_space<vmem>>
      %parallel_loop3A_800 = tpu.vector_load_idx %parallel_loop3A_799[%add3A_13, %parallel_loop3A_790] : memref<64x128xf32, #tpu.memory_space<vmem>>[vector<16xi32>, vector<16xi32>], vector<16xf32>,
      %parallel_loop3A_801 = arith.mulf %parallel_loop3A_795, %parallel_loop3A_800 : vector<16xf32>
      %parallel_loop3A_802 = arith.addf %parallel_loop3A_782, %parallel_loop3A_801 : vector<16xf32>
      %parallel_loop3A_803 = arith.constant 0 : i32
      %parallel_loop3A_804 = arith.constant 0 : i32
      %parallel_loop3A_805 = tpu.memref_slice %arg11[%parallel_loop3A_292, %parallel_loop3A_803, %parallel_loop3A_804] : memref<4x64x128xf32, #tpu.memory_space<vmem>> -> memref<1x64x128xf32, #tpu.memory_space<vmem>>
      %parallel_loop3A_806 = tpu.memref_squeeze %parallel_loop3A_805 : memref<1x64x128xf32, #tpu.memory_space<vmem>> -> memref<64x128xf32, #tpu.memory_space<vmem>>
      %parallel_loop3A_807 = tpu.vector_load_idx %parallel_loop3A_806[%add3A_16, %parallel_loop3A_790] : memref<64x128xf32, #tpu.memory_space<vmem>>[vector<16xi32>, vector<16xi32>], vector<16xf32>,
      %parallel_loop3A_808 = arith.constant 0 : i32
      %parallel_loop3A_809 = arith.constant 0 : i32
      %parallel_loop3A_810 = tpu.memref_slice %arg12[%parallel_loop3A_293, %parallel_loop3A_808, %parallel_loop3A_809] : memref<4x64x128xf32, #tpu.memory_space<vmem>> -> memref<1x64x128xf32, #tpu.memory_space<vmem>>
      %parallel_loop3A_811 = tpu.memref_squeeze %parallel_loop3A_810 : memref<1x64x128xf32, #tpu.memory_space<vmem>> -> memref<64x128xf32, #tpu.memory_space<vmem>>
      %parallel_loop3A_812 = tpu.vector_load_idx %parallel_loop3A_811[%add3A_16, %parallel_loop3A_790] : memref<64x128xf32, #tpu.memory_space<vmem>>[vector<16xi32>, vector<16xi32>], vector<16xf32>,
      %parallel_loop3A_813 = arith.mulf %parallel_loop3A_807, %parallel_loop3A_812 : vector<16xf32>
      %parallel_loop3A_814 = arith.addf %parallel_loop3A_783, %parallel_loop3A_813 : vector<16xf32>
      %parallel_loop3A_815 = arith.constant 0 : i32
      %parallel_loop3A_816 = arith.constant 0 : i32
      %parallel_loop3A_817 = tpu.memref_slice %arg11[%parallel_loop3A_292, %parallel_loop3A_815, %parallel_loop3A_816] : memref<4x64x128xf32, #tpu.memory_space<vmem>> -> memref<1x64x128xf32, #tpu.memory_space<vmem>>
      %parallel_loop3A_818 = tpu.memref_squeeze %parallel_loop3A_817 : memref<1x64x128xf32, #tpu.memory_space<vmem>> -> memref<64x128xf32, #tpu.memory_space<vmem>>
      %parallel_loop3A_819 = tpu.vector_load_idx %parallel_loop3A_818[%add3A_19, %parallel_loop3A_790] : memref<64x128xf32, #tpu.memory_space<vmem>>[vector<16xi32>, vector<16xi32>], vector<16xf32>,
      %parallel_loop3A_820 = arith.constant 0 : i32
      %parallel_loop3A_821 = arith.constant 0 : i32
      %parallel_loop3A_822 = tpu.memref_slice %arg12[%parallel_loop3A_293, %parallel_loop3A_820, %parallel_loop3A_821] : memref<4x64x128xf32, #tpu.memory_space<vmem>> -> memref<1x64x128xf32, #tpu.memory_space<vmem>>
      %parallel_loop3A_823 = tpu.memref_squeeze %parallel_loop3A_822 : memref<1x64x128xf32, #tpu.memory_space<vmem>> -> memref<64x128xf32, #tpu.memory_space<vmem>>
      %parallel_loop3A_824 = tpu.vector_load_idx %parallel_loop3A_823[%add3A_19, %parallel_loop3A_790] : memref<64x128xf32, #tpu.memory_space<vmem>>[vector<16xi32>, vector<16xi32>], vector<16xf32>,
      %parallel_loop3A_825 = arith.mulf %parallel_loop3A_819, %parallel_loop3A_824 : vector<16xf32>
      %parallel_loop3A_826 = arith.addf %parallel_loop3A_784, %parallel_loop3A_825 : vector<16xf32>
      %parallel_loop3A_827 = arith.constant 0 : i32
      %parallel_loop3A_828 = arith.constant 0 : i32
      %parallel_loop3A_829 = tpu.memref_slice %arg11[%parallel_loop3A_292, %parallel_loop3A_827, %parallel_loop3A_828] : memref<4x64x128xf32, #tpu.memory_space<vmem>> -> memref<1x64x128xf32, #tpu.memory_space<vmem>>
      %parallel_loop3A_830 = tpu.memref_squeeze %parallel_loop3A_829 : memref<1x64x128xf32, #tpu.memory_space<vmem>> -> memref<64x128xf32, #tpu.memory_space<vmem>>
      %parallel_loop3A_831 = tpu.vector_load_idx %parallel_loop3A_830[%add3A_22, %parallel_loop3A_790] : memref<64x128xf32, #tpu.memory_space<vmem>>[vector<16xi32>, vector<16xi32>], vector<16xf32>,
      %parallel_loop3A_832 = arith.constant 0 : i32
      %parallel_loop3A_833 = arith.constant 0 : i32
      %parallel_loop3A_834 = tpu.memref_slice %arg12[%parallel_loop3A_293, %parallel_loop3A_832, %parallel_loop3A_833] : memref<4x64x128xf32, #tpu.memory_space<vmem>> -> memref<1x64x128xf32, #tpu.memory_space<vmem>>
      %parallel_loop3A_835 = tpu.memref_squeeze %parallel_loop3A_834 : memref<1x64x128xf32, #tpu.memory_space<vmem>> -> memref<64x128xf32, #tpu.memory_space<vmem>>
      %parallel_loop3A_836 = tpu.vector_load_idx %parallel_loop3A_835[%add3A_22, %parallel_loop3A_790] : memref<64x128xf32, #tpu.memory_space<vmem>>[vector<16xi32>, vector<16xi32>], vector<16xf32>,
      %parallel_loop3A_837 = arith.mulf %parallel_loop3A_831, %parallel_loop3A_836 : vector<16xf32>
      %parallel_loop3A_838 = arith.addf %parallel_loop3A_785, %parallel_loop3A_837 : vector<16xf32>
      scf.yield %parallel_loop3A_802, %parallel_loop3A_814, %parallel_loop3A_826, %parallel_loop3A_838 : vector<16xf32>, vector<16xf32>, vector<16xf32>, vector<16xf32>
    } {sc.loop_unroll_factor = 2 : i64, sc.parallel_access}
    %dma_start3A_295 = arith.constant 2 : i32
    %dma_start3A_296 = arith.constant 0 : i32
    %dma_start3A_297 = arith.constant 0 : i32
    %dma_start3A_298 = tpu.memref_slice %arg11[%dma_start3A_295, %dma_start3A_296, %dma_start3A_297] : memref<4x64x128xf32, #tpu.memory_space<vmem>> -> memref<1x64x128xf32, #tpu.memory_space<vmem>>
    %dma_start3A_299 = tpu.memref_squeeze %dma_start3A_298 : memref<1x64x128xf32, #tpu.memory_space<vmem>> -> memref<64x128xf32, #tpu.memory_space<vmem>>
    %dma_start3A_300 = arith.constant 384 : i32
    %dma_start3A_301 = tpu.memref_slice %arg8[%dma_start3A_300] : memref<512xi32, #tpu.memory_space<vmem>> -> memref<64xi32, #tpu.memory_space<vmem>>
    %dma_start3A_302 = arith.constant 0 : i32
    %dma_start3A_303 = arith.constant 0 : i32
    %dma_start3A_304 = tpu.memref_slice %arg2[%dma_start3A_302, %dma_start3A_303] : memref<100000x128xf32, #tpu.memory_space<hbm>> -> memref<100000x128xf32, #tpu.memory_space<hbm>>
    tpu.enqueue_indirect_dma source(%dma_start3A_304 : memref<100000x128xf32, #tpu.memory_space<hbm>>) target(%dma_start3A_299 : memref<64x128xf32, #tpu.memory_space<vmem>>) offsets(%dma_start3A_301 : memref<64xi32, #tpu.memory_space<vmem>>) semaphore(%arg17 : memref<!tpu.dma_semaphore, #tpu.memory_space<semaphore_mem>>)
    %dma_start3A_305 = arith.constant 2 : i32
    %dma_start3A_306 = arith.constant 0 : i32
    %dma_start3A_307 = arith.constant 0 : i32
    %dma_start3A_308 = tpu.memref_slice %arg12[%dma_start3A_305, %dma_start3A_306, %dma_start3A_307] : memref<4x64x128xf32, #tpu.memory_space<vmem>> -> memref<1x64x128xf32, #tpu.memory_space<vmem>>
    %dma_start3A_309 = tpu.memref_squeeze %dma_start3A_308 : memref<1x64x128xf32, #tpu.memory_space<vmem>> -> memref<64x128xf32, #tpu.memory_space<vmem>>
    %dma_start3A_310 = arith.constant 384 : i32
    %dma_start3A_311 = tpu.memref_slice %arg9[%dma_start3A_310] : memref<512xi32, #tpu.memory_space<vmem>> -> memref<64xi32, #tpu.memory_space<vmem>>
    %dma_start3A_312 = arith.constant 0 : i32
    %dma_start3A_313 = arith.constant 0 : i32
    %dma_start3A_314 = tpu.memref_slice %arg3[%dma_start3A_312, %dma_start3A_313] : memref<100000x128xf32, #tpu.memory_space<hbm>> -> memref<100000x128xf32, #tpu.memory_space<hbm>>
    tpu.enqueue_indirect_dma source(%dma_start3A_314 : memref<100000x128xf32, #tpu.memory_space<hbm>>) target(%dma_start3A_309 : memref<64x128xf32, #tpu.memory_space<vmem>>) offsets(%dma_start3A_311 : memref<64xi32, #tpu.memory_space<vmem>>) semaphore(%arg17 : memref<!tpu.dma_semaphore, #tpu.memory_space<semaphore_mem>>)
    %get3A_315 = arith.constant 128 : index
    %get3A_316 = tpu.vector_load %arg10[%get3A_315] {strides = array<i32>} : memref<512xf32, #tpu.memory_space<vmem>>, vector<16xf32>,
    %mul3A_317 = arith.mulf %parallel_loop3A_294#0, %get3A_316 : vector<16xf32>
    %swap3A_318 = arith.constant 128 : index
    %swap3A_319 = tpu.vector_load %arg13[%swap3A_318] {strides = array<i32>} : memref<512xf32, #tpu.memory_space<vmem>>, vector<16xf32>,
    tpu.vector_store %arg13[%swap3A_318], %mul3A_317 {strides = array<i32>} : memref<512xf32, #tpu.memory_space<vmem>>, vector<16xf32>,
    %get3A_320 = arith.constant 144 : index
    %get3A_321 = tpu.vector_load %arg10[%get3A_320] {strides = array<i32>} : memref<512xf32, #tpu.memory_space<vmem>>, vector<16xf32>,
    %mul3A_322 = arith.mulf %parallel_loop3A_294#1, %get3A_321 : vector<16xf32>
    %swap3A_323 = arith.constant 144 : index
    %swap3A_324 = tpu.vector_load %arg13[%swap3A_323] {strides = array<i32>} : memref<512xf32, #tpu.memory_space<vmem>>, vector<16xf32>,
    tpu.vector_store %arg13[%swap3A_323], %mul3A_322 {strides = array<i32>} : memref<512xf32, #tpu.memory_space<vmem>>, vector<16xf32>,
    %get3A_325 = arith.constant 160 : index
    %get3A_326 = tpu.vector_load %arg10[%get3A_325] {strides = array<i32>} : memref<512xf32, #tpu.memory_space<vmem>>, vector<16xf32>,
    %mul3A_327 = arith.mulf %parallel_loop3A_294#2, %get3A_326 : vector<16xf32>
    %swap3A_328 = arith.constant 160 : index
    %swap3A_329 = tpu.vector_load %arg13[%swap3A_328] {strides = array<i32>} : memref<512xf32, #tpu.memory_space<vmem>>, vector<16xf32>,
    tpu.vector_store %arg13[%swap3A_328], %mul3A_327 {strides = array<i32>} : memref<512xf32, #tpu.memory_space<vmem>>, vector<16xf32>,
    %get3A_330 = arith.constant 176 : index
    %get3A_331 = tpu.vector_load %arg10[%get3A_330] {strides = array<i32>} : memref<512xf32, #tpu.memory_space<vmem>>, vector<16xf32>,
    %mul3A_332 = arith.mulf %parallel_loop3A_294#3, %get3A_331 : vector<16xf32>
    %swap3A_333 = arith.constant 176 : index
    %swap3A_334 = tpu.vector_load %arg13[%swap3A_333] {strides = array<i32>} : memref<512xf32, #tpu.memory_space<vmem>>, vector<16xf32>,
    tpu.vector_store %arg13[%swap3A_333], %mul3A_332 {strides = array<i32>} : memref<512xf32, #tpu.memory_space<vmem>>, vector<16xf32>,
    %dma_start3A_335 = arith.constant 128 : i32
    %dma_start3A_336 = tpu.memref_slice %arg13[%dma_start3A_335] : memref<512xf32, #tpu.memory_space<vmem>> -> memref<64xf32, #tpu.memory_space<vmem>>
    %dma_start3A_337 = arith.constant 0 : i32
    %dma_start3A_338 = tpu.memref_slice %arg7[%add3A, %dma_start3A_337] : memref<32x512xf32, #tpu.memory_space<hbm>> -> memref<1x512xf32, #tpu.memory_space<hbm>>
    %dma_start3A_339 = tpu.memref_squeeze %dma_start3A_338 : memref<1x512xf32, #tpu.memory_space<hbm>> -> memref<512xf32, #tpu.memory_space<hbm>>
    %dma_start3A_340 = arith.constant 128 : i32
    %dma_start3A_341 = tpu.memref_slice %dma_start3A_339[%dma_start3A_340] : memref<512xf32, #tpu.memory_space<hbm>> -> memref<64xf32, #tpu.memory_space<hbm>>
    %dma_start3A_342 = arith.constant 0 : i32
    %dma_start3A_343 = tpu.memref_slice %arg7[%add3A, %dma_start3A_342] : memref<32x512xf32, #tpu.memory_space<hbm>> -> memref<1x512xf32, #tpu.memory_space<hbm>>
    %dma_start3A_344 = tpu.memref_squeeze %dma_start3A_343 : memref<1x512xf32, #tpu.memory_space<hbm>> -> memref<512xf32, #tpu.memory_space<hbm>>
    %dma_start3A_345 = arith.constant 128 : i32
    %dma_start3A_346 = tpu.memref_slice %dma_start3A_344[%dma_start3A_345] : memref<512xf32, #tpu.memory_space<hbm>> -> memref<64xf32, #tpu.memory_space<hbm>>
    %dma_start3A_347 = arith.constant 128 : i32
    %dma_start3A_348 = tpu.memref_slice %arg13[%dma_start3A_347] : memref<512xf32, #tpu.memory_space<vmem>> -> memref<64xf32, #tpu.memory_space<vmem>>
    tpu.enqueue_dma source(%dma_start3A_348 : memref<64xf32, #tpu.memory_space<vmem>>) target(%dma_start3A_346 : memref<64xf32, #tpu.memory_space<hbm>>) target_semaphore(%arg14 : memref<!tpu.dma_semaphore, #tpu.memory_space<semaphore_mem>>)
    %dma_wait3A_349 = arith.constant 3 : i32
    %dma_wait3A_350 = arith.constant 0 : i32
    %dma_wait3A_351 = arith.constant 0 : i32
    %dma_wait3A_352 = tpu.memref_slice %arg11[%dma_wait3A_349, %dma_wait3A_350, %dma_wait3A_351] : memref<4x64x128xf32, #tpu.memory_space<vmem>> -> memref<1x64x128xf32, #tpu.memory_space<vmem>>
    %dma_wait3A_353 = tpu.memref_squeeze %dma_wait3A_352 : memref<1x64x128xf32, #tpu.memory_space<vmem>> -> memref<64x128xf32, #tpu.memory_space<vmem>>
    %dma_wait3A_354 = arith.constant 192 : i32
    %dma_wait3A_355 = tpu.memref_slice %arg8[%dma_wait3A_354] : memref<512xi32, #tpu.memory_space<vmem>> -> memref<64xi32, #tpu.memory_space<vmem>>
    %dma_wait3A_356 = arith.constant 0 : i32
    %dma_wait3A_357 = arith.constant 0 : i32
    %dma_wait3A_358 = tpu.memref_slice %arg2[%dma_wait3A_356, %dma_wait3A_357] : memref<100000x128xf32, #tpu.memory_space<hbm>> -> memref<100000x128xf32, #tpu.memory_space<hbm>>
    tpu.wait_indirect_dma semaphore(%arg18 : memref<!tpu.dma_semaphore, #tpu.memory_space<semaphore_mem>>) src(%dma_wait3A_358 : memref<100000x128xf32, #tpu.memory_space<hbm>>) dst(%dma_wait3A_353 : memref<64x128xf32, #tpu.memory_space<vmem>>)
    %dma_wait3A_359 = arith.constant 3 : i32
    %dma_wait3A_360 = arith.constant 0 : i32
    %dma_wait3A_361 = arith.constant 0 : i32
    %dma_wait3A_362 = tpu.memref_slice %arg12[%dma_wait3A_359, %dma_wait3A_360, %dma_wait3A_361] : memref<4x64x128xf32, #tpu.memory_space<vmem>> -> memref<1x64x128xf32, #tpu.memory_space<vmem>>
    %dma_wait3A_363 = tpu.memref_squeeze %dma_wait3A_362 : memref<1x64x128xf32, #tpu.memory_space<vmem>> -> memref<64x128xf32, #tpu.memory_space<vmem>>
    %dma_wait3A_364 = arith.constant 192 : i32
    %dma_wait3A_365 = tpu.memref_slice %arg9[%dma_wait3A_364] : memref<512xi32, #tpu.memory_space<vmem>> -> memref<64xi32, #tpu.memory_space<vmem>>
    %dma_wait3A_366 = arith.constant 0 : i32
    %dma_wait3A_367 = arith.constant 0 : i32
    %dma_wait3A_368 = tpu.memref_slice %arg3[%dma_wait3A_366, %dma_wait3A_367] : memref<100000x128xf32, #tpu.memory_space<hbm>> -> memref<100000x128xf32, #tpu.memory_space<hbm>>
    tpu.wait_indirect_dma semaphore(%arg18 : memref<!tpu.dma_semaphore, #tpu.memory_space<semaphore_mem>>) src(%dma_wait3A_368 : memref<100000x128xf32, #tpu.memory_space<hbm>>) dst(%dma_wait3A_363 : memref<64x128xf32, #tpu.memory_space<vmem>>)
    %parallel_loop3A_369 = arith.constant 0 : i32
    %parallel_loop3A_370 = arith.constant 128 : i32
    %parallel_loop3A_371 = arith.constant 1 : i32
    %parallel_loop3A_372 = arith.constant 3 : i32
    %parallel_loop3A_373 = arith.constant 3 : i32
    %parallel_loop3A_374:4 = scf.for %parallel_loop3A_781 = %parallel_loop3A_369 to %parallel_loop3A_370 step %parallel_loop3A_371 iter_args(%parallel_loop3A_782 = %broadcast_in_dim3A_23, %parallel_loop3A_783 = %broadcast_in_dim3A_25, %parallel_loop3A_784 = %broadcast_in_dim3A_27, %parallel_loop3A_785 = %broadcast_in_dim3A_29) -> (vector<16xf32>, vector<16xf32>, vector<16xf32>, vector<16xf32>)  : i32 {
      %parallel_loop3A_786 = vector.broadcast %parallel_loop3A_781 : i32 to vector<16xi32>
      %parallel_loop3A_787 = arith.addi %parallel_loop3A_786, %iota3A : vector<16xi32>
      %parallel_loop3A_788 = arith.constant 127 : i32
      %parallel_loop3A_789 = vector.broadcast %parallel_loop3A_788 : i32 to vector<16xi32>
      %parallel_loop3A_790 = arith.andi %parallel_loop3A_787, %parallel_loop3A_789 : vector<16xi32>
      %parallel_loop3A_791 = arith.constant 0 : i32
      %parallel_loop3A_792 = arith.constant 0 : i32
      %parallel_loop3A_793 = tpu.memref_slice %arg11[%parallel_loop3A_372, %parallel_loop3A_791, %parallel_loop3A_792] : memref<4x64x128xf32, #tpu.memory_space<vmem>> -> memref<1x64x128xf32, #tpu.memory_space<vmem>>
      %parallel_loop3A_794 = tpu.memref_squeeze %parallel_loop3A_793 : memref<1x64x128xf32, #tpu.memory_space<vmem>> -> memref<64x128xf32, #tpu.memory_space<vmem>>
      %parallel_loop3A_795 = tpu.vector_load_idx %parallel_loop3A_794[%add3A_13, %parallel_loop3A_790] : memref<64x128xf32, #tpu.memory_space<vmem>>[vector<16xi32>, vector<16xi32>], vector<16xf32>,
      %parallel_loop3A_796 = arith.constant 0 : i32
      %parallel_loop3A_797 = arith.constant 0 : i32
      %parallel_loop3A_798 = tpu.memref_slice %arg12[%parallel_loop3A_373, %parallel_loop3A_796, %parallel_loop3A_797] : memref<4x64x128xf32, #tpu.memory_space<vmem>> -> memref<1x64x128xf32, #tpu.memory_space<vmem>>
      %parallel_loop3A_799 = tpu.memref_squeeze %parallel_loop3A_798 : memref<1x64x128xf32, #tpu.memory_space<vmem>> -> memref<64x128xf32, #tpu.memory_space<vmem>>
      %parallel_loop3A_800 = tpu.vector_load_idx %parallel_loop3A_799[%add3A_13, %parallel_loop3A_790] : memref<64x128xf32, #tpu.memory_space<vmem>>[vector<16xi32>, vector<16xi32>], vector<16xf32>,
      %parallel_loop3A_801 = arith.mulf %parallel_loop3A_795, %parallel_loop3A_800 : vector<16xf32>
      %parallel_loop3A_802 = arith.addf %parallel_loop3A_782, %parallel_loop3A_801 : vector<16xf32>
      %parallel_loop3A_803 = arith.constant 0 : i32
      %parallel_loop3A_804 = arith.constant 0 : i32
      %parallel_loop3A_805 = tpu.memref_slice %arg11[%parallel_loop3A_372, %parallel_loop3A_803, %parallel_loop3A_804] : memref<4x64x128xf32, #tpu.memory_space<vmem>> -> memref<1x64x128xf32, #tpu.memory_space<vmem>>
      %parallel_loop3A_806 = tpu.memref_squeeze %parallel_loop3A_805 : memref<1x64x128xf32, #tpu.memory_space<vmem>> -> memref<64x128xf32, #tpu.memory_space<vmem>>
      %parallel_loop3A_807 = tpu.vector_load_idx %parallel_loop3A_806[%add3A_16, %parallel_loop3A_790] : memref<64x128xf32, #tpu.memory_space<vmem>>[vector<16xi32>, vector<16xi32>], vector<16xf32>,
      %parallel_loop3A_808 = arith.constant 0 : i32
      %parallel_loop3A_809 = arith.constant 0 : i32
      %parallel_loop3A_810 = tpu.memref_slice %arg12[%parallel_loop3A_373, %parallel_loop3A_808, %parallel_loop3A_809] : memref<4x64x128xf32, #tpu.memory_space<vmem>> -> memref<1x64x128xf32, #tpu.memory_space<vmem>>
      %parallel_loop3A_811 = tpu.memref_squeeze %parallel_loop3A_810 : memref<1x64x128xf32, #tpu.memory_space<vmem>> -> memref<64x128xf32, #tpu.memory_space<vmem>>
      %parallel_loop3A_812 = tpu.vector_load_idx %parallel_loop3A_811[%add3A_16, %parallel_loop3A_790] : memref<64x128xf32, #tpu.memory_space<vmem>>[vector<16xi32>, vector<16xi32>], vector<16xf32>,
      %parallel_loop3A_813 = arith.mulf %parallel_loop3A_807, %parallel_loop3A_812 : vector<16xf32>
      %parallel_loop3A_814 = arith.addf %parallel_loop3A_783, %parallel_loop3A_813 : vector<16xf32>
      %parallel_loop3A_815 = arith.constant 0 : i32
      %parallel_loop3A_816 = arith.constant 0 : i32
      %parallel_loop3A_817 = tpu.memref_slice %arg11[%parallel_loop3A_372, %parallel_loop3A_815, %parallel_loop3A_816] : memref<4x64x128xf32, #tpu.memory_space<vmem>> -> memref<1x64x128xf32, #tpu.memory_space<vmem>>
      %parallel_loop3A_818 = tpu.memref_squeeze %parallel_loop3A_817 : memref<1x64x128xf32, #tpu.memory_space<vmem>> -> memref<64x128xf32, #tpu.memory_space<vmem>>
      %parallel_loop3A_819 = tpu.vector_load_idx %parallel_loop3A_818[%add3A_19, %parallel_loop3A_790] : memref<64x128xf32, #tpu.memory_space<vmem>>[vector<16xi32>, vector<16xi32>], vector<16xf32>,
      %parallel_loop3A_820 = arith.constant 0 : i32
      %parallel_loop3A_821 = arith.constant 0 : i32
      %parallel_loop3A_822 = tpu.memref_slice %arg12[%parallel_loop3A_373, %parallel_loop3A_820, %parallel_loop3A_821] : memref<4x64x128xf32, #tpu.memory_space<vmem>> -> memref<1x64x128xf32, #tpu.memory_space<vmem>>
      %parallel_loop3A_823 = tpu.memref_squeeze %parallel_loop3A_822 : memref<1x64x128xf32, #tpu.memory_space<vmem>> -> memref<64x128xf32, #tpu.memory_space<vmem>>
      %parallel_loop3A_824 = tpu.vector_load_idx %parallel_loop3A_823[%add3A_19, %parallel_loop3A_790] : memref<64x128xf32, #tpu.memory_space<vmem>>[vector<16xi32>, vector<16xi32>], vector<16xf32>,
      %parallel_loop3A_825 = arith.mulf %parallel_loop3A_819, %parallel_loop3A_824 : vector<16xf32>
      %parallel_loop3A_826 = arith.addf %parallel_loop3A_784, %parallel_loop3A_825 : vector<16xf32>
      %parallel_loop3A_827 = arith.constant 0 : i32
      %parallel_loop3A_828 = arith.constant 0 : i32
      %parallel_loop3A_829 = tpu.memref_slice %arg11[%parallel_loop3A_372, %parallel_loop3A_827, %parallel_loop3A_828] : memref<4x64x128xf32, #tpu.memory_space<vmem>> -> memref<1x64x128xf32, #tpu.memory_space<vmem>>
      %parallel_loop3A_830 = tpu.memref_squeeze %parallel_loop3A_829 : memref<1x64x128xf32, #tpu.memory_space<vmem>> -> memref<64x128xf32, #tpu.memory_space<vmem>>
      %parallel_loop3A_831 = tpu.vector_load_idx %parallel_loop3A_830[%add3A_22, %parallel_loop3A_790] : memref<64x128xf32, #tpu.memory_space<vmem>>[vector<16xi32>, vector<16xi32>], vector<16xf32>,
      %parallel_loop3A_832 = arith.constant 0 : i32
      %parallel_loop3A_833 = arith.constant 0 : i32
      %parallel_loop3A_834 = tpu.memref_slice %arg12[%parallel_loop3A_373, %parallel_loop3A_832, %parallel_loop3A_833] : memref<4x64x128xf32, #tpu.memory_space<vmem>> -> memref<1x64x128xf32, #tpu.memory_space<vmem>>
      %parallel_loop3A_835 = tpu.memref_squeeze %parallel_loop3A_834 : memref<1x64x128xf32, #tpu.memory_space<vmem>> -> memref<64x128xf32, #tpu.memory_space<vmem>>
      %parallel_loop3A_836 = tpu.vector_load_idx %parallel_loop3A_835[%add3A_22, %parallel_loop3A_790] : memref<64x128xf32, #tpu.memory_space<vmem>>[vector<16xi32>, vector<16xi32>], vector<16xf32>,
      %parallel_loop3A_837 = arith.mulf %parallel_loop3A_831, %parallel_loop3A_836 : vector<16xf32>
      %parallel_loop3A_838 = arith.addf %parallel_loop3A_785, %parallel_loop3A_837 : vector<16xf32>
      scf.yield %parallel_loop3A_802, %parallel_loop3A_814, %parallel_loop3A_826, %parallel_loop3A_838 : vector<16xf32>, vector<16xf32>, vector<16xf32>, vector<16xf32>
    } {sc.loop_unroll_factor = 2 : i64, sc.parallel_access}
    %dma_start3A_375 = arith.constant 3 : i32
    %dma_start3A_376 = arith.constant 0 : i32
    %dma_start3A_377 = arith.constant 0 : i32
    %dma_start3A_378 = tpu.memref_slice %arg11[%dma_start3A_375, %dma_start3A_376, %dma_start3A_377] : memref<4x64x128xf32, #tpu.memory_space<vmem>> -> memref<1x64x128xf32, #tpu.memory_space<vmem>>
    %dma_start3A_379 = tpu.memref_squeeze %dma_start3A_378 : memref<1x64x128xf32, #tpu.memory_space<vmem>> -> memref<64x128xf32, #tpu.memory_space<vmem>>
    %dma_start3A_380 = arith.constant 448 : i32
    %dma_start3A_381 = tpu.memref_slice %arg8[%dma_start3A_380] : memref<512xi32, #tpu.memory_space<vmem>> -> memref<64xi32, #tpu.memory_space<vmem>>
    %dma_start3A_382 = arith.constant 0 : i32
    %dma_start3A_383 = arith.constant 0 : i32
    %dma_start3A_384 = tpu.memref_slice %arg2[%dma_start3A_382, %dma_start3A_383] : memref<100000x128xf32, #tpu.memory_space<hbm>> -> memref<100000x128xf32, #tpu.memory_space<hbm>>
    tpu.enqueue_indirect_dma source(%dma_start3A_384 : memref<100000x128xf32, #tpu.memory_space<hbm>>) target(%dma_start3A_379 : memref<64x128xf32, #tpu.memory_space<vmem>>) offsets(%dma_start3A_381 : memref<64xi32, #tpu.memory_space<vmem>>) semaphore(%arg18 : memref<!tpu.dma_semaphore, #tpu.memory_space<semaphore_mem>>)
    %dma_start3A_385 = arith.constant 3 : i32
    %dma_start3A_386 = arith.constant 0 : i32
    %dma_start3A_387 = arith.constant 0 : i32
    %dma_start3A_388 = tpu.memref_slice %arg12[%dma_start3A_385, %dma_start3A_386, %dma_start3A_387] : memref<4x64x128xf32, #tpu.memory_space<vmem>> -> memref<1x64x128xf32, #tpu.memory_space<vmem>>
    %dma_start3A_389 = tpu.memref_squeeze %dma_start3A_388 : memref<1x64x128xf32, #tpu.memory_space<vmem>> -> memref<64x128xf32, #tpu.memory_space<vmem>>
    %dma_start3A_390 = arith.constant 448 : i32
    %dma_start3A_391 = tpu.memref_slice %arg9[%dma_start3A_390] : memref<512xi32, #tpu.memory_space<vmem>> -> memref<64xi32, #tpu.memory_space<vmem>>
    %dma_start3A_392 = arith.constant 0 : i32
    %dma_start3A_393 = arith.constant 0 : i32
    %dma_start3A_394 = tpu.memref_slice %arg3[%dma_start3A_392, %dma_start3A_393] : memref<100000x128xf32, #tpu.memory_space<hbm>> -> memref<100000x128xf32, #tpu.memory_space<hbm>>
    tpu.enqueue_indirect_dma source(%dma_start3A_394 : memref<100000x128xf32, #tpu.memory_space<hbm>>) target(%dma_start3A_389 : memref<64x128xf32, #tpu.memory_space<vmem>>) offsets(%dma_start3A_391 : memref<64xi32, #tpu.memory_space<vmem>>) semaphore(%arg18 : memref<!tpu.dma_semaphore, #tpu.memory_space<semaphore_mem>>)
    %get3A_395 = arith.constant 192 : index
    %get3A_396 = tpu.vector_load %arg10[%get3A_395] {strides = array<i32>} : memref<512xf32, #tpu.memory_space<vmem>>, vector<16xf32>,
    %mul3A_397 = arith.mulf %parallel_loop3A_374#0, %get3A_396 : vector<16xf32>
    %swap3A_398 = arith.constant 192 : index
    %swap3A_399 = tpu.vector_load %arg13[%swap3A_398] {strides = array<i32>} : memref<512xf32, #tpu.memory_space<vmem>>, vector<16xf32>,
    tpu.vector_store %arg13[%swap3A_398], %mul3A_397 {strides = array<i32>} : memref<512xf32, #tpu.memory_space<vmem>>, vector<16xf32>,
    %get3A_400 = arith.constant 208 : index
    %get3A_401 = tpu.vector_load %arg10[%get3A_400] {strides = array<i32>} : memref<512xf32, #tpu.memory_space<vmem>>, vector<16xf32>,
    %mul3A_402 = arith.mulf %parallel_loop3A_374#1, %get3A_401 : vector<16xf32>
    %swap3A_403 = arith.constant 208 : index
    %swap3A_404 = tpu.vector_load %arg13[%swap3A_403] {strides = array<i32>} : memref<512xf32, #tpu.memory_space<vmem>>, vector<16xf32>,
    tpu.vector_store %arg13[%swap3A_403], %mul3A_402 {strides = array<i32>} : memref<512xf32, #tpu.memory_space<vmem>>, vector<16xf32>,
    %get3A_405 = arith.constant 224 : index
    %get3A_406 = tpu.vector_load %arg10[%get3A_405] {strides = array<i32>} : memref<512xf32, #tpu.memory_space<vmem>>, vector<16xf32>,
    %mul3A_407 = arith.mulf %parallel_loop3A_374#2, %get3A_406 : vector<16xf32>
    %swap3A_408 = arith.constant 224 : index
    %swap3A_409 = tpu.vector_load %arg13[%swap3A_408] {strides = array<i32>} : memref<512xf32, #tpu.memory_space<vmem>>, vector<16xf32>,
    tpu.vector_store %arg13[%swap3A_408], %mul3A_407 {strides = array<i32>} : memref<512xf32, #tpu.memory_space<vmem>>, vector<16xf32>,
    %get3A_410 = arith.constant 240 : index
    %get3A_411 = tpu.vector_load %arg10[%get3A_410] {strides = array<i32>} : memref<512xf32, #tpu.memory_space<vmem>>, vector<16xf32>,
    %mul3A_412 = arith.mulf %parallel_loop3A_374#3, %get3A_411 : vector<16xf32>
    %swap3A_413 = arith.constant 240 : index
    %swap3A_414 = tpu.vector_load %arg13[%swap3A_413] {strides = array<i32>} : memref<512xf32, #tpu.memory_space<vmem>>, vector<16xf32>,
    tpu.vector_store %arg13[%swap3A_413], %mul3A_412 {strides = array<i32>} : memref<512xf32, #tpu.memory_space<vmem>>, vector<16xf32>,
    %dma_start3A_415 = arith.constant 192 : i32
    %dma_start3A_416 = tpu.memref_slice %arg13[%dma_start3A_415] : memref<512xf32, #tpu.memory_space<vmem>> -> memref<64xf32, #tpu.memory_space<vmem>>
    %dma_start3A_417 = arith.constant 0 : i32
    %dma_start3A_418 = tpu.memref_slice %arg7[%add3A, %dma_start3A_417] : memref<32x512xf32, #tpu.memory_space<hbm>> -> memref<1x512xf32, #tpu.memory_space<hbm>>
    %dma_start3A_419 = tpu.memref_squeeze %dma_start3A_418 : memref<1x512xf32, #tpu.memory_space<hbm>> -> memref<512xf32, #tpu.memory_space<hbm>>
    %dma_start3A_420 = arith.constant 192 : i32
    %dma_start3A_421 = tpu.memref_slice %dma_start3A_419[%dma_start3A_420] : memref<512xf32, #tpu.memory_space<hbm>> -> memref<64xf32, #tpu.memory_space<hbm>>
    %dma_start3A_422 = arith.constant 0 : i32
    %dma_start3A_423 = tpu.memref_slice %arg7[%add3A, %dma_start3A_422] : memref<32x512xf32, #tpu.memory_space<hbm>> -> memref<1x512xf32, #tpu.memory_space<hbm>>
    %dma_start3A_424 = tpu.memref_squeeze %dma_start3A_423 : memref<1x512xf32, #tpu.memory_space<hbm>> -> memref<512xf32, #tpu.memory_space<hbm>>
    %dma_start3A_425 = arith.constant 192 : i32
    %dma_start3A_426 = tpu.memref_slice %dma_start3A_424[%dma_start3A_425] : memref<512xf32, #tpu.memory_space<hbm>> -> memref<64xf32, #tpu.memory_space<hbm>>
    %dma_start3A_427 = arith.constant 192 : i32
    %dma_start3A_428 = tpu.memref_slice %arg13[%dma_start3A_427] : memref<512xf32, #tpu.memory_space<vmem>> -> memref<64xf32, #tpu.memory_space<vmem>>
    tpu.enqueue_dma source(%dma_start3A_428 : memref<64xf32, #tpu.memory_space<vmem>>) target(%dma_start3A_426 : memref<64xf32, #tpu.memory_space<hbm>>) target_semaphore(%arg14 : memref<!tpu.dma_semaphore, #tpu.memory_space<semaphore_mem>>)
    %dma_wait3A_429 = arith.constant 0 : i32
    %dma_wait3A_430 = arith.constant 0 : i32
    %dma_wait3A_431 = arith.constant 0 : i32
    %dma_wait3A_432 = tpu.memref_slice %arg11[%dma_wait3A_429, %dma_wait3A_430, %dma_wait3A_431] : memref<4x64x128xf32, #tpu.memory_space<vmem>> -> memref<1x64x128xf32, #tpu.memory_space<vmem>>
    %dma_wait3A_433 = tpu.memref_squeeze %dma_wait3A_432 : memref<1x64x128xf32, #tpu.memory_space<vmem>> -> memref<64x128xf32, #tpu.memory_space<vmem>>
    %dma_wait3A_434 = arith.constant 256 : i32
    %dma_wait3A_435 = tpu.memref_slice %arg8[%dma_wait3A_434] : memref<512xi32, #tpu.memory_space<vmem>> -> memref<64xi32, #tpu.memory_space<vmem>>
    %dma_wait3A_436 = arith.constant 0 : i32
    %dma_wait3A_437 = arith.constant 0 : i32
    %dma_wait3A_438 = tpu.memref_slice %arg2[%dma_wait3A_436, %dma_wait3A_437] : memref<100000x128xf32, #tpu.memory_space<hbm>> -> memref<100000x128xf32, #tpu.memory_space<hbm>>
    tpu.wait_indirect_dma semaphore(%arg15 : memref<!tpu.dma_semaphore, #tpu.memory_space<semaphore_mem>>) src(%dma_wait3A_438 : memref<100000x128xf32, #tpu.memory_space<hbm>>) dst(%dma_wait3A_433 : memref<64x128xf32, #tpu.memory_space<vmem>>)
    %dma_wait3A_439 = arith.constant 0 : i32
    %dma_wait3A_440 = arith.constant 0 : i32
    %dma_wait3A_441 = arith.constant 0 : i32
    %dma_wait3A_442 = tpu.memref_slice %arg12[%dma_wait3A_439, %dma_wait3A_440, %dma_wait3A_441] : memref<4x64x128xf32, #tpu.memory_space<vmem>> -> memref<1x64x128xf32, #tpu.memory_space<vmem>>
    %dma_wait3A_443 = tpu.memref_squeeze %dma_wait3A_442 : memref<1x64x128xf32, #tpu.memory_space<vmem>> -> memref<64x128xf32, #tpu.memory_space<vmem>>
    %dma_wait3A_444 = arith.constant 256 : i32
    %dma_wait3A_445 = tpu.memref_slice %arg9[%dma_wait3A_444] : memref<512xi32, #tpu.memory_space<vmem>> -> memref<64xi32, #tpu.memory_space<vmem>>
    %dma_wait3A_446 = arith.constant 0 : i32
    %dma_wait3A_447 = arith.constant 0 : i32
    %dma_wait3A_448 = tpu.memref_slice %arg3[%dma_wait3A_446, %dma_wait3A_447] : memref<100000x128xf32, #tpu.memory_space<hbm>> -> memref<100000x128xf32, #tpu.memory_space<hbm>>
    tpu.wait_indirect_dma semaphore(%arg15 : memref<!tpu.dma_semaphore, #tpu.memory_space<semaphore_mem>>) src(%dma_wait3A_448 : memref<100000x128xf32, #tpu.memory_space<hbm>>) dst(%dma_wait3A_443 : memref<64x128xf32, #tpu.memory_space<vmem>>)
    %parallel_loop3A_449 = arith.constant 0 : i32
    %parallel_loop3A_450 = arith.constant 128 : i32
    %parallel_loop3A_451 = arith.constant 1 : i32
    %parallel_loop3A_452 = arith.constant 0 : i32
    %parallel_loop3A_453 = arith.constant 0 : i32
    %parallel_loop3A_454:4 = scf.for %parallel_loop3A_781 = %parallel_loop3A_449 to %parallel_loop3A_450 step %parallel_loop3A_451 iter_args(%parallel_loop3A_782 = %broadcast_in_dim3A_23, %parallel_loop3A_783 = %broadcast_in_dim3A_25, %parallel_loop3A_784 = %broadcast_in_dim3A_27, %parallel_loop3A_785 = %broadcast_in_dim3A_29) -> (vector<16xf32>, vector<16xf32>, vector<16xf32>, vector<16xf32>)  : i32 {
      %parallel_loop3A_786 = vector.broadcast %parallel_loop3A_781 : i32 to vector<16xi32>
      %parallel_loop3A_787 = arith.addi %parallel_loop3A_786, %iota3A : vector<16xi32>
      %parallel_loop3A_788 = arith.constant 127 : i32
      %parallel_loop3A_789 = vector.broadcast %parallel_loop3A_788 : i32 to vector<16xi32>
      %parallel_loop3A_790 = arith.andi %parallel_loop3A_787, %parallel_loop3A_789 : vector<16xi32>
      %parallel_loop3A_791 = arith.constant 0 : i32
      %parallel_loop3A_792 = arith.constant 0 : i32
      %parallel_loop3A_793 = tpu.memref_slice %arg11[%parallel_loop3A_452, %parallel_loop3A_791, %parallel_loop3A_792] : memref<4x64x128xf32, #tpu.memory_space<vmem>> -> memref<1x64x128xf32, #tpu.memory_space<vmem>>
      %parallel_loop3A_794 = tpu.memref_squeeze %parallel_loop3A_793 : memref<1x64x128xf32, #tpu.memory_space<vmem>> -> memref<64x128xf32, #tpu.memory_space<vmem>>
      %parallel_loop3A_795 = tpu.vector_load_idx %parallel_loop3A_794[%add3A_13, %parallel_loop3A_790] : memref<64x128xf32, #tpu.memory_space<vmem>>[vector<16xi32>, vector<16xi32>], vector<16xf32>,
      %parallel_loop3A_796 = arith.constant 0 : i32
      %parallel_loop3A_797 = arith.constant 0 : i32
      %parallel_loop3A_798 = tpu.memref_slice %arg12[%parallel_loop3A_453, %parallel_loop3A_796, %parallel_loop3A_797] : memref<4x64x128xf32, #tpu.memory_space<vmem>> -> memref<1x64x128xf32, #tpu.memory_space<vmem>>
      %parallel_loop3A_799 = tpu.memref_squeeze %parallel_loop3A_798 : memref<1x64x128xf32, #tpu.memory_space<vmem>> -> memref<64x128xf32, #tpu.memory_space<vmem>>
      %parallel_loop3A_800 = tpu.vector_load_idx %parallel_loop3A_799[%add3A_13, %parallel_loop3A_790] : memref<64x128xf32, #tpu.memory_space<vmem>>[vector<16xi32>, vector<16xi32>], vector<16xf32>,
      %parallel_loop3A_801 = arith.mulf %parallel_loop3A_795, %parallel_loop3A_800 : vector<16xf32>
      %parallel_loop3A_802 = arith.addf %parallel_loop3A_782, %parallel_loop3A_801 : vector<16xf32>
      %parallel_loop3A_803 = arith.constant 0 : i32
      %parallel_loop3A_804 = arith.constant 0 : i32
      %parallel_loop3A_805 = tpu.memref_slice %arg11[%parallel_loop3A_452, %parallel_loop3A_803, %parallel_loop3A_804] : memref<4x64x128xf32, #tpu.memory_space<vmem>> -> memref<1x64x128xf32, #tpu.memory_space<vmem>>
      %parallel_loop3A_806 = tpu.memref_squeeze %parallel_loop3A_805 : memref<1x64x128xf32, #tpu.memory_space<vmem>> -> memref<64x128xf32, #tpu.memory_space<vmem>>
      %parallel_loop3A_807 = tpu.vector_load_idx %parallel_loop3A_806[%add3A_16, %parallel_loop3A_790] : memref<64x128xf32, #tpu.memory_space<vmem>>[vector<16xi32>, vector<16xi32>], vector<16xf32>,
      %parallel_loop3A_808 = arith.constant 0 : i32
      %parallel_loop3A_809 = arith.constant 0 : i32
      %parallel_loop3A_810 = tpu.memref_slice %arg12[%parallel_loop3A_453, %parallel_loop3A_808, %parallel_loop3A_809] : memref<4x64x128xf32, #tpu.memory_space<vmem>> -> memref<1x64x128xf32, #tpu.memory_space<vmem>>
      %parallel_loop3A_811 = tpu.memref_squeeze %parallel_loop3A_810 : memref<1x64x128xf32, #tpu.memory_space<vmem>> -> memref<64x128xf32, #tpu.memory_space<vmem>>
      %parallel_loop3A_812 = tpu.vector_load_idx %parallel_loop3A_811[%add3A_16, %parallel_loop3A_790] : memref<64x128xf32, #tpu.memory_space<vmem>>[vector<16xi32>, vector<16xi32>], vector<16xf32>,
      %parallel_loop3A_813 = arith.mulf %parallel_loop3A_807, %parallel_loop3A_812 : vector<16xf32>
      %parallel_loop3A_814 = arith.addf %parallel_loop3A_783, %parallel_loop3A_813 : vector<16xf32>
      %parallel_loop3A_815 = arith.constant 0 : i32
      %parallel_loop3A_816 = arith.constant 0 : i32
      %parallel_loop3A_817 = tpu.memref_slice %arg11[%parallel_loop3A_452, %parallel_loop3A_815, %parallel_loop3A_816] : memref<4x64x128xf32, #tpu.memory_space<vmem>> -> memref<1x64x128xf32, #tpu.memory_space<vmem>>
      %parallel_loop3A_818 = tpu.memref_squeeze %parallel_loop3A_817 : memref<1x64x128xf32, #tpu.memory_space<vmem>> -> memref<64x128xf32, #tpu.memory_space<vmem>>
      %parallel_loop3A_819 = tpu.vector_load_idx %parallel_loop3A_818[%add3A_19, %parallel_loop3A_790] : memref<64x128xf32, #tpu.memory_space<vmem>>[vector<16xi32>, vector<16xi32>], vector<16xf32>,
      %parallel_loop3A_820 = arith.constant 0 : i32
      %parallel_loop3A_821 = arith.constant 0 : i32
      %parallel_loop3A_822 = tpu.memref_slice %arg12[%parallel_loop3A_453, %parallel_loop3A_820, %parallel_loop3A_821] : memref<4x64x128xf32, #tpu.memory_space<vmem>> -> memref<1x64x128xf32, #tpu.memory_space<vmem>>
      %parallel_loop3A_823 = tpu.memref_squeeze %parallel_loop3A_822 : memref<1x64x128xf32, #tpu.memory_space<vmem>> -> memref<64x128xf32, #tpu.memory_space<vmem>>
      %parallel_loop3A_824 = tpu.vector_load_idx %parallel_loop3A_823[%add3A_19, %parallel_loop3A_790] : memref<64x128xf32, #tpu.memory_space<vmem>>[vector<16xi32>, vector<16xi32>], vector<16xf32>,
      %parallel_loop3A_825 = arith.mulf %parallel_loop3A_819, %parallel_loop3A_824 : vector<16xf32>
      %parallel_loop3A_826 = arith.addf %parallel_loop3A_784, %parallel_loop3A_825 : vector<16xf32>
      %parallel_loop3A_827 = arith.constant 0 : i32
      %parallel_loop3A_828 = arith.constant 0 : i32
      %parallel_loop3A_829 = tpu.memref_slice %arg11[%parallel_loop3A_452, %parallel_loop3A_827, %parallel_loop3A_828] : memref<4x64x128xf32, #tpu.memory_space<vmem>> -> memref<1x64x128xf32, #tpu.memory_space<vmem>>
      %parallel_loop3A_830 = tpu.memref_squeeze %parallel_loop3A_829 : memref<1x64x128xf32, #tpu.memory_space<vmem>> -> memref<64x128xf32, #tpu.memory_space<vmem>>
      %parallel_loop3A_831 = tpu.vector_load_idx %parallel_loop3A_830[%add3A_22, %parallel_loop3A_790] : memref<64x128xf32, #tpu.memory_space<vmem>>[vector<16xi32>, vector<16xi32>], vector<16xf32>,
      %parallel_loop3A_832 = arith.constant 0 : i32
      %parallel_loop3A_833 = arith.constant 0 : i32
      %parallel_loop3A_834 = tpu.memref_slice %arg12[%parallel_loop3A_453, %parallel_loop3A_832, %parallel_loop3A_833] : memref<4x64x128xf32, #tpu.memory_space<vmem>> -> memref<1x64x128xf32, #tpu.memory_space<vmem>>
      %parallel_loop3A_835 = tpu.memref_squeeze %parallel_loop3A_834 : memref<1x64x128xf32, #tpu.memory_space<vmem>> -> memref<64x128xf32, #tpu.memory_space<vmem>>
      %parallel_loop3A_836 = tpu.vector_load_idx %parallel_loop3A_835[%add3A_22, %parallel_loop3A_790] : memref<64x128xf32, #tpu.memory_space<vmem>>[vector<16xi32>, vector<16xi32>], vector<16xf32>,
      %parallel_loop3A_837 = arith.mulf %parallel_loop3A_831, %parallel_loop3A_836 : vector<16xf32>
      %parallel_loop3A_838 = arith.addf %parallel_loop3A_785, %parallel_loop3A_837 : vector<16xf32>
      scf.yield %parallel_loop3A_802, %parallel_loop3A_814, %parallel_loop3A_826, %parallel_loop3A_838 : vector<16xf32>, vector<16xf32>, vector<16xf32>, vector<16xf32>
    } {sc.loop_unroll_factor = 2 : i64, sc.parallel_access}
    %get3A_455 = arith.constant 256 : index
    %get3A_456 = tpu.vector_load %arg10[%get3A_455] {strides = array<i32>} : memref<512xf32, #tpu.memory_space<vmem>>, vector<16xf32>,
    %mul3A_457 = arith.mulf %parallel_loop3A_454#0, %get3A_456 : vector<16xf32>
    %swap3A_458 = arith.constant 256 : index
    %swap3A_459 = tpu.vector_load %arg13[%swap3A_458] {strides = array<i32>} : memref<512xf32, #tpu.memory_space<vmem>>, vector<16xf32>,
    tpu.vector_store %arg13[%swap3A_458], %mul3A_457 {strides = array<i32>} : memref<512xf32, #tpu.memory_space<vmem>>, vector<16xf32>,
    %get3A_460 = arith.constant 272 : index
    %get3A_461 = tpu.vector_load %arg10[%get3A_460] {strides = array<i32>} : memref<512xf32, #tpu.memory_space<vmem>>, vector<16xf32>,
    %mul3A_462 = arith.mulf %parallel_loop3A_454#1, %get3A_461 : vector<16xf32>
    %swap3A_463 = arith.constant 272 : index
    %swap3A_464 = tpu.vector_load %arg13[%swap3A_463] {strides = array<i32>} : memref<512xf32, #tpu.memory_space<vmem>>, vector<16xf32>,
    tpu.vector_store %arg13[%swap3A_463], %mul3A_462 {strides = array<i32>} : memref<512xf32, #tpu.memory_space<vmem>>, vector<16xf32>,
    %get3A_465 = arith.constant 288 : index
    %get3A_466 = tpu.vector_load %arg10[%get3A_465] {strides = array<i32>} : memref<512xf32, #tpu.memory_space<vmem>>, vector<16xf32>,
    %mul3A_467 = arith.mulf %parallel_loop3A_454#2, %get3A_466 : vector<16xf32>
    %swap3A_468 = arith.constant 288 : index
    %swap3A_469 = tpu.vector_load %arg13[%swap3A_468] {strides = array<i32>} : memref<512xf32, #tpu.memory_space<vmem>>, vector<16xf32>,
    tpu.vector_store %arg13[%swap3A_468], %mul3A_467 {strides = array<i32>} : memref<512xf32, #tpu.memory_space<vmem>>, vector<16xf32>,
    %get3A_470 = arith.constant 304 : index
    %get3A_471 = tpu.vector_load %arg10[%get3A_470] {strides = array<i32>} : memref<512xf32, #tpu.memory_space<vmem>>, vector<16xf32>,
    %mul3A_472 = arith.mulf %parallel_loop3A_454#3, %get3A_471 : vector<16xf32>
    %swap3A_473 = arith.constant 304 : index
    %swap3A_474 = tpu.vector_load %arg13[%swap3A_473] {strides = array<i32>} : memref<512xf32, #tpu.memory_space<vmem>>, vector<16xf32>,
    tpu.vector_store %arg13[%swap3A_473], %mul3A_472 {strides = array<i32>} : memref<512xf32, #tpu.memory_space<vmem>>, vector<16xf32>,
    %dma_start3A_475 = arith.constant 256 : i32
    %dma_start3A_476 = tpu.memref_slice %arg13[%dma_start3A_475] : memref<512xf32, #tpu.memory_space<vmem>> -> memref<64xf32, #tpu.memory_space<vmem>>
    %dma_start3A_477 = arith.constant 0 : i32
    %dma_start3A_478 = tpu.memref_slice %arg7[%add3A, %dma_start3A_477] : memref<32x512xf32, #tpu.memory_space<hbm>> -> memref<1x512xf32, #tpu.memory_space<hbm>>
    %dma_start3A_479 = tpu.memref_squeeze %dma_start3A_478 : memref<1x512xf32, #tpu.memory_space<hbm>> -> memref<512xf32, #tpu.memory_space<hbm>>
    %dma_start3A_480 = arith.constant 256 : i32
    %dma_start3A_481 = tpu.memref_slice %dma_start3A_479[%dma_start3A_480] : memref<512xf32, #tpu.memory_space<hbm>> -> memref<64xf32, #tpu.memory_space<hbm>>
    %dma_start3A_482 = arith.constant 0 : i32
    %dma_start3A_483 = tpu.memref_slice %arg7[%add3A, %dma_start3A_482] : memref<32x512xf32, #tpu.memory_space<hbm>> -> memref<1x512xf32, #tpu.memory_space<hbm>>
    %dma_start3A_484 = tpu.memref_squeeze %dma_start3A_483 : memref<1x512xf32, #tpu.memory_space<hbm>> -> memref<512xf32, #tpu.memory_space<hbm>>
    %dma_start3A_485 = arith.constant 256 : i32
    %dma_start3A_486 = tpu.memref_slice %dma_start3A_484[%dma_start3A_485] : memref<512xf32, #tpu.memory_space<hbm>> -> memref<64xf32, #tpu.memory_space<hbm>>
    %dma_start3A_487 = arith.constant 256 : i32
    %dma_start3A_488 = tpu.memref_slice %arg13[%dma_start3A_487] : memref<512xf32, #tpu.memory_space<vmem>> -> memref<64xf32, #tpu.memory_space<vmem>>
    tpu.enqueue_dma source(%dma_start3A_488 : memref<64xf32, #tpu.memory_space<vmem>>) target(%dma_start3A_486 : memref<64xf32, #tpu.memory_space<hbm>>) target_semaphore(%arg14 : memref<!tpu.dma_semaphore, #tpu.memory_space<semaphore_mem>>)
    %dma_wait3A_489 = arith.constant 1 : i32
    %dma_wait3A_490 = arith.constant 0 : i32
    %dma_wait3A_491 = arith.constant 0 : i32
    %dma_wait3A_492 = tpu.memref_slice %arg11[%dma_wait3A_489, %dma_wait3A_490, %dma_wait3A_491] : memref<4x64x128xf32, #tpu.memory_space<vmem>> -> memref<1x64x128xf32, #tpu.memory_space<vmem>>
    %dma_wait3A_493 = tpu.memref_squeeze %dma_wait3A_492 : memref<1x64x128xf32, #tpu.memory_space<vmem>> -> memref<64x128xf32, #tpu.memory_space<vmem>>
    %dma_wait3A_494 = arith.constant 320 : i32
    %dma_wait3A_495 = tpu.memref_slice %arg8[%dma_wait3A_494] : memref<512xi32, #tpu.memory_space<vmem>> -> memref<64xi32, #tpu.memory_space<vmem>>
    %dma_wait3A_496 = arith.constant 0 : i32
    %dma_wait3A_497 = arith.constant 0 : i32
    %dma_wait3A_498 = tpu.memref_slice %arg2[%dma_wait3A_496, %dma_wait3A_497] : memref<100000x128xf32, #tpu.memory_space<hbm>> -> memref<100000x128xf32, #tpu.memory_space<hbm>>
    tpu.wait_indirect_dma semaphore(%arg16 : memref<!tpu.dma_semaphore, #tpu.memory_space<semaphore_mem>>) src(%dma_wait3A_498 : memref<100000x128xf32, #tpu.memory_space<hbm>>) dst(%dma_wait3A_493 : memref<64x128xf32, #tpu.memory_space<vmem>>)
    %dma_wait3A_499 = arith.constant 1 : i32
    %dma_wait3A_500 = arith.constant 0 : i32
    %dma_wait3A_501 = arith.constant 0 : i32
    %dma_wait3A_502 = tpu.memref_slice %arg12[%dma_wait3A_499, %dma_wait3A_500, %dma_wait3A_501] : memref<4x64x128xf32, #tpu.memory_space<vmem>> -> memref<1x64x128xf32, #tpu.memory_space<vmem>>
    %dma_wait3A_503 = tpu.memref_squeeze %dma_wait3A_502 : memref<1x64x128xf32, #tpu.memory_space<vmem>> -> memref<64x128xf32, #tpu.memory_space<vmem>>
    %dma_wait3A_504 = arith.constant 320 : i32
    %dma_wait3A_505 = tpu.memref_slice %arg9[%dma_wait3A_504] : memref<512xi32, #tpu.memory_space<vmem>> -> memref<64xi32, #tpu.memory_space<vmem>>
    %dma_wait3A_506 = arith.constant 0 : i32
    %dma_wait3A_507 = arith.constant 0 : i32
    %dma_wait3A_508 = tpu.memref_slice %arg3[%dma_wait3A_506, %dma_wait3A_507] : memref<100000x128xf32, #tpu.memory_space<hbm>> -> memref<100000x128xf32, #tpu.memory_space<hbm>>
    tpu.wait_indirect_dma semaphore(%arg16 : memref<!tpu.dma_semaphore, #tpu.memory_space<semaphore_mem>>) src(%dma_wait3A_508 : memref<100000x128xf32, #tpu.memory_space<hbm>>) dst(%dma_wait3A_503 : memref<64x128xf32, #tpu.memory_space<vmem>>)
    %parallel_loop3A_509 = arith.constant 0 : i32
    %parallel_loop3A_510 = arith.constant 128 : i32
    %parallel_loop3A_511 = arith.constant 1 : i32
    %parallel_loop3A_512 = arith.constant 1 : i32
    %parallel_loop3A_513 = arith.constant 1 : i32
    %parallel_loop3A_514:4 = scf.for %parallel_loop3A_781 = %parallel_loop3A_509 to %parallel_loop3A_510 step %parallel_loop3A_511 iter_args(%parallel_loop3A_782 = %broadcast_in_dim3A_23, %parallel_loop3A_783 = %broadcast_in_dim3A_25, %parallel_loop3A_784 = %broadcast_in_dim3A_27, %parallel_loop3A_785 = %broadcast_in_dim3A_29) -> (vector<16xf32>, vector<16xf32>, vector<16xf32>, vector<16xf32>)  : i32 {
      %parallel_loop3A_786 = vector.broadcast %parallel_loop3A_781 : i32 to vector<16xi32>
      %parallel_loop3A_787 = arith.addi %parallel_loop3A_786, %iota3A : vector<16xi32>
      %parallel_loop3A_788 = arith.constant 127 : i32
      %parallel_loop3A_789 = vector.broadcast %parallel_loop3A_788 : i32 to vector<16xi32>
      %parallel_loop3A_790 = arith.andi %parallel_loop3A_787, %parallel_loop3A_789 : vector<16xi32>
      %parallel_loop3A_791 = arith.constant 0 : i32
      %parallel_loop3A_792 = arith.constant 0 : i32
      %parallel_loop3A_793 = tpu.memref_slice %arg11[%parallel_loop3A_512, %parallel_loop3A_791, %parallel_loop3A_792] : memref<4x64x128xf32, #tpu.memory_space<vmem>> -> memref<1x64x128xf32, #tpu.memory_space<vmem>>
      %parallel_loop3A_794 = tpu.memref_squeeze %parallel_loop3A_793 : memref<1x64x128xf32, #tpu.memory_space<vmem>> -> memref<64x128xf32, #tpu.memory_space<vmem>>
      %parallel_loop3A_795 = tpu.vector_load_idx %parallel_loop3A_794[%add3A_13, %parallel_loop3A_790] : memref<64x128xf32, #tpu.memory_space<vmem>>[vector<16xi32>, vector<16xi32>], vector<16xf32>,
      %parallel_loop3A_796 = arith.constant 0 : i32
      %parallel_loop3A_797 = arith.constant 0 : i32
      %parallel_loop3A_798 = tpu.memref_slice %arg12[%parallel_loop3A_513, %parallel_loop3A_796, %parallel_loop3A_797] : memref<4x64x128xf32, #tpu.memory_space<vmem>> -> memref<1x64x128xf32, #tpu.memory_space<vmem>>
      %parallel_loop3A_799 = tpu.memref_squeeze %parallel_loop3A_798 : memref<1x64x128xf32, #tpu.memory_space<vmem>> -> memref<64x128xf32, #tpu.memory_space<vmem>>
      %parallel_loop3A_800 = tpu.vector_load_idx %parallel_loop3A_799[%add3A_13, %parallel_loop3A_790] : memref<64x128xf32, #tpu.memory_space<vmem>>[vector<16xi32>, vector<16xi32>], vector<16xf32>,
      %parallel_loop3A_801 = arith.mulf %parallel_loop3A_795, %parallel_loop3A_800 : vector<16xf32>
      %parallel_loop3A_802 = arith.addf %parallel_loop3A_782, %parallel_loop3A_801 : vector<16xf32>
      %parallel_loop3A_803 = arith.constant 0 : i32
      %parallel_loop3A_804 = arith.constant 0 : i32
      %parallel_loop3A_805 = tpu.memref_slice %arg11[%parallel_loop3A_512, %parallel_loop3A_803, %parallel_loop3A_804] : memref<4x64x128xf32, #tpu.memory_space<vmem>> -> memref<1x64x128xf32, #tpu.memory_space<vmem>>
      %parallel_loop3A_806 = tpu.memref_squeeze %parallel_loop3A_805 : memref<1x64x128xf32, #tpu.memory_space<vmem>> -> memref<64x128xf32, #tpu.memory_space<vmem>>
      %parallel_loop3A_807 = tpu.vector_load_idx %parallel_loop3A_806[%add3A_16, %parallel_loop3A_790] : memref<64x128xf32, #tpu.memory_space<vmem>>[vector<16xi32>, vector<16xi32>], vector<16xf32>,
      %parallel_loop3A_808 = arith.constant 0 : i32
      %parallel_loop3A_809 = arith.constant 0 : i32
      %parallel_loop3A_810 = tpu.memref_slice %arg12[%parallel_loop3A_513, %parallel_loop3A_808, %parallel_loop3A_809] : memref<4x64x128xf32, #tpu.memory_space<vmem>> -> memref<1x64x128xf32, #tpu.memory_space<vmem>>
      %parallel_loop3A_811 = tpu.memref_squeeze %parallel_loop3A_810 : memref<1x64x128xf32, #tpu.memory_space<vmem>> -> memref<64x128xf32, #tpu.memory_space<vmem>>
      %parallel_loop3A_812 = tpu.vector_load_idx %parallel_loop3A_811[%add3A_16, %parallel_loop3A_790] : memref<64x128xf32, #tpu.memory_space<vmem>>[vector<16xi32>, vector<16xi32>], vector<16xf32>,
      %parallel_loop3A_813 = arith.mulf %parallel_loop3A_807, %parallel_loop3A_812 : vector<16xf32>
      %parallel_loop3A_814 = arith.addf %parallel_loop3A_783, %parallel_loop3A_813 : vector<16xf32>
      %parallel_loop3A_815 = arith.constant 0 : i32
      %parallel_loop3A_816 = arith.constant 0 : i32
      %parallel_loop3A_817 = tpu.memref_slice %arg11[%parallel_loop3A_512, %parallel_loop3A_815, %parallel_loop3A_816] : memref<4x64x128xf32, #tpu.memory_space<vmem>> -> memref<1x64x128xf32, #tpu.memory_space<vmem>>
      %parallel_loop3A_818 = tpu.memref_squeeze %parallel_loop3A_817 : memref<1x64x128xf32, #tpu.memory_space<vmem>> -> memref<64x128xf32, #tpu.memory_space<vmem>>
      %parallel_loop3A_819 = tpu.vector_load_idx %parallel_loop3A_818[%add3A_19, %parallel_loop3A_790] : memref<64x128xf32, #tpu.memory_space<vmem>>[vector<16xi32>, vector<16xi32>], vector<16xf32>,
      %parallel_loop3A_820 = arith.constant 0 : i32
      %parallel_loop3A_821 = arith.constant 0 : i32
      %parallel_loop3A_822 = tpu.memref_slice %arg12[%parallel_loop3A_513, %parallel_loop3A_820, %parallel_loop3A_821] : memref<4x64x128xf32, #tpu.memory_space<vmem>> -> memref<1x64x128xf32, #tpu.memory_space<vmem>>
      %parallel_loop3A_823 = tpu.memref_squeeze %parallel_loop3A_822 : memref<1x64x128xf32, #tpu.memory_space<vmem>> -> memref<64x128xf32, #tpu.memory_space<vmem>>
      %parallel_loop3A_824 = tpu.vector_load_idx %parallel_loop3A_823[%add3A_19, %parallel_loop3A_790] : memref<64x128xf32, #tpu.memory_space<vmem>>[vector<16xi32>, vector<16xi32>], vector<16xf32>,
      %parallel_loop3A_825 = arith.mulf %parallel_loop3A_819, %parallel_loop3A_824 : vector<16xf32>
      %parallel_loop3A_826 = arith.addf %parallel_loop3A_784, %parallel_loop3A_825 : vector<16xf32>
      %parallel_loop3A_827 = arith.constant 0 : i32
      %parallel_loop3A_828 = arith.constant 0 : i32
      %parallel_loop3A_829 = tpu.memref_slice %arg11[%parallel_loop3A_512, %parallel_loop3A_827, %parallel_loop3A_828] : memref<4x64x128xf32, #tpu.memory_space<vmem>> -> memref<1x64x128xf32, #tpu.memory_space<vmem>>
      %parallel_loop3A_830 = tpu.memref_squeeze %parallel_loop3A_829 : memref<1x64x128xf32, #tpu.memory_space<vmem>> -> memref<64x128xf32, #tpu.memory_space<vmem>>
      %parallel_loop3A_831 = tpu.vector_load_idx %parallel_loop3A_830[%add3A_22, %parallel_loop3A_790] : memref<64x128xf32, #tpu.memory_space<vmem>>[vector<16xi32>, vector<16xi32>], vector<16xf32>,
      %parallel_loop3A_832 = arith.constant 0 : i32
      %parallel_loop3A_833 = arith.constant 0 : i32
      %parallel_loop3A_834 = tpu.memref_slice %arg12[%parallel_loop3A_513, %parallel_loop3A_832, %parallel_loop3A_833] : memref<4x64x128xf32, #tpu.memory_space<vmem>> -> memref<1x64x128xf32, #tpu.memory_space<vmem>>
      %parallel_loop3A_835 = tpu.memref_squeeze %parallel_loop3A_834 : memref<1x64x128xf32, #tpu.memory_space<vmem>> -> memref<64x128xf32, #tpu.memory_space<vmem>>
      %parallel_loop3A_836 = tpu.vector_load_idx %parallel_loop3A_835[%add3A_22, %parallel_loop3A_790] : memref<64x128xf32, #tpu.memory_space<vmem>>[vector<16xi32>, vector<16xi32>], vector<16xf32>,
      %parallel_loop3A_837 = arith.mulf %parallel_loop3A_831, %parallel_loop3A_836 : vector<16xf32>
      %parallel_loop3A_838 = arith.addf %parallel_loop3A_785, %parallel_loop3A_837 : vector<16xf32>
      scf.yield %parallel_loop3A_802, %parallel_loop3A_814, %parallel_loop3A_826, %parallel_loop3A_838 : vector<16xf32>, vector<16xf32>, vector<16xf32>, vector<16xf32>
    } {sc.loop_unroll_factor = 2 : i64, sc.parallel_access}
    %get3A_515 = arith.constant 320 : index
    %get3A_516 = tpu.vector_load %arg10[%get3A_515] {strides = array<i32>} : memref<512xf32, #tpu.memory_space<vmem>>, vector<16xf32>,
    %mul3A_517 = arith.mulf %parallel_loop3A_514#0, %get3A_516 : vector<16xf32>
    %swap3A_518 = arith.constant 320 : index
    %swap3A_519 = tpu.vector_load %arg13[%swap3A_518] {strides = array<i32>} : memref<512xf32, #tpu.memory_space<vmem>>, vector<16xf32>,
    tpu.vector_store %arg13[%swap3A_518], %mul3A_517 {strides = array<i32>} : memref<512xf32, #tpu.memory_space<vmem>>, vector<16xf32>,
    %get3A_520 = arith.constant 336 : index
    %get3A_521 = tpu.vector_load %arg10[%get3A_520] {strides = array<i32>} : memref<512xf32, #tpu.memory_space<vmem>>, vector<16xf32>,
    %mul3A_522 = arith.mulf %parallel_loop3A_514#1, %get3A_521 : vector<16xf32>
    %swap3A_523 = arith.constant 336 : index
    %swap3A_524 = tpu.vector_load %arg13[%swap3A_523] {strides = array<i32>} : memref<512xf32, #tpu.memory_space<vmem>>, vector<16xf32>,
    tpu.vector_store %arg13[%swap3A_523], %mul3A_522 {strides = array<i32>} : memref<512xf32, #tpu.memory_space<vmem>>, vector<16xf32>,
    %get3A_525 = arith.constant 352 : index
    %get3A_526 = tpu.vector_load %arg10[%get3A_525] {strides = array<i32>} : memref<512xf32, #tpu.memory_space<vmem>>, vector<16xf32>,
    %mul3A_527 = arith.mulf %parallel_loop3A_514#2, %get3A_526 : vector<16xf32>
    %swap3A_528 = arith.constant 352 : index
    %swap3A_529 = tpu.vector_load %arg13[%swap3A_528] {strides = array<i32>} : memref<512xf32, #tpu.memory_space<vmem>>, vector<16xf32>,
    tpu.vector_store %arg13[%swap3A_528], %mul3A_527 {strides = array<i32>} : memref<512xf32, #tpu.memory_space<vmem>>, vector<16xf32>,
    %get3A_530 = arith.constant 368 : index
    %get3A_531 = tpu.vector_load %arg10[%get3A_530] {strides = array<i32>} : memref<512xf32, #tpu.memory_space<vmem>>, vector<16xf32>,
    %mul3A_532 = arith.mulf %parallel_loop3A_514#3, %get3A_531 : vector<16xf32>
    %swap3A_533 = arith.constant 368 : index
    %swap3A_534 = tpu.vector_load %arg13[%swap3A_533] {strides = array<i32>} : memref<512xf32, #tpu.memory_space<vmem>>, vector<16xf32>,
    tpu.vector_store %arg13[%swap3A_533], %mul3A_532 {strides = array<i32>} : memref<512xf32, #tpu.memory_space<vmem>>, vector<16xf32>,
    %dma_start3A_535 = arith.constant 320 : i32
    %dma_start3A_536 = tpu.memref_slice %arg13[%dma_start3A_535] : memref<512xf32, #tpu.memory_space<vmem>> -> memref<64xf32, #tpu.memory_space<vmem>>
    %dma_start3A_537 = arith.constant 0 : i32
    %dma_start3A_538 = tpu.memref_slice %arg7[%add3A, %dma_start3A_537] : memref<32x512xf32, #tpu.memory_space<hbm>> -> memref<1x512xf32, #tpu.memory_space<hbm>>
    %dma_start3A_539 = tpu.memref_squeeze %dma_start3A_538 : memref<1x512xf32, #tpu.memory_space<hbm>> -> memref<512xf32, #tpu.memory_space<hbm>>
    %dma_start3A_540 = arith.constant 320 : i32
    %dma_start3A_541 = tpu.memref_slice %dma_start3A_539[%dma_start3A_540] : memref<512xf32, #tpu.memory_space<hbm>> -> memref<64xf32, #tpu.memory_space<hbm>>
    %dma_start3A_542 = arith.constant 0 : i32
    %dma_start3A_543 = tpu.memref_slice %arg7[%add3A, %dma_start3A_542] : memref<32x512xf32, #tpu.memory_space<hbm>> -> memref<1x512xf32, #tpu.memory_space<hbm>>
    %dma_start3A_544 = tpu.memref_squeeze %dma_start3A_543 : memref<1x512xf32, #tpu.memory_space<hbm>> -> memref<512xf32, #tpu.memory_space<hbm>>
    %dma_start3A_545 = arith.constant 320 : i32
    %dma_start3A_546 = tpu.memref_slice %dma_start3A_544[%dma_start3A_545] : memref<512xf32, #tpu.memory_space<hbm>> -> memref<64xf32, #tpu.memory_space<hbm>>
    %dma_start3A_547 = arith.constant 320 : i32
    %dma_start3A_548 = tpu.memref_slice %arg13[%dma_start3A_547] : memref<512xf32, #tpu.memory_space<vmem>> -> memref<64xf32, #tpu.memory_space<vmem>>
    tpu.enqueue_dma source(%dma_start3A_548 : memref<64xf32, #tpu.memory_space<vmem>>) target(%dma_start3A_546 : memref<64xf32, #tpu.memory_space<hbm>>) target_semaphore(%arg14 : memref<!tpu.dma_semaphore, #tpu.memory_space<semaphore_mem>>)
    %dma_wait3A_549 = arith.constant 2 : i32
    %dma_wait3A_550 = arith.constant 0 : i32
    %dma_wait3A_551 = arith.constant 0 : i32
    %dma_wait3A_552 = tpu.memref_slice %arg11[%dma_wait3A_549, %dma_wait3A_550, %dma_wait3A_551] : memref<4x64x128xf32, #tpu.memory_space<vmem>> -> memref<1x64x128xf32, #tpu.memory_space<vmem>>
    %dma_wait3A_553 = tpu.memref_squeeze %dma_wait3A_552 : memref<1x64x128xf32, #tpu.memory_space<vmem>> -> memref<64x128xf32, #tpu.memory_space<vmem>>
    %dma_wait3A_554 = arith.constant 384 : i32
    %dma_wait3A_555 = tpu.memref_slice %arg8[%dma_wait3A_554] : memref<512xi32, #tpu.memory_space<vmem>> -> memref<64xi32, #tpu.memory_space<vmem>>
    %dma_wait3A_556 = arith.constant 0 : i32
    %dma_wait3A_557 = arith.constant 0 : i32
    %dma_wait3A_558 = tpu.memref_slice %arg2[%dma_wait3A_556, %dma_wait3A_557] : memref<100000x128xf32, #tpu.memory_space<hbm>> -> memref<100000x128xf32, #tpu.memory_space<hbm>>
    tpu.wait_indirect_dma semaphore(%arg17 : memref<!tpu.dma_semaphore, #tpu.memory_space<semaphore_mem>>) src(%dma_wait3A_558 : memref<100000x128xf32, #tpu.memory_space<hbm>>) dst(%dma_wait3A_553 : memref<64x128xf32, #tpu.memory_space<vmem>>)
    %dma_wait3A_559 = arith.constant 2 : i32
    %dma_wait3A_560 = arith.constant 0 : i32
    %dma_wait3A_561 = arith.constant 0 : i32
    %dma_wait3A_562 = tpu.memref_slice %arg12[%dma_wait3A_559, %dma_wait3A_560, %dma_wait3A_561] : memref<4x64x128xf32, #tpu.memory_space<vmem>> -> memref<1x64x128xf32, #tpu.memory_space<vmem>>
    %dma_wait3A_563 = tpu.memref_squeeze %dma_wait3A_562 : memref<1x64x128xf32, #tpu.memory_space<vmem>> -> memref<64x128xf32, #tpu.memory_space<vmem>>
    %dma_wait3A_564 = arith.constant 384 : i32
    %dma_wait3A_565 = tpu.memref_slice %arg9[%dma_wait3A_564] : memref<512xi32, #tpu.memory_space<vmem>> -> memref<64xi32, #tpu.memory_space<vmem>>
    %dma_wait3A_566 = arith.constant 0 : i32
    %dma_wait3A_567 = arith.constant 0 : i32
    %dma_wait3A_568 = tpu.memref_slice %arg3[%dma_wait3A_566, %dma_wait3A_567] : memref<100000x128xf32, #tpu.memory_space<hbm>> -> memref<100000x128xf32, #tpu.memory_space<hbm>>
    tpu.wait_indirect_dma semaphore(%arg17 : memref<!tpu.dma_semaphore, #tpu.memory_space<semaphore_mem>>) src(%dma_wait3A_568 : memref<100000x128xf32, #tpu.memory_space<hbm>>) dst(%dma_wait3A_563 : memref<64x128xf32, #tpu.memory_space<vmem>>)
    %parallel_loop3A_569 = arith.constant 0 : i32
    %parallel_loop3A_570 = arith.constant 128 : i32
    %parallel_loop3A_571 = arith.constant 1 : i32
    %parallel_loop3A_572 = arith.constant 2 : i32
    %parallel_loop3A_573 = arith.constant 2 : i32
    %parallel_loop3A_574:4 = scf.for %parallel_loop3A_781 = %parallel_loop3A_569 to %parallel_loop3A_570 step %parallel_loop3A_571 iter_args(%parallel_loop3A_782 = %broadcast_in_dim3A_23, %parallel_loop3A_783 = %broadcast_in_dim3A_25, %parallel_loop3A_784 = %broadcast_in_dim3A_27, %parallel_loop3A_785 = %broadcast_in_dim3A_29) -> (vector<16xf32>, vector<16xf32>, vector<16xf32>, vector<16xf32>)  : i32 {
      %parallel_loop3A_786 = vector.broadcast %parallel_loop3A_781 : i32 to vector<16xi32>
      %parallel_loop3A_787 = arith.addi %parallel_loop3A_786, %iota3A : vector<16xi32>
      %parallel_loop3A_788 = arith.constant 127 : i32
      %parallel_loop3A_789 = vector.broadcast %parallel_loop3A_788 : i32 to vector<16xi32>
      %parallel_loop3A_790 = arith.andi %parallel_loop3A_787, %parallel_loop3A_789 : vector<16xi32>
      %parallel_loop3A_791 = arith.constant 0 : i32
      %parallel_loop3A_792 = arith.constant 0 : i32
      %parallel_loop3A_793 = tpu.memref_slice %arg11[%parallel_loop3A_572, %parallel_loop3A_791, %parallel_loop3A_792] : memref<4x64x128xf32, #tpu.memory_space<vmem>> -> memref<1x64x128xf32, #tpu.memory_space<vmem>>
      %parallel_loop3A_794 = tpu.memref_squeeze %parallel_loop3A_793 : memref<1x64x128xf32, #tpu.memory_space<vmem>> -> memref<64x128xf32, #tpu.memory_space<vmem>>
      %parallel_loop3A_795 = tpu.vector_load_idx %parallel_loop3A_794[%add3A_13, %parallel_loop3A_790] : memref<64x128xf32, #tpu.memory_space<vmem>>[vector<16xi32>, vector<16xi32>], vector<16xf32>,
      %parallel_loop3A_796 = arith.constant 0 : i32
      %parallel_loop3A_797 = arith.constant 0 : i32
      %parallel_loop3A_798 = tpu.memref_slice %arg12[%parallel_loop3A_573, %parallel_loop3A_796, %parallel_loop3A_797] : memref<4x64x128xf32, #tpu.memory_space<vmem>> -> memref<1x64x128xf32, #tpu.memory_space<vmem>>
      %parallel_loop3A_799 = tpu.memref_squeeze %parallel_loop3A_798 : memref<1x64x128xf32, #tpu.memory_space<vmem>> -> memref<64x128xf32, #tpu.memory_space<vmem>>
      %parallel_loop3A_800 = tpu.vector_load_idx %parallel_loop3A_799[%add3A_13, %parallel_loop3A_790] : memref<64x128xf32, #tpu.memory_space<vmem>>[vector<16xi32>, vector<16xi32>], vector<16xf32>,
      %parallel_loop3A_801 = arith.mulf %parallel_loop3A_795, %parallel_loop3A_800 : vector<16xf32>
      %parallel_loop3A_802 = arith.addf %parallel_loop3A_782, %parallel_loop3A_801 : vector<16xf32>
      %parallel_loop3A_803 = arith.constant 0 : i32
      %parallel_loop3A_804 = arith.constant 0 : i32
      %parallel_loop3A_805 = tpu.memref_slice %arg11[%parallel_loop3A_572, %parallel_loop3A_803, %parallel_loop3A_804] : memref<4x64x128xf32, #tpu.memory_space<vmem>> -> memref<1x64x128xf32, #tpu.memory_space<vmem>>
      %parallel_loop3A_806 = tpu.memref_squeeze %parallel_loop3A_805 : memref<1x64x128xf32, #tpu.memory_space<vmem>> -> memref<64x128xf32, #tpu.memory_space<vmem>>
      %parallel_loop3A_807 = tpu.vector_load_idx %parallel_loop3A_806[%add3A_16, %parallel_loop3A_790] : memref<64x128xf32, #tpu.memory_space<vmem>>[vector<16xi32>, vector<16xi32>], vector<16xf32>,
      %parallel_loop3A_808 = arith.constant 0 : i32
      %parallel_loop3A_809 = arith.constant 0 : i32
      %parallel_loop3A_810 = tpu.memref_slice %arg12[%parallel_loop3A_573, %parallel_loop3A_808, %parallel_loop3A_809] : memref<4x64x128xf32, #tpu.memory_space<vmem>> -> memref<1x64x128xf32, #tpu.memory_space<vmem>>
      %parallel_loop3A_811 = tpu.memref_squeeze %parallel_loop3A_810 : memref<1x64x128xf32, #tpu.memory_space<vmem>> -> memref<64x128xf32, #tpu.memory_space<vmem>>
      %parallel_loop3A_812 = tpu.vector_load_idx %parallel_loop3A_811[%add3A_16, %parallel_loop3A_790] : memref<64x128xf32, #tpu.memory_space<vmem>>[vector<16xi32>, vector<16xi32>], vector<16xf32>,
      %parallel_loop3A_813 = arith.mulf %parallel_loop3A_807, %parallel_loop3A_812 : vector<16xf32>
      %parallel_loop3A_814 = arith.addf %parallel_loop3A_783, %parallel_loop3A_813 : vector<16xf32>
      %parallel_loop3A_815 = arith.constant 0 : i32
      %parallel_loop3A_816 = arith.constant 0 : i32
      %parallel_loop3A_817 = tpu.memref_slice %arg11[%parallel_loop3A_572, %parallel_loop3A_815, %parallel_loop3A_816] : memref<4x64x128xf32, #tpu.memory_space<vmem>> -> memref<1x64x128xf32, #tpu.memory_space<vmem>>
      %parallel_loop3A_818 = tpu.memref_squeeze %parallel_loop3A_817 : memref<1x64x128xf32, #tpu.memory_space<vmem>> -> memref<64x128xf32, #tpu.memory_space<vmem>>
      %parallel_loop3A_819 = tpu.vector_load_idx %parallel_loop3A_818[%add3A_19, %parallel_loop3A_790] : memref<64x128xf32, #tpu.memory_space<vmem>>[vector<16xi32>, vector<16xi32>], vector<16xf32>,
      %parallel_loop3A_820 = arith.constant 0 : i32
      %parallel_loop3A_821 = arith.constant 0 : i32
      %parallel_loop3A_822 = tpu.memref_slice %arg12[%parallel_loop3A_573, %parallel_loop3A_820, %parallel_loop3A_821] : memref<4x64x128xf32, #tpu.memory_space<vmem>> -> memref<1x64x128xf32, #tpu.memory_space<vmem>>
      %parallel_loop3A_823 = tpu.memref_squeeze %parallel_loop3A_822 : memref<1x64x128xf32, #tpu.memory_space<vmem>> -> memref<64x128xf32, #tpu.memory_space<vmem>>
      %parallel_loop3A_824 = tpu.vector_load_idx %parallel_loop3A_823[%add3A_19, %parallel_loop3A_790] : memref<64x128xf32, #tpu.memory_space<vmem>>[vector<16xi32>, vector<16xi32>], vector<16xf32>,
      %parallel_loop3A_825 = arith.mulf %parallel_loop3A_819, %parallel_loop3A_824 : vector<16xf32>
      %parallel_loop3A_826 = arith.addf %parallel_loop3A_784, %parallel_loop3A_825 : vector<16xf32>
      %parallel_loop3A_827 = arith.constant 0 : i32
      %parallel_loop3A_828 = arith.constant 0 : i32
      %parallel_loop3A_829 = tpu.memref_slice %arg11[%parallel_loop3A_572, %parallel_loop3A_827, %parallel_loop3A_828] : memref<4x64x128xf32, #tpu.memory_space<vmem>> -> memref<1x64x128xf32, #tpu.memory_space<vmem>>
      %parallel_loop3A_830 = tpu.memref_squeeze %parallel_loop3A_829 : memref<1x64x128xf32, #tpu.memory_space<vmem>> -> memref<64x128xf32, #tpu.memory_space<vmem>>
      %parallel_loop3A_831 = tpu.vector_load_idx %parallel_loop3A_830[%add3A_22, %parallel_loop3A_790] : memref<64x128xf32, #tpu.memory_space<vmem>>[vector<16xi32>, vector<16xi32>], vector<16xf32>,
      %parallel_loop3A_832 = arith.constant 0 : i32
      %parallel_loop3A_833 = arith.constant 0 : i32
      %parallel_loop3A_834 = tpu.memref_slice %arg12[%parallel_loop3A_573, %parallel_loop3A_832, %parallel_loop3A_833] : memref<4x64x128xf32, #tpu.memory_space<vmem>> -> memref<1x64x128xf32, #tpu.memory_space<vmem>>
      %parallel_loop3A_835 = tpu.memref_squeeze %parallel_loop3A_834 : memref<1x64x128xf32, #tpu.memory_space<vmem>> -> memref<64x128xf32, #tpu.memory_space<vmem>>
      %parallel_loop3A_836 = tpu.vector_load_idx %parallel_loop3A_835[%add3A_22, %parallel_loop3A_790] : memref<64x128xf32, #tpu.memory_space<vmem>>[vector<16xi32>, vector<16xi32>], vector<16xf32>,
      %parallel_loop3A_837 = arith.mulf %parallel_loop3A_831, %parallel_loop3A_836 : vector<16xf32>
      %parallel_loop3A_838 = arith.addf %parallel_loop3A_785, %parallel_loop3A_837 : vector<16xf32>
      scf.yield %parallel_loop3A_802, %parallel_loop3A_814, %parallel_loop3A_826, %parallel_loop3A_838 : vector<16xf32>, vector<16xf32>, vector<16xf32>, vector<16xf32>
    } {sc.loop_unroll_factor = 2 : i64, sc.parallel_access}
    %get3A_575 = arith.constant 384 : index
    %get3A_576 = tpu.vector_load %arg10[%get3A_575] {strides = array<i32>} : memref<512xf32, #tpu.memory_space<vmem>>, vector<16xf32>,
    %mul3A_577 = arith.mulf %parallel_loop3A_574#0, %get3A_576 : vector<16xf32>
    %swap3A_578 = arith.constant 384 : index
    %swap3A_579 = tpu.vector_load %arg13[%swap3A_578] {strides = array<i32>} : memref<512xf32, #tpu.memory_space<vmem>>, vector<16xf32>,
    tpu.vector_store %arg13[%swap3A_578], %mul3A_577 {strides = array<i32>} : memref<512xf32, #tpu.memory_space<vmem>>, vector<16xf32>,
    %get3A_580 = arith.constant 400 : index
    %get3A_581 = tpu.vector_load %arg10[%get3A_580] {strides = array<i32>} : memref<512xf32, #tpu.memory_space<vmem>>, vector<16xf32>,
    %mul3A_582 = arith.mulf %parallel_loop3A_574#1, %get3A_581 : vector<16xf32>
    %swap3A_583 = arith.constant 400 : index
    %swap3A_584 = tpu.vector_load %arg13[%swap3A_583] {strides = array<i32>} : memref<512xf32, #tpu.memory_space<vmem>>, vector<16xf32>,
    tpu.vector_store %arg13[%swap3A_583], %mul3A_582 {strides = array<i32>} : memref<512xf32, #tpu.memory_space<vmem>>, vector<16xf32>,
    %get3A_585 = arith.constant 416 : index
    %get3A_586 = tpu.vector_load %arg10[%get3A_585] {strides = array<i32>} : memref<512xf32, #tpu.memory_space<vmem>>, vector<16xf32>,
    %mul3A_587 = arith.mulf %parallel_loop3A_574#2, %get3A_586 : vector<16xf32>
    %swap3A_588 = arith.constant 416 : index
    %swap3A_589 = tpu.vector_load %arg13[%swap3A_588] {strides = array<i32>} : memref<512xf32, #tpu.memory_space<vmem>>, vector<16xf32>,
    tpu.vector_store %arg13[%swap3A_588], %mul3A_587 {strides = array<i32>} : memref<512xf32, #tpu.memory_space<vmem>>, vector<16xf32>,
    %get3A_590 = arith.constant 432 : index
    %get3A_591 = tpu.vector_load %arg10[%get3A_590] {strides = array<i32>} : memref<512xf32, #tpu.memory_space<vmem>>, vector<16xf32>,
    %mul3A_592 = arith.mulf %parallel_loop3A_574#3, %get3A_591 : vector<16xf32>
    %swap3A_593 = arith.constant 432 : index
    %swap3A_594 = tpu.vector_load %arg13[%swap3A_593] {strides = array<i32>} : memref<512xf32, #tpu.memory_space<vmem>>, vector<16xf32>,
    tpu.vector_store %arg13[%swap3A_593], %mul3A_592 {strides = array<i32>} : memref<512xf32, #tpu.memory_space<vmem>>, vector<16xf32>,
    %dma_start3A_595 = arith.constant 384 : i32
    %dma_start3A_596 = tpu.memref_slice %arg13[%dma_start3A_595] : memref<512xf32, #tpu.memory_space<vmem>> -> memref<64xf32, #tpu.memory_space<vmem>>
    %dma_start3A_597 = arith.constant 0 : i32
    %dma_start3A_598 = tpu.memref_slice %arg7[%add3A, %dma_start3A_597] : memref<32x512xf32, #tpu.memory_space<hbm>> -> memref<1x512xf32, #tpu.memory_space<hbm>>
    %dma_start3A_599 = tpu.memref_squeeze %dma_start3A_598 : memref<1x512xf32, #tpu.memory_space<hbm>> -> memref<512xf32, #tpu.memory_space<hbm>>
    %dma_start3A_600 = arith.constant 384 : i32
    %dma_start3A_601 = tpu.memref_slice %dma_start3A_599[%dma_start3A_600] : memref<512xf32, #tpu.memory_space<hbm>> -> memref<64xf32, #tpu.memory_space<hbm>>
    %dma_start3A_602 = arith.constant 0 : i32
    %dma_start3A_603 = tpu.memref_slice %arg7[%add3A, %dma_start3A_602] : memref<32x512xf32, #tpu.memory_space<hbm>> -> memref<1x512xf32, #tpu.memory_space<hbm>>
    %dma_start3A_604 = tpu.memref_squeeze %dma_start3A_603 : memref<1x512xf32, #tpu.memory_space<hbm>> -> memref<512xf32, #tpu.memory_space<hbm>>
    %dma_start3A_605 = arith.constant 384 : i32
    %dma_start3A_606 = tpu.memref_slice %dma_start3A_604[%dma_start3A_605] : memref<512xf32, #tpu.memory_space<hbm>> -> memref<64xf32, #tpu.memory_space<hbm>>
    %dma_start3A_607 = arith.constant 384 : i32
    %dma_start3A_608 = tpu.memref_slice %arg13[%dma_start3A_607] : memref<512xf32, #tpu.memory_space<vmem>> -> memref<64xf32, #tpu.memory_space<vmem>>
    tpu.enqueue_dma source(%dma_start3A_608 : memref<64xf32, #tpu.memory_space<vmem>>) target(%dma_start3A_606 : memref<64xf32, #tpu.memory_space<hbm>>) target_semaphore(%arg14 : memref<!tpu.dma_semaphore, #tpu.memory_space<semaphore_mem>>)
    %dma_wait3A_609 = arith.constant 3 : i32
    %dma_wait3A_610 = arith.constant 0 : i32
    %dma_wait3A_611 = arith.constant 0 : i32
    %dma_wait3A_612 = tpu.memref_slice %arg11[%dma_wait3A_609, %dma_wait3A_610, %dma_wait3A_611] : memref<4x64x128xf32, #tpu.memory_space<vmem>> -> memref<1x64x128xf32, #tpu.memory_space<vmem>>
    %dma_wait3A_613 = tpu.memref_squeeze %dma_wait3A_612 : memref<1x64x128xf32, #tpu.memory_space<vmem>> -> memref<64x128xf32, #tpu.memory_space<vmem>>
    %dma_wait3A_614 = arith.constant 448 : i32
    %dma_wait3A_615 = tpu.memref_slice %arg8[%dma_wait3A_614] : memref<512xi32, #tpu.memory_space<vmem>> -> memref<64xi32, #tpu.memory_space<vmem>>
    %dma_wait3A_616 = arith.constant 0 : i32
    %dma_wait3A_617 = arith.constant 0 : i32
    %dma_wait3A_618 = tpu.memref_slice %arg2[%dma_wait3A_616, %dma_wait3A_617] : memref<100000x128xf32, #tpu.memory_space<hbm>> -> memref<100000x128xf32, #tpu.memory_space<hbm>>
    tpu.wait_indirect_dma semaphore(%arg18 : memref<!tpu.dma_semaphore, #tpu.memory_space<semaphore_mem>>) src(%dma_wait3A_618 : memref<100000x128xf32, #tpu.memory_space<hbm>>) dst(%dma_wait3A_613 : memref<64x128xf32, #tpu.memory_space<vmem>>)
    %dma_wait3A_619 = arith.constant 3 : i32
    %dma_wait3A_620 = arith.constant 0 : i32
    %dma_wait3A_621 = arith.constant 0 : i32
    %dma_wait3A_622 = tpu.memref_slice %arg12[%dma_wait3A_619, %dma_wait3A_620, %dma_wait3A_621] : memref<4x64x128xf32, #tpu.memory_space<vmem>> -> memref<1x64x128xf32, #tpu.memory_space<vmem>>
    %dma_wait3A_623 = tpu.memref_squeeze %dma_wait3A_622 : memref<1x64x128xf32, #tpu.memory_space<vmem>> -> memref<64x128xf32, #tpu.memory_space<vmem>>
    %dma_wait3A_624 = arith.constant 448 : i32
    %dma_wait3A_625 = tpu.memref_slice %arg9[%dma_wait3A_624] : memref<512xi32, #tpu.memory_space<vmem>> -> memref<64xi32, #tpu.memory_space<vmem>>
    %dma_wait3A_626 = arith.constant 0 : i32
    %dma_wait3A_627 = arith.constant 0 : i32
    %dma_wait3A_628 = tpu.memref_slice %arg3[%dma_wait3A_626, %dma_wait3A_627] : memref<100000x128xf32, #tpu.memory_space<hbm>> -> memref<100000x128xf32, #tpu.memory_space<hbm>>
    tpu.wait_indirect_dma semaphore(%arg18 : memref<!tpu.dma_semaphore, #tpu.memory_space<semaphore_mem>>) src(%dma_wait3A_628 : memref<100000x128xf32, #tpu.memory_space<hbm>>) dst(%dma_wait3A_623 : memref<64x128xf32, #tpu.memory_space<vmem>>)
    %parallel_loop3A_629 = arith.constant 0 : i32
    %parallel_loop3A_630 = arith.constant 128 : i32
    %parallel_loop3A_631 = arith.constant 1 : i32
    %parallel_loop3A_632 = arith.constant 3 : i32
    %parallel_loop3A_633 = arith.constant 3 : i32
    %parallel_loop3A_634:4 = scf.for %parallel_loop3A_781 = %parallel_loop3A_629 to %parallel_loop3A_630 step %parallel_loop3A_631 iter_args(%parallel_loop3A_782 = %broadcast_in_dim3A_23, %parallel_loop3A_783 = %broadcast_in_dim3A_25, %parallel_loop3A_784 = %broadcast_in_dim3A_27, %parallel_loop3A_785 = %broadcast_in_dim3A_29) -> (vector<16xf32>, vector<16xf32>, vector<16xf32>, vector<16xf32>)  : i32 {
      %parallel_loop3A_786 = vector.broadcast %parallel_loop3A_781 : i32 to vector<16xi32>
      %parallel_loop3A_787 = arith.addi %parallel_loop3A_786, %iota3A : vector<16xi32>
      %parallel_loop3A_788 = arith.constant 127 : i32
      %parallel_loop3A_789 = vector.broadcast %parallel_loop3A_788 : i32 to vector<16xi32>
      %parallel_loop3A_790 = arith.andi %parallel_loop3A_787, %parallel_loop3A_789 : vector<16xi32>
      %parallel_loop3A_791 = arith.constant 0 : i32
      %parallel_loop3A_792 = arith.constant 0 : i32
      %parallel_loop3A_793 = tpu.memref_slice %arg11[%parallel_loop3A_632, %parallel_loop3A_791, %parallel_loop3A_792] : memref<4x64x128xf32, #tpu.memory_space<vmem>> -> memref<1x64x128xf32, #tpu.memory_space<vmem>>
      %parallel_loop3A_794 = tpu.memref_squeeze %parallel_loop3A_793 : memref<1x64x128xf32, #tpu.memory_space<vmem>> -> memref<64x128xf32, #tpu.memory_space<vmem>>
      %parallel_loop3A_795 = tpu.vector_load_idx %parallel_loop3A_794[%add3A_13, %parallel_loop3A_790] : memref<64x128xf32, #tpu.memory_space<vmem>>[vector<16xi32>, vector<16xi32>], vector<16xf32>,
      %parallel_loop3A_796 = arith.constant 0 : i32
      %parallel_loop3A_797 = arith.constant 0 : i32
      %parallel_loop3A_798 = tpu.memref_slice %arg12[%parallel_loop3A_633, %parallel_loop3A_796, %parallel_loop3A_797] : memref<4x64x128xf32, #tpu.memory_space<vmem>> -> memref<1x64x128xf32, #tpu.memory_space<vmem>>
      %parallel_loop3A_799 = tpu.memref_squeeze %parallel_loop3A_798 : memref<1x64x128xf32, #tpu.memory_space<vmem>> -> memref<64x128xf32, #tpu.memory_space<vmem>>
      %parallel_loop3A_800 = tpu.vector_load_idx %parallel_loop3A_799[%add3A_13, %parallel_loop3A_790] : memref<64x128xf32, #tpu.memory_space<vmem>>[vector<16xi32>, vector<16xi32>], vector<16xf32>,
      %parallel_loop3A_801 = arith.mulf %parallel_loop3A_795, %parallel_loop3A_800 : vector<16xf32>
      %parallel_loop3A_802 = arith.addf %parallel_loop3A_782, %parallel_loop3A_801 : vector<16xf32>
      %parallel_loop3A_803 = arith.constant 0 : i32
      %parallel_loop3A_804 = arith.constant 0 : i32
      %parallel_loop3A_805 = tpu.memref_slice %arg11[%parallel_loop3A_632, %parallel_loop3A_803, %parallel_loop3A_804] : memref<4x64x128xf32, #tpu.memory_space<vmem>> -> memref<1x64x128xf32, #tpu.memory_space<vmem>>
      %parallel_loop3A_806 = tpu.memref_squeeze %parallel_loop3A_805 : memref<1x64x128xf32, #tpu.memory_space<vmem>> -> memref<64x128xf32, #tpu.memory_space<vmem>>
      %parallel_loop3A_807 = tpu.vector_load_idx %parallel_loop3A_806[%add3A_16, %parallel_loop3A_790] : memref<64x128xf32, #tpu.memory_space<vmem>>[vector<16xi32>, vector<16xi32>], vector<16xf32>,
      %parallel_loop3A_808 = arith.constant 0 : i32
      %parallel_loop3A_809 = arith.constant 0 : i32
      %parallel_loop3A_810 = tpu.memref_slice %arg12[%parallel_loop3A_633, %parallel_loop3A_808, %parallel_loop3A_809] : memref<4x64x128xf32, #tpu.memory_space<vmem>> -> memref<1x64x128xf32, #tpu.memory_space<vmem>>
      %parallel_loop3A_811 = tpu.memref_squeeze %parallel_loop3A_810 : memref<1x64x128xf32, #tpu.memory_space<vmem>> -> memref<64x128xf32, #tpu.memory_space<vmem>>
      %parallel_loop3A_812 = tpu.vector_load_idx %parallel_loop3A_811[%add3A_16, %parallel_loop3A_790] : memref<64x128xf32, #tpu.memory_space<vmem>>[vector<16xi32>, vector<16xi32>], vector<16xf32>,
      %parallel_loop3A_813 = arith.mulf %parallel_loop3A_807, %parallel_loop3A_812 : vector<16xf32>
      %parallel_loop3A_814 = arith.addf %parallel_loop3A_783, %parallel_loop3A_813 : vector<16xf32>
      %parallel_loop3A_815 = arith.constant 0 : i32
      %parallel_loop3A_816 = arith.constant 0 : i32
      %parallel_loop3A_817 = tpu.memref_slice %arg11[%parallel_loop3A_632, %parallel_loop3A_815, %parallel_loop3A_816] : memref<4x64x128xf32, #tpu.memory_space<vmem>> -> memref<1x64x128xf32, #tpu.memory_space<vmem>>
      %parallel_loop3A_818 = tpu.memref_squeeze %parallel_loop3A_817 : memref<1x64x128xf32, #tpu.memory_space<vmem>> -> memref<64x128xf32, #tpu.memory_space<vmem>>
      %parallel_loop3A_819 = tpu.vector_load_idx %parallel_loop3A_818[%add3A_19, %parallel_loop3A_790] : memref<64x128xf32, #tpu.memory_space<vmem>>[vector<16xi32>, vector<16xi32>], vector<16xf32>,
      %parallel_loop3A_820 = arith.constant 0 : i32
      %parallel_loop3A_821 = arith.constant 0 : i32
      %parallel_loop3A_822 = tpu.memref_slice %arg12[%parallel_loop3A_633, %parallel_loop3A_820, %parallel_loop3A_821] : memref<4x64x128xf32, #tpu.memory_space<vmem>> -> memref<1x64x128xf32, #tpu.memory_space<vmem>>
      %parallel_loop3A_823 = tpu.memref_squeeze %parallel_loop3A_822 : memref<1x64x128xf32, #tpu.memory_space<vmem>> -> memref<64x128xf32, #tpu.memory_space<vmem>>
      %parallel_loop3A_824 = tpu.vector_load_idx %parallel_loop3A_823[%add3A_19, %parallel_loop3A_790] : memref<64x128xf32, #tpu.memory_space<vmem>>[vector<16xi32>, vector<16xi32>], vector<16xf32>,
      %parallel_loop3A_825 = arith.mulf %parallel_loop3A_819, %parallel_loop3A_824 : vector<16xf32>
      %parallel_loop3A_826 = arith.addf %parallel_loop3A_784, %parallel_loop3A_825 : vector<16xf32>
      %parallel_loop3A_827 = arith.constant 0 : i32
      %parallel_loop3A_828 = arith.constant 0 : i32
      %parallel_loop3A_829 = tpu.memref_slice %arg11[%parallel_loop3A_632, %parallel_loop3A_827, %parallel_loop3A_828] : memref<4x64x128xf32, #tpu.memory_space<vmem>> -> memref<1x64x128xf32, #tpu.memory_space<vmem>>
      %parallel_loop3A_830 = tpu.memref_squeeze %parallel_loop3A_829 : memref<1x64x128xf32, #tpu.memory_space<vmem>> -> memref<64x128xf32, #tpu.memory_space<vmem>>
      %parallel_loop3A_831 = tpu.vector_load_idx %parallel_loop3A_830[%add3A_22, %parallel_loop3A_790] : memref<64x128xf32, #tpu.memory_space<vmem>>[vector<16xi32>, vector<16xi32>], vector<16xf32>,
      %parallel_loop3A_832 = arith.constant 0 : i32
      %parallel_loop3A_833 = arith.constant 0 : i32
      %parallel_loop3A_834 = tpu.memref_slice %arg12[%parallel_loop3A_633, %parallel_loop3A_832, %parallel_loop3A_833] : memref<4x64x128xf32, #tpu.memory_space<vmem>> -> memref<1x64x128xf32, #tpu.memory_space<vmem>>
      %parallel_loop3A_835 = tpu.memref_squeeze %parallel_loop3A_834 : memref<1x64x128xf32, #tpu.memory_space<vmem>> -> memref<64x128xf32, #tpu.memory_space<vmem>>
      %parallel_loop3A_836 = tpu.vector_load_idx %parallel_loop3A_835[%add3A_22, %parallel_loop3A_790] : memref<64x128xf32, #tpu.memory_space<vmem>>[vector<16xi32>, vector<16xi32>], vector<16xf32>,
      %parallel_loop3A_837 = arith.mulf %parallel_loop3A_831, %parallel_loop3A_836 : vector<16xf32>
      %parallel_loop3A_838 = arith.addf %parallel_loop3A_785, %parallel_loop3A_837 : vector<16xf32>
      scf.yield %parallel_loop3A_802, %parallel_loop3A_814, %parallel_loop3A_826, %parallel_loop3A_838 : vector<16xf32>, vector<16xf32>, vector<16xf32>, vector<16xf32>
    } {sc.loop_unroll_factor = 2 : i64, sc.parallel_access}
    %get3A_635 = arith.constant 448 : index
    %get3A_636 = tpu.vector_load %arg10[%get3A_635] {strides = array<i32>} : memref<512xf32, #tpu.memory_space<vmem>>, vector<16xf32>,
    %mul3A_637 = arith.mulf %parallel_loop3A_634#0, %get3A_636 : vector<16xf32>
    %swap3A_638 = arith.constant 448 : index
    %swap3A_639 = tpu.vector_load %arg13[%swap3A_638] {strides = array<i32>} : memref<512xf32, #tpu.memory_space<vmem>>, vector<16xf32>,
    tpu.vector_store %arg13[%swap3A_638], %mul3A_637 {strides = array<i32>} : memref<512xf32, #tpu.memory_space<vmem>>, vector<16xf32>,
    %get3A_640 = arith.constant 464 : index
    %get3A_641 = tpu.vector_load %arg10[%get3A_640] {strides = array<i32>} : memref<512xf32, #tpu.memory_space<vmem>>, vector<16xf32>,
    %mul3A_642 = arith.mulf %parallel_loop3A_634#1, %get3A_641 : vector<16xf32>
    %swap3A_643 = arith.constant 464 : index
    %swap3A_644 = tpu.vector_load %arg13[%swap3A_643] {strides = array<i32>} : memref<512xf32, #tpu.memory_space<vmem>>, vector<16xf32>,
    tpu.vector_store %arg13[%swap3A_643], %mul3A_642 {strides = array<i32>} : memref<512xf32, #tpu.memory_space<vmem>>, vector<16xf32>,
    %get3A_645 = arith.constant 480 : index
    %get3A_646 = tpu.vector_load %arg10[%get3A_645] {strides = array<i32>} : memref<512xf32, #tpu.memory_space<vmem>>, vector<16xf32>,
    %mul3A_647 = arith.mulf %parallel_loop3A_634#2, %get3A_646 : vector<16xf32>
    %swap3A_648 = arith.constant 480 : index
    %swap3A_649 = tpu.vector_load %arg13[%swap3A_648] {strides = array<i32>} : memref<512xf32, #tpu.memory_space<vmem>>, vector<16xf32>,
    tpu.vector_store %arg13[%swap3A_648], %mul3A_647 {strides = array<i32>} : memref<512xf32, #tpu.memory_space<vmem>>, vector<16xf32>,
    %get3A_650 = arith.constant 496 : index
    %get3A_651 = tpu.vector_load %arg10[%get3A_650] {strides = array<i32>} : memref<512xf32, #tpu.memory_space<vmem>>, vector<16xf32>,
    %mul3A_652 = arith.mulf %parallel_loop3A_634#3, %get3A_651 : vector<16xf32>
    %swap3A_653 = arith.constant 496 : index
    %swap3A_654 = tpu.vector_load %arg13[%swap3A_653] {strides = array<i32>} : memref<512xf32, #tpu.memory_space<vmem>>, vector<16xf32>,
    tpu.vector_store %arg13[%swap3A_653], %mul3A_652 {strides = array<i32>} : memref<512xf32, #tpu.memory_space<vmem>>, vector<16xf32>,
    %dma_start3A_655 = arith.constant 448 : i32
    %dma_start3A_656 = tpu.memref_slice %arg13[%dma_start3A_655] : memref<512xf32, #tpu.memory_space<vmem>> -> memref<64xf32, #tpu.memory_space<vmem>>
    %dma_start3A_657 = arith.constant 0 : i32
    %dma_start3A_658 = tpu.memref_slice %arg7[%add3A, %dma_start3A_657] : memref<32x512xf32, #tpu.memory_space<hbm>> -> memref<1x512xf32, #tpu.memory_space<hbm>>
    %dma_start3A_659 = tpu.memref_squeeze %dma_start3A_658 : memref<1x512xf32, #tpu.memory_space<hbm>> -> memref<512xf32, #tpu.memory_space<hbm>>
    %dma_start3A_660 = arith.constant 448 : i32
    %dma_start3A_661 = tpu.memref_slice %dma_start3A_659[%dma_start3A_660] : memref<512xf32, #tpu.memory_space<hbm>> -> memref<64xf32, #tpu.memory_space<hbm>>
    %dma_start3A_662 = arith.constant 0 : i32
    %dma_start3A_663 = tpu.memref_slice %arg7[%add3A, %dma_start3A_662] : memref<32x512xf32, #tpu.memory_space<hbm>> -> memref<1x512xf32, #tpu.memory_space<hbm>>
    %dma_start3A_664 = tpu.memref_squeeze %dma_start3A_663 : memref<1x512xf32, #tpu.memory_space<hbm>> -> memref<512xf32, #tpu.memory_space<hbm>>
    %dma_start3A_665 = arith.constant 448 : i32
    %dma_start3A_666 = tpu.memref_slice %dma_start3A_664[%dma_start3A_665] : memref<512xf32, #tpu.memory_space<hbm>> -> memref<64xf32, #tpu.memory_space<hbm>>
    %dma_start3A_667 = arith.constant 448 : i32
    %dma_start3A_668 = tpu.memref_slice %arg13[%dma_start3A_667] : memref<512xf32, #tpu.memory_space<vmem>> -> memref<64xf32, #tpu.memory_space<vmem>>
    tpu.enqueue_dma source(%dma_start3A_668 : memref<64xf32, #tpu.memory_space<vmem>>) target(%dma_start3A_666 : memref<64xf32, #tpu.memory_space<hbm>>) target_semaphore(%arg14 : memref<!tpu.dma_semaphore, #tpu.memory_space<semaphore_mem>>)
    %dma_wait3A_669 = arith.constant 0 : i32
    %dma_wait3A_670 = tpu.memref_slice %arg13[%dma_wait3A_669] : memref<512xf32, #tpu.memory_space<vmem>> -> memref<64xf32, #tpu.memory_space<vmem>>
    %dma_wait3A_671 = arith.constant 0 : i32
    %dma_wait3A_672 = tpu.memref_slice %arg7[%add3A, %dma_wait3A_671] : memref<32x512xf32, #tpu.memory_space<hbm>> -> memref<1x512xf32, #tpu.memory_space<hbm>>
    %dma_wait3A_673 = tpu.memref_squeeze %dma_wait3A_672 : memref<1x512xf32, #tpu.memory_space<hbm>> -> memref<512xf32, #tpu.memory_space<hbm>>
    %dma_wait3A_674 = arith.constant 0 : i32
    %dma_wait3A_675 = tpu.memref_slice %dma_wait3A_673[%dma_wait3A_674] : memref<512xf32, #tpu.memory_space<hbm>> -> memref<64xf32, #tpu.memory_space<hbm>>
    %dma_wait3A_676 = arith.constant 0 : i32
    %dma_wait3A_677 = tpu.memref_slice %arg7[%add3A, %dma_wait3A_676] : memref<32x512xf32, #tpu.memory_space<hbm>> -> memref<1x512xf32, #tpu.memory_space<hbm>>
    %dma_wait3A_678 = tpu.memref_squeeze %dma_wait3A_677 : memref<1x512xf32, #tpu.memory_space<hbm>> -> memref<512xf32, #tpu.memory_space<hbm>>
    %dma_wait3A_679 = arith.constant 0 : i32
    %dma_wait3A_680 = tpu.memref_slice %dma_wait3A_678[%dma_wait3A_679] : memref<512xf32, #tpu.memory_space<hbm>> -> memref<64xf32, #tpu.memory_space<hbm>>
    %dma_wait3A_681 = arith.constant 0 : i32
    %dma_wait3A_682 = tpu.memref_slice %arg13[%dma_wait3A_681] : memref<512xf32, #tpu.memory_space<vmem>> -> memref<64xf32, #tpu.memory_space<vmem>>
    tpu.wait_dma2 semaphore(%arg14 : memref<!tpu.dma_semaphore, #tpu.memory_space<semaphore_mem>>) src(%dma_wait3A_682 : memref<64xf32, #tpu.memory_space<vmem>>) dst(%dma_wait3A_680 : memref<64xf32, #tpu.memory_space<hbm>>)
    %dma_wait3A_683 = arith.constant 64 : i32
    %dma_wait3A_684 = tpu.memref_slice %arg13[%dma_wait3A_683] : memref<512xf32, #tpu.memory_space<vmem>> -> memref<64xf32, #tpu.memory_space<vmem>>
    %dma_wait3A_685 = arith.constant 0 : i32
    %dma_wait3A_686 = tpu.memref_slice %arg7[%add3A, %dma_wait3A_685] : memref<32x512xf32, #tpu.memory_space<hbm>> -> memref<1x512xf32, #tpu.memory_space<hbm>>
    %dma_wait3A_687 = tpu.memref_squeeze %dma_wait3A_686 : memref<1x512xf32, #tpu.memory_space<hbm>> -> memref<512xf32, #tpu.memory_space<hbm>>
    %dma_wait3A_688 = arith.constant 64 : i32
    %dma_wait3A_689 = tpu.memref_slice %dma_wait3A_687[%dma_wait3A_688] : memref<512xf32, #tpu.memory_space<hbm>> -> memref<64xf32, #tpu.memory_space<hbm>>
    %dma_wait3A_690 = arith.constant 0 : i32
    %dma_wait3A_691 = tpu.memref_slice %arg7[%add3A, %dma_wait3A_690] : memref<32x512xf32, #tpu.memory_space<hbm>> -> memref<1x512xf32, #tpu.memory_space<hbm>>
    %dma_wait3A_692 = tpu.memref_squeeze %dma_wait3A_691 : memref<1x512xf32, #tpu.memory_space<hbm>> -> memref<512xf32, #tpu.memory_space<hbm>>
    %dma_wait3A_693 = arith.constant 64 : i32
    %dma_wait3A_694 = tpu.memref_slice %dma_wait3A_692[%dma_wait3A_693] : memref<512xf32, #tpu.memory_space<hbm>> -> memref<64xf32, #tpu.memory_space<hbm>>
    %dma_wait3A_695 = arith.constant 64 : i32
    %dma_wait3A_696 = tpu.memref_slice %arg13[%dma_wait3A_695] : memref<512xf32, #tpu.memory_space<vmem>> -> memref<64xf32, #tpu.memory_space<vmem>>
    tpu.wait_dma2 semaphore(%arg14 : memref<!tpu.dma_semaphore, #tpu.memory_space<semaphore_mem>>) src(%dma_wait3A_696 : memref<64xf32, #tpu.memory_space<vmem>>) dst(%dma_wait3A_694 : memref<64xf32, #tpu.memory_space<hbm>>)
    %dma_wait3A_697 = arith.constant 128 : i32
    %dma_wait3A_698 = tpu.memref_slice %arg13[%dma_wait3A_697] : memref<512xf32, #tpu.memory_space<vmem>> -> memref<64xf32, #tpu.memory_space<vmem>>
    %dma_wait3A_699 = arith.constant 0 : i32
    %dma_wait3A_700 = tpu.memref_slice %arg7[%add3A, %dma_wait3A_699] : memref<32x512xf32, #tpu.memory_space<hbm>> -> memref<1x512xf32, #tpu.memory_space<hbm>>
    %dma_wait3A_701 = tpu.memref_squeeze %dma_wait3A_700 : memref<1x512xf32, #tpu.memory_space<hbm>> -> memref<512xf32, #tpu.memory_space<hbm>>
    %dma_wait3A_702 = arith.constant 128 : i32
    %dma_wait3A_703 = tpu.memref_slice %dma_wait3A_701[%dma_wait3A_702] : memref<512xf32, #tpu.memory_space<hbm>> -> memref<64xf32, #tpu.memory_space<hbm>>
    %dma_wait3A_704 = arith.constant 0 : i32
    %dma_wait3A_705 = tpu.memref_slice %arg7[%add3A, %dma_wait3A_704] : memref<32x512xf32, #tpu.memory_space<hbm>> -> memref<1x512xf32, #tpu.memory_space<hbm>>
    %dma_wait3A_706 = tpu.memref_squeeze %dma_wait3A_705 : memref<1x512xf32, #tpu.memory_space<hbm>> -> memref<512xf32, #tpu.memory_space<hbm>>
    %dma_wait3A_707 = arith.constant 128 : i32
    %dma_wait3A_708 = tpu.memref_slice %dma_wait3A_706[%dma_wait3A_707] : memref<512xf32, #tpu.memory_space<hbm>> -> memref<64xf32, #tpu.memory_space<hbm>>
    %dma_wait3A_709 = arith.constant 128 : i32
    %dma_wait3A_710 = tpu.memref_slice %arg13[%dma_wait3A_709] : memref<512xf32, #tpu.memory_space<vmem>> -> memref<64xf32, #tpu.memory_space<vmem>>
    tpu.wait_dma2 semaphore(%arg14 : memref<!tpu.dma_semaphore, #tpu.memory_space<semaphore_mem>>) src(%dma_wait3A_710 : memref<64xf32, #tpu.memory_space<vmem>>) dst(%dma_wait3A_708 : memref<64xf32, #tpu.memory_space<hbm>>)
    %dma_wait3A_711 = arith.constant 192 : i32
    %dma_wait3A_712 = tpu.memref_slice %arg13[%dma_wait3A_711] : memref<512xf32, #tpu.memory_space<vmem>> -> memref<64xf32, #tpu.memory_space<vmem>>
    %dma_wait3A_713 = arith.constant 0 : i32
    %dma_wait3A_714 = tpu.memref_slice %arg7[%add3A, %dma_wait3A_713] : memref<32x512xf32, #tpu.memory_space<hbm>> -> memref<1x512xf32, #tpu.memory_space<hbm>>
    %dma_wait3A_715 = tpu.memref_squeeze %dma_wait3A_714 : memref<1x512xf32, #tpu.memory_space<hbm>> -> memref<512xf32, #tpu.memory_space<hbm>>
    %dma_wait3A_716 = arith.constant 192 : i32
    %dma_wait3A_717 = tpu.memref_slice %dma_wait3A_715[%dma_wait3A_716] : memref<512xf32, #tpu.memory_space<hbm>> -> memref<64xf32, #tpu.memory_space<hbm>>
    %dma_wait3A_718 = arith.constant 0 : i32
    %dma_wait3A_719 = tpu.memref_slice %arg7[%add3A, %dma_wait3A_718] : memref<32x512xf32, #tpu.memory_space<hbm>> -> memref<1x512xf32, #tpu.memory_space<hbm>>
    %dma_wait3A_720 = tpu.memref_squeeze %dma_wait3A_719 : memref<1x512xf32, #tpu.memory_space<hbm>> -> memref<512xf32, #tpu.memory_space<hbm>>
    %dma_wait3A_721 = arith.constant 192 : i32
    %dma_wait3A_722 = tpu.memref_slice %dma_wait3A_720[%dma_wait3A_721] : memref<512xf32, #tpu.memory_space<hbm>> -> memref<64xf32, #tpu.memory_space<hbm>>
    %dma_wait3A_723 = arith.constant 192 : i32
    %dma_wait3A_724 = tpu.memref_slice %arg13[%dma_wait3A_723] : memref<512xf32, #tpu.memory_space<vmem>> -> memref<64xf32, #tpu.memory_space<vmem>>
    tpu.wait_dma2 semaphore(%arg14 : memref<!tpu.dma_semaphore, #tpu.memory_space<semaphore_mem>>) src(%dma_wait3A_724 : memref<64xf32, #tpu.memory_space<vmem>>) dst(%dma_wait3A_722 : memref<64xf32, #tpu.memory_space<hbm>>)
    %dma_wait3A_725 = arith.constant 256 : i32
    %dma_wait3A_726 = tpu.memref_slice %arg13[%dma_wait3A_725] : memref<512xf32, #tpu.memory_space<vmem>> -> memref<64xf32, #tpu.memory_space<vmem>>
    %dma_wait3A_727 = arith.constant 0 : i32
    %dma_wait3A_728 = tpu.memref_slice %arg7[%add3A, %dma_wait3A_727] : memref<32x512xf32, #tpu.memory_space<hbm>> -> memref<1x512xf32, #tpu.memory_space<hbm>>
    %dma_wait3A_729 = tpu.memref_squeeze %dma_wait3A_728 : memref<1x512xf32, #tpu.memory_space<hbm>> -> memref<512xf32, #tpu.memory_space<hbm>>
    %dma_wait3A_730 = arith.constant 256 : i32
    %dma_wait3A_731 = tpu.memref_slice %dma_wait3A_729[%dma_wait3A_730] : memref<512xf32, #tpu.memory_space<hbm>> -> memref<64xf32, #tpu.memory_space<hbm>>
    %dma_wait3A_732 = arith.constant 0 : i32
    %dma_wait3A_733 = tpu.memref_slice %arg7[%add3A, %dma_wait3A_732] : memref<32x512xf32, #tpu.memory_space<hbm>> -> memref<1x512xf32, #tpu.memory_space<hbm>>
    %dma_wait3A_734 = tpu.memref_squeeze %dma_wait3A_733 : memref<1x512xf32, #tpu.memory_space<hbm>> -> memref<512xf32, #tpu.memory_space<hbm>>
    %dma_wait3A_735 = arith.constant 256 : i32
    %dma_wait3A_736 = tpu.memref_slice %dma_wait3A_734[%dma_wait3A_735] : memref<512xf32, #tpu.memory_space<hbm>> -> memref<64xf32, #tpu.memory_space<hbm>>
    %dma_wait3A_737 = arith.constant 256 : i32
    %dma_wait3A_738 = tpu.memref_slice %arg13[%dma_wait3A_737] : memref<512xf32, #tpu.memory_space<vmem>> -> memref<64xf32, #tpu.memory_space<vmem>>
    tpu.wait_dma2 semaphore(%arg14 : memref<!tpu.dma_semaphore, #tpu.memory_space<semaphore_mem>>) src(%dma_wait3A_738 : memref<64xf32, #tpu.memory_space<vmem>>) dst(%dma_wait3A_736 : memref<64xf32, #tpu.memory_space<hbm>>)
    %dma_wait3A_739 = arith.constant 320 : i32
    %dma_wait3A_740 = tpu.memref_slice %arg13[%dma_wait3A_739] : memref<512xf32, #tpu.memory_space<vmem>> -> memref<64xf32, #tpu.memory_space<vmem>>
    %dma_wait3A_741 = arith.constant 0 : i32
    %dma_wait3A_742 = tpu.memref_slice %arg7[%add3A, %dma_wait3A_741] : memref<32x512xf32, #tpu.memory_space<hbm>> -> memref<1x512xf32, #tpu.memory_space<hbm>>
    %dma_wait3A_743 = tpu.memref_squeeze %dma_wait3A_742 : memref<1x512xf32, #tpu.memory_space<hbm>> -> memref<512xf32, #tpu.memory_space<hbm>>
    %dma_wait3A_744 = arith.constant 320 : i32
    %dma_wait3A_745 = tpu.memref_slice %dma_wait3A_743[%dma_wait3A_744] : memref<512xf32, #tpu.memory_space<hbm>> -> memref<64xf32, #tpu.memory_space<hbm>>
    %dma_wait3A_746 = arith.constant 0 : i32
    %dma_wait3A_747 = tpu.memref_slice %arg7[%add3A, %dma_wait3A_746] : memref<32x512xf32, #tpu.memory_space<hbm>> -> memref<1x512xf32, #tpu.memory_space<hbm>>
    %dma_wait3A_748 = tpu.memref_squeeze %dma_wait3A_747 : memref<1x512xf32, #tpu.memory_space<hbm>> -> memref<512xf32, #tpu.memory_space<hbm>>
    %dma_wait3A_749 = arith.constant 320 : i32
    %dma_wait3A_750 = tpu.memref_slice %dma_wait3A_748[%dma_wait3A_749] : memref<512xf32, #tpu.memory_space<hbm>> -> memref<64xf32, #tpu.memory_space<hbm>>
    %dma_wait3A_751 = arith.constant 320 : i32
    %dma_wait3A_752 = tpu.memref_slice %arg13[%dma_wait3A_751] : memref<512xf32, #tpu.memory_space<vmem>> -> memref<64xf32, #tpu.memory_space<vmem>>
    tpu.wait_dma2 semaphore(%arg14 : memref<!tpu.dma_semaphore, #tpu.memory_space<semaphore_mem>>) src(%dma_wait3A_752 : memref<64xf32, #tpu.memory_space<vmem>>) dst(%dma_wait3A_750 : memref<64xf32, #tpu.memory_space<hbm>>)
    %dma_wait3A_753 = arith.constant 384 : i32
    %dma_wait3A_754 = tpu.memref_slice %arg13[%dma_wait3A_753] : memref<512xf32, #tpu.memory_space<vmem>> -> memref<64xf32, #tpu.memory_space<vmem>>
    %dma_wait3A_755 = arith.constant 0 : i32
    %dma_wait3A_756 = tpu.memref_slice %arg7[%add3A, %dma_wait3A_755] : memref<32x512xf32, #tpu.memory_space<hbm>> -> memref<1x512xf32, #tpu.memory_space<hbm>>
    %dma_wait3A_757 = tpu.memref_squeeze %dma_wait3A_756 : memref<1x512xf32, #tpu.memory_space<hbm>> -> memref<512xf32, #tpu.memory_space<hbm>>
    %dma_wait3A_758 = arith.constant 384 : i32
    %dma_wait3A_759 = tpu.memref_slice %dma_wait3A_757[%dma_wait3A_758] : memref<512xf32, #tpu.memory_space<hbm>> -> memref<64xf32, #tpu.memory_space<hbm>>
    %dma_wait3A_760 = arith.constant 0 : i32
    %dma_wait3A_761 = tpu.memref_slice %arg7[%add3A, %dma_wait3A_760] : memref<32x512xf32, #tpu.memory_space<hbm>> -> memref<1x512xf32, #tpu.memory_space<hbm>>
    %dma_wait3A_762 = tpu.memref_squeeze %dma_wait3A_761 : memref<1x512xf32, #tpu.memory_space<hbm>> -> memref<512xf32, #tpu.memory_space<hbm>>
    %dma_wait3A_763 = arith.constant 384 : i32
    %dma_wait3A_764 = tpu.memref_slice %dma_wait3A_762[%dma_wait3A_763] : memref<512xf32, #tpu.memory_space<hbm>> -> memref<64xf32, #tpu.memory_space<hbm>>
    %dma_wait3A_765 = arith.constant 384 : i32
    %dma_wait3A_766 = tpu.memref_slice %arg13[%dma_wait3A_765] : memref<512xf32, #tpu.memory_space<vmem>> -> memref<64xf32, #tpu.memory_space<vmem>>
    tpu.wait_dma2 semaphore(%arg14 : memref<!tpu.dma_semaphore, #tpu.memory_space<semaphore_mem>>) src(%dma_wait3A_766 : memref<64xf32, #tpu.memory_space<vmem>>) dst(%dma_wait3A_764 : memref<64xf32, #tpu.memory_space<hbm>>)
    %dma_wait3A_767 = arith.constant 448 : i32
    %dma_wait3A_768 = tpu.memref_slice %arg13[%dma_wait3A_767] : memref<512xf32, #tpu.memory_space<vmem>> -> memref<64xf32, #tpu.memory_space<vmem>>
    %dma_wait3A_769 = arith.constant 0 : i32
    %dma_wait3A_770 = tpu.memref_slice %arg7[%add3A, %dma_wait3A_769] : memref<32x512xf32, #tpu.memory_space<hbm>> -> memref<1x512xf32, #tpu.memory_space<hbm>>
    %dma_wait3A_771 = tpu.memref_squeeze %dma_wait3A_770 : memref<1x512xf32, #tpu.memory_space<hbm>> -> memref<512xf32, #tpu.memory_space<hbm>>
    %dma_wait3A_772 = arith.constant 448 : i32
    %dma_wait3A_773 = tpu.memref_slice %dma_wait3A_771[%dma_wait3A_772] : memref<512xf32, #tpu.memory_space<hbm>> -> memref<64xf32, #tpu.memory_space<hbm>>
    %dma_wait3A_774 = arith.constant 0 : i32
    %dma_wait3A_775 = tpu.memref_slice %arg7[%add3A, %dma_wait3A_774] : memref<32x512xf32, #tpu.memory_space<hbm>> -> memref<1x512xf32, #tpu.memory_space<hbm>>
    %dma_wait3A_776 = tpu.memref_squeeze %dma_wait3A_775 : memref<1x512xf32, #tpu.memory_space<hbm>> -> memref<512xf32, #tpu.memory_space<hbm>>
    %dma_wait3A_777 = arith.constant 448 : i32
    %dma_wait3A_778 = tpu.memref_slice %dma_wait3A_776[%dma_wait3A_777] : memref<512xf32, #tpu.memory_space<hbm>> -> memref<64xf32, #tpu.memory_space<hbm>>
    %dma_wait3A_779 = arith.constant 448 : i32
    %dma_wait3A_780 = tpu.memref_slice %arg13[%dma_wait3A_779] : memref<512xf32, #tpu.memory_space<vmem>> -> memref<64xf32, #tpu.memory_space<vmem>>
    tpu.wait_dma2 semaphore(%arg14 : memref<!tpu.dma_semaphore, #tpu.memory_space<semaphore_mem>>) src(%dma_wait3A_780 : memref<64xf32, #tpu.memory_space<vmem>>) dst(%dma_wait3A_778 : memref<64xf32, #tpu.memory_space<hbm>>)
    return
  }
}

module attributes {stable_mosaic.version = 14 : i64} {
  func.func @_loss_body(%arg0: memref<32x512xf32, #tpu.memory_space<vmem>>, %arg1: memref<1x1xf32, #tpu.memory_space<smem>>) attributes {dimension_semantics = [], scalar_prefetch = 0 : i64, scratch_operands = 0 : i64, tpu.core_type = #tpu.core_type<tc>} {
    %get3A = arith.constant 0 : index
    %get3A_0 = arith.constant 0 : index
    %get3A_1 = vector.load %arg0[%get3A, %get3A_0] : memref<32x512xf32, #tpu.memory_space<vmem>>, vector<32x512xf32>
    %min3A = arith.constant 0.000000e+00 : f32
    %min3A_2 = vector.broadcast %min3A : f32 to vector<32x512xf32>
    %min3A_3 = arith.minimumf %get3A_1, %min3A_2 : vector<32x512xf32>
    %abs3A = math.absf %get3A_1 : vector<32x512xf32>
    %neg3A = arith.constant 0.000000e+00 : f32
    %neg3A_4 = vector.broadcast %neg3A : f32 to vector<32x512xf32>
    %neg3A_5 = arith.subf %neg3A_4, %abs3A : vector<32x512xf32>
    %exp3A = math.exp %neg3A_5 : vector<32x512xf32>
    %log1p3A = math.log1p %exp3A : vector<32x512xf32>
    %sub3A = arith.subf %min3A_3, %log1p3A : vector<32x512xf32>
    %reduce_sum3A = vector.shape_cast %sub3A : vector<32x512xf32> to vector<1x32x512xf32>
    %reduce_sum3A_6 = arith.constant dense<0.000000e+00> : vector<1xf32>
    %reduce_sum3A_7 = vector.multi_reduction <add>, %reduce_sum3A, %reduce_sum3A_6 [1, 2] : vector<1x32x512xf32> to vector<1xf32>
    %reduce_sum3A_8 = vector.shape_cast %reduce_sum3A_7 : vector<1xf32> to vector<1x1x1xf32>
    %reduce_sum3A_9 = vector.extract %reduce_sum3A_8[0, 0, 0] : f32 from vector<1x1x1xf32>
    %neg3A_10 = arith.constant 0.000000e+00 : f32
    %neg3A_11 = arith.subf %neg3A_10, %reduce_sum3A_9 : f32
    %mul3A = arith.constant 6.10351563E-5 : f32
    %mul3A_12 = arith.mulf %neg3A_11, %mul3A : f32
    %swap3A = arith.constant 0 : index
    %swap3A_13 = arith.constant 0 : index
    %swap3A_14 = memref.load %arg1[%swap3A, %swap3A_13] : memref<1x1xf32, #tpu.memory_space<smem>>
    memref.store %mul3A_12, %arg1[%swap3A, %swap3A_13] : memref<1x1xf32, #tpu.memory_space<smem>>
    return
  }
}

</mosaic_0001>

<sc_bundles>
// kernel: kernel.4.cloned.1.call-start
scs
__scs_entry_jumppad:
0x0: {  	(pc) =	sbr.rel $0x88, $3  }
0x1: {  	(tag) =	ssettag $0x0;
	lr =	simm.s32 $0x1  }
0x2: {  	[smem:$0x3F9C] =	sst lr;
	_ =	strace $0xD0000000  }
0x3: {  	_ = 	snop  }
0x4: {  	_ = 	snop  }
0x5: {  	_ = 	snop  }
0x6: {  	_ = 	snop  }
0x7: {  	_ = 	snop  }
__scs_overlays_trampoline_lowered:
0x8: {  	[smem:$0x3FAB] =	sst s0  }
0x9: {  	[smem:$0x3FAC] =	sst s1  }
0xa: {  	[smem:$0x3FAD] =	sst s2  }
0xb: {  	[smem:$0x3FAE] =	sst s3  }
0xc: {  	[smem:$0x3FAF] =	sst s4  }
0xd: {  	[smem:$0x3FB0] =	sst s5  }
0xe: {  	[smem:$0x3FB1] =	sst s6  }
0xf: {  	[smem:$0x3FB2] =	sst s7  }
0x10: {  	[smem:$0x3FB3] =	sst s8  }
0x11: {  	[smem:$0x3FB4] =	sst s9;
	s0 =	simm.s32 @!p0 $0x0  }
0x12: {  	s1 =	sld [smem:$0x3F9A];
	s0 =	simm.s32 @p0 $0x1  }
0x13: {  	[smem:$0x3FB5] =	sst s0;
	s0 =	simm.s32 @!p1 $0x0  }
0x14: {  	s2 =	sld [smem:$0x3F99];
	s0 =	simm.s32 @p1 $0x1  }
0x15: {  	[smem:$0x3FB6] =	sst s0;
	s0 =	simm.s32 @!p2 $0x0  }
0x16: {  	s3 =	sld [smem:$0x3FDB];
	s0 =	simm.s32 @p2 $0x1  }
0x17: {  	s4 =	simm.s32 $0x1BF5;
	[smem:$0x3FB8] =	sst s0  }
0x18: {  	s0 =	sld [smem:$0x3F9B];
	_ =	swait.ge [sflag:s4], $0x0  }
0x19: {  	s7 =	sld [smem:$0x3F9C]  }
0x1a: {  	s8 =	sadd.s32 $0xFFFFE003, lr  }
0x1b: {  	s9 =	sadd.s32 $0xFFFFFEF7, lr;
	s5 =	simm.s32 $0xFFFFFFFF;
	p2 =	slt.u32 s8, $0xFFFFF086  }
0x1c: {  	p1 =	slt.u32 s9, $0xF7A;
	s5 =	simm.s32 @!p2 $0x0  }
0x1d: {  	s5 =	simm.s32 @p1 $0x1;
	p0 =	seq.s32 s7, s2  }
0x1e: {  	s7 =	smul.u32 @!p0 $0xF7A, s2;
	p2 =	seq.s32 @!p0 s5, $0x0  }
0x1f: {  	s9 =	smul.u32 $0xF7A, s1;
	s8 =	simm.s32 @!p0 $0x1BF5;
	p2 =	por !p2, p0  }
0x20: {  	[sflag:s8] =	ssyncset.s32 @!p0 $0xFFFFF086;
	s6 =	sadd.s32 @!p0 s3, s7;
	s7 =	simm.s32 @!p0 $0x108  }
0x21: {  	s3 =	sadd.s32 s3, s9;
	s6 =	sadd.s32 @!p0 $0x88, s6;
	s7 =	simm.s32 @p2 $0x1082  }
0x22: {  	[simem:s7], [sflag:s8] =	dma.local @!p0 [hbm:s6], $0xF7A  }
0x23: {  	s9 =	sor.u32 $0xD0000000, s2;
	s6 =	simm.s32 $0x108;
	_ =	swait.ge @!p0 [sflag:s8], $0x0  }
0x24: {  	s3 =	sadd.s32 $0x88, s3;
	s6 =	simm.s32 @!p1 $0x1082;
	[sflag:s4] =	ssyncset.s32 $0xFFFFF086  }
0x25: {  	[simem:s6], [sflag:s4] =	dma.local [hbm:s3], $0xF7A  }
0x26: {  	[smem:$0x3F9C] =	sst s1;
	(tag) =	ssettag s2;
	_ =	strace s9  }
0x27: {  	s1 =	sld [smem:$0x3FAC]  }
0x28: {  	s2 =	sld [smem:$0x3FAD]  }
0x29: {  	s4 =	sld [smem:$0x3FAF]  }
0x2a: {  	p0 =	seq.s32 s5, $0x0;
	s5 =	sld [smem:$0x3FB0]  }
0x2b: {  	s6 =	sld [smem:$0x3FB1]  }
0x2c: {  	s7 =	sld [smem:$0x3FB2]  }
0x2d: {  	s3 =	simm.s32 $0x108;
	s8 =	sld [smem:$0x3FB3]  }
0x2e: {  	s3 =	simm.s32 @!p0 $0x1082;
	s9 =	sld [smem:$0x3FB4]  }
0x2f: {  	lr =	sadd.s32 s0, s3;
	s0 =	sld [smem:$0x3FAB]  }
0x30: {  	s3 =	sld [smem:$0x3FAE]  }
0x31: {  	[smem:$0x3FB7] =	sst s10  }
0x32: {  	s10 =	sld [smem:$0x3FB5];
	_ =	sdelay $0x3  }
0x33: {  	p0 =	seq.s32 s10, $0x1;
	s10 =	sld [smem:$0x3FB7];
	_ =	sdelay $0x3  }
0x34: {  	[smem:$0x3FB7] =	sst s10  }
0x35: {  	s10 =	sld [smem:$0x3FB6];
	_ =	sdelay $0x3  }
0x36: {  	p1 =	seq.s32 s10, $0x1;
	s10 =	sld [smem:$0x3FB7];
	_ =	sdelay $0x3  }
0x37: {  	[smem:$0x3FB7] =	sst s10  }
0x38: {  	s10 =	sld [smem:$0x3FB8]  }
0x39: {  	_ = 	snop;
	(pc) =	sbr.ind lr, $3  }
0x3a: {  	_ = 	snop  }
0x3b: {  	_ = 	snop  }
0x3c: {  	p2 =	seq.s32 s10, $0x1;
	s10 =	sld [smem:$0x3FB7]  }
0x3d: {  	_ =	shalt  }
0x3e: {  	_ =	shalt  }
0x3f: {  	_ =	shalt  }
0x40: {  	_ =	shalt  }
0x41: {  	_ =	shalt  }
0x42: {  	_ =	shalt  }
0x43: {  	_ =	shalt  }
0x44: {  	_ =	shalt  }
0x45: {  	_ =	shalt  }
0x46: {  	_ =	shalt  }
0x47: {  	_ =	shalt  }
0x48: {  	_ =	shalt  }
0x49: {  	_ =	shalt  }
0x4a: {  	_ =	shalt  }
0x4b: {  	_ =	shalt  }
0x4c: {  	_ =	shalt  }
0x4d: {  	_ =	shalt  }
0x4e: {  	_ =	shalt  }
0x4f: {  	_ =	shalt  }
0x50: {  	_ =	shalt  }
0x51: {  	_ =	shalt  }
0x52: {  	_ =	shalt  }
0x53: {  	_ =	shalt  }
0x54: {  	_ =	shalt  }
0x55: {  	_ =	shalt  }
0x56: {  	_ =	shalt  }
0x57: {  	_ =	shalt  }
0x58: {  	_ =	shalt  }
0x59: {  	_ =	shalt  }
0x5a: {  	_ =	shalt  }
0x5b: {  	_ =	shalt  }
0x5c: {  	_ =	shalt  }
0x5d: {  	_ =	shalt  }
0x5e: {  	_ =	shalt  }
0x5f: {  	_ =	shalt  }
0x60: {  	_ =	shalt  }
0x61: {  	_ =	shalt  }
0x62: {  	_ =	shalt  }
0x63: {  	_ =	shalt  }
0x64: {  	_ =	shalt  }
0x65: {  	_ =	shalt  }
0x66: {  	_ =	shalt  }
0x67: {  	_ =	shalt  }
0x68: {  	_ =	shalt  }
0x69: {  	_ =	shalt  }
0x6a: {  	_ =	shalt  }
0x6b: {  	_ =	shalt  }
0x6c: {  	_ =	shalt  }
0x6d: {  	_ =	shalt  }
0x6e: {  	_ =	shalt  }
0x6f: {  	_ =	shalt  }
0x70: {  	_ =	shalt  }
0x71: {  	_ =	shalt  }
0x72: {  	_ =	shalt  }
0x73: {  	_ =	shalt  }
0x74: {  	_ =	shalt  }
0x75: {  	_ =	shalt  }
0x76: {  	_ =	shalt  }
0x77: {  	_ =	shalt  }
0x78: {  	_ =	shalt  }
0x79: {  	_ =	shalt  }
0x7a: {  	_ =	shalt  }
0x7b: {  	_ =	shalt  }
0x7c: {  	_ =	shalt  }
0x7d: {  	_ =	shalt  }
0x7e: {  	_ =	shalt  }
0x7f: {  	_ =	shalt  }
0x80: {  	_ =	shalt  }
0x81: {  	_ =	shalt  }
0x82: {  	_ =	shalt  }
0x83: {  	_ =	shalt  }
0x84: {  	_ =	shalt  }
0x85: {  	_ =	shalt  }
0x86: {  	_ =	shalt  }
0x87: {  	_ =	shalt  }
.Lfunc_end0:
.L_simem_size_0:
called_computation_lowered:
.L_overlay_start_0:
0x88: {  	s2 =	sld [smem:$0x3FD9]  }
0x89: {  	s3 =	sld [smem:$0x3FFE];
	_ =	sdelay $0x1  }
0x8a: {  	s1 =	srdreg.scid  }
0x8b: {  	s0 =	sand.u32 $0x1, s1  }
0x8c: {  	s17 =	sshll.u32 s0, $0xA;
	s2 =	sadd.s32 s3, s2  }
0x8d: {  	s2 =	sadd.s32 s2, s17  }
0x8e: {  	[smem:$0x3FC3] =	sst s2  }
0x8f: {  	_ = 	snop  }
0x90: {  	s2 =	sld [smem:$0x3FC9]  }
0x91: {  	s18 =	sld [smem:$0x3FC8]  }
0x92: {  	s4 =	sld [smem:$0x3FC7]  }
0x93: {  	s5 =	sld [smem:$0x3FC6]  }
0x94: {  	s6 =	sld [smem:$0x3FC5];
	(tm) =	ssettm $0x1  }
0x95: {  	s7 =	sld [smem:$0x3FFB];
	_ =	sdelay $0x3  }
0x96: {  	_ =	strace s7  }
0x97: {  	s7 =	sld [smem:$0x3FFC];
	_ =	sdelay $0x3  }
0x98: {  	_ =	strace s7  }
0x99: {  	s7 =	sld [smem:$0x3FFD];
	_ =	sdelay $0x3  }
0x9a: {  	_ =	strace s7  }
0x9b: {  	_ =	strace $0x8FFFFFFF  }
0x9c: {  	s19 =	sld [smem:$0x3FDB];
	_ =	sdelay $0x1  }
0x9d: {  	s8 =	simm.s32 $_scs_section_size  }
0x9e: {  	s9 =	simm.s32 $_size__tile_overlayer_lowered;
	s10 =	simm.s32 $_tile_overlayer_lowered  }
0x9f: {  	s22 =	simm.s32 $0x1BFF;
	s21 =	sshll.u32 s10, $0x1;
	s7 =	sadd.s32 s8, s19  }
0xa0: {  	s11 =	simm.s32 $0x0;
	s20 =	sshll.u32 s9, $0x1;
	s9 =	sadd.s32 s21, s7  }
0xa1: {  	[timem:s11], [sflag:s22] =	dma.local [hbm:s9], s20  }
0xa2: {  	_ =	swait.ge [sflag:s22], s20  }
0xa3: {  	s8 =	ssub.s32 $0x0, s20;
	[sflag:s22] =	ssyncset.done $0x0  }
0xa4: {  	[sflag:s22] =	ssyncadd.s32 s8;
	_ =	sdelay $0x1  }
0xa5: {  	s23 =	simm.s32 $0x1B8B  }
0xa6: {  	_ =	swait.ge [sflag:s23], $0x1  }
0xa7: {  	[sflag:s23] =	ssyncset.done $0x0  }
0xa8: {  	s25 =	simm.s32 $0x1B8E;
	s24 =	sld [smem:$0x3FFE];
	[sflag:s23] =	ssyncadd.s32 $0xFFFFFFFF  }
0xa9: {  	s26 =	simm.s32 $execute0_lowered;
	[smem:$0x3FD2] =	sst s25  }
0xaa: {  	s9 =	sshll.u32 s26, $0x1;
	_ =	strace $0x80000046;
	[dreg:$0x1] =	wrdreg $0xFFFFFFFF  }
0xab: {  	s28 =	simm.s32 $_size_execute0_lowered;
	s7 =	sadd.s32 s7, s9;
	[dreg:$0x0] =	wrdreg $0x0  }
0xac: {  	s9 =	sshll.u32 s28, $0x1;
	[dreg:$0x2] =	wrdreg s7  }
0xad: {  	[dreg:$0x3] =	wrdreg s9  }
0xae: {  	[dreg:$0x4] =	wrdreg $0xC0  }
0xaf: {  	_ =	task [dreg:s11], $0x5FFFF  }
0xb0: {  	[dreg:$0x1] =	wrdreg $0xFFFFFFFF  }
0xb1: {  	[dreg:$0x0] =	wrdreg $0x60  }
0xb2: {  	[dreg:$0x2] =	wrdreg s5  }
0xb3: {  	[dreg:$0x3] =	wrdreg s6  }
0xb4: {  	[dreg:$0x4] =	wrdreg s2  }
0xb5: {  	[dreg:$0x5] =	wrdreg s18  }
0xb6: {  	[dreg:$0x6] =	wrdreg s4  }
0xb7: {  	[dreg:$0x7] =	wrdreg s24  }
0xb8: {  	[dreg:$0x8] =	wrdreg $0x9  }
0xb9: {  	_ =	task.clear_ibuf [dreg:s11], $0x9FFFF;
	_ =	strace $0x90000046  }
0xba: {  	s29 =	simm.s32 $0x9;
	_ =	strace $0x80000048  }
0xbb: {  	_ =	swait.ge [sflag:s29], $0x1  }
0xbc: {  	[sflag:s29] =	ssyncadd.s32 $0xFFFFFFFF  }
0xbd: {  	_ =	strace $0x90000048  }
0xbe: {  	_ =	sfence  }
0xbf: {  	s30 =	sld [smem:$0x0];
	_ =	sdelay $0x2  }
0xc0: {  	s31 =	sshll.u32 s1, $0xD;
	s1 =	sshrl.u32 s1, $0x2  }
0xc1: {  	s3 =	sand.u32 $0x4000, s31;
	s1 =	sadd.s32 s1, s30  }
0xc2: {  	s0 =	sor.u32 s3, s0;
	s1 =	sshll.u32 s1, $0x11  }
0xc3: {  	s0 =	sor.u32 s1, s0  }
0xc4: {  	s0 =	sadd.s32 $0x8F2B, s0  }
0xc5: {  	[sflag:s0] =	ssyncadd.remote.s32 $0x1  }
0xc6: {  	_ =	sfence.sel $0xFFFF  }
0xc7: {  	[dreg:$0x0] =	wrdreg $0xFFFFFFFF;
	(pc) =	sbr.abs _section_cstart, $3  }
0xc8: {  	[dreg:$0x1] =	wrdreg $0xFFFFFFFF  }
0xc9: {  	_ =	task.clear_ibuf [dreg:s11], $0x2FFFF;
	_ =	strace $0x9FFFFFFF  }
0xca: {  	(tm) =	ssettm $0x7FFFFFFF  }
0xcb: {  	_ =	shalt  }
tec
execute0_lowered:
.L_overlay_start_1:
0x0: {  	(tag) =	ssettag $0x1  }
0x1: {  	s1 =	rddreg [dreg:$0x0]  }
0x2: {  	s2 =	rddreg [dreg:$0x1]  }
0x3: {  	s0 =	rddreg [dreg:$0x2]  }
0x4: {  	s3 =	rddreg [dreg:$0x3]  }
0x5: {  	s7 =	rddreg [dreg:$0x4]  }
0x6: {  	s5 =	rddreg [dreg:$0x5];
	s4 =	simm.s32 $0x0  }
0x7: {  	s9 =	stileid.u32;
	s6 =	srdreg.scid;
	s12 =	simm.s32 $0x1  }
0x8: {  	s13 =	simm.s32 $0x40;
	s14 =	simm.s32 $0x600;
	s15 =	simm.s32 $0x8600  }
0x9: {  	s16 =	simm.s32 $0x2600;
	s18 =	simm.s32 $0xA600;
	s20 =	simm.s32 $0x4600  }
0xa: {  	s22 =	simm.s32 $0xC600;
	s24 =	simm.s32 $0x6600;
	s28 =	simm.s32 $0x2  }
0xb: {  	s19 =	simm.s32 $0x4;
	s29 =	simm.s32 $0x5;
	s11 =	simm.s32 $0x10700  }
0xc: {  	s17 =	simm.s32 $0x10740;
	s21 =	simm.s32 $0x10780;
	s23 =	simm.s32 $0x107C0  }
0xd: {  	s25 =	simm.s32 $0x0;
	[smem:$0x7FF] =	sst s4;
	s8 =	sshll.u32 s9, $0x7  }
0xe: {  	s6 =	sand.u32 $0x1, s6;
	s9 =	sshll.u32 s9, $0x1;
	_ =	strace $0x80000047  }
0xf: {  	s8 =	sand.u32 $0x600, s8;
	s9 =	sor.u32 s6, s9;
	s26 =	ssub.s32 $0x2, s6  }
0x10: {  	s8 =	sadd.s32 s8, s5;
	s30 =	sshll.u32 s9, $0x4;
	s10 =	sshrl.u32 s26, $0x1  }
0x11: {  	v0 =	vlaneseq.u32;
	s9 =	sshll.u32 s9, $0x6;
	s6 =	sand.u32 $0x70, s30;
	s10 =	ssub.s32 s26, s10  }
0x12: {  	v1 =	vmul.u32 $0x80, v0;
	s5 =	sadd.s32 s0, s9;
	s7 =	sadd.s32 s7, s9;
	s26 =	simm.s32 $0xE600  }
0x13: {  	s0 =	simm.s32 $0x3;
	s31 =	sadd.s32 s6, s8;
	s6 =	sadd.s32 s3, s9  }
0x14: {  	v2 =	vor.u32 $0x800, v1;
	v3 =	vor.u32 $0x1000, v1;
	v4 =	vor.u32 $0x1800, v1;
	s9 =	smax.u32 s10, $0x1;
	s10 =	simm.s32 $0x200;
	s8 =	sadd.s32 $0x600, s31  }
.LBB2_1:
0x15: {  	[tilespmem:s4], [sflag:$0x1] =	stream.linear.gather [hbm4b:s5+s4], $0x200, $0x38;
	[tilespmem:$0x10800] =	vst v63  }
0x16: {  	_ = 	snop  }
0x17: {  	[tilespmem:s10], [sflag:$0x1] =	stream.linear.gather [hbm4b:s6+s4], $0x200, $0x38;
	[tilespmem:$0x10800] =	vst v63  }
0x18: {  	s30 =	simm.s32 $0x400  }
0x19: {  	[tilespmem:s30], [sflag:$0x1] =	stream.linear.gather [hbm4b:s7+s4], $0x200, $0x38;
	[tilespmem:$0x10800] =	vst v63  }
0x1a: {  	_ =	swait.ge [sflag:s12], $0x200  }
0x1b: {  	[sflag:s12] =	ssyncset.done $0x0  }
0x1c: {  	[sflag:s12] =	ssyncadd.s32 $0xFFFFFE00  }
0x1d: {  	_ =	swait.ge [sflag:s12], $0x200  }
0x1e: {  	[sflag:s12] =	ssyncset.done $0x0  }
0x1f: {  	[sflag:s12] =	ssyncadd.s32 $0xFFFFFE00  }
0x20: {  	[tilespmem:s14], [sflag:$0x2] =	stream.indirect.gather [hbm4b:s1+s13], $0x80, s4, s13, $0xb8;
	[tilespmem:$0x10800] =	vst v63  }
0x21: {  	_ = 	snop  }
0x22: {  	[tilespmem:s15], [sflag:$0x2] =	stream.indirect.gather [hbm4b:s2+s13], $0x80, s10, s13, $0xb8;
	[tilespmem:$0x10800] =	vst v63  }
0x23: {  	_ = 	snop  }
0x24: {  	[tilespmem:s16], [sflag:$0x3] =	stream.indirect.gather [hbm4b:s1+s13], $0x80, s13, s13, $0xb8;
	[tilespmem:$0x10800] =	vst v63  }
0x25: {  	s30 =	simm.s32 $0x240  }
0x26: {  	[tilespmem:s18], [sflag:$0x3] =	stream.indirect.gather [hbm4b:s2+s13], $0x80, s30, s13, $0xb8;
	[tilespmem:$0x10800] =	vst v63  }
0x27: {  	s30 =	simm.s32 $0x80  }
0x28: {  	[tilespmem:s20], [sflag:$0x4] =	stream.indirect.gather [hbm4b:s1+s13], $0x80, s30, s13, $0xb8;
	[tilespmem:$0x10800] =	vst v63  }
0x29: {  	s30 =	simm.s32 $0x280  }
0x2a: {  	[tilespmem:s22], [sflag:$0x4] =	stream.indirect.gather [hbm4b:s2+s13], $0x80, s30, s13, $0xb8;
	[tilespmem:$0x10800] =	vst v63  }
0x2b: {  	s30 =	simm.s32 $0xC0  }
0x2c: {  	[tilespmem:s24], [sflag:$0x5] =	stream.indirect.gather [hbm4b:s1+s13], $0x80, s30, s13, $0xb8;
	[tilespmem:$0x10800] =	vst v63  }
0x2d: {  	s30 =	simm.s32 $0x2C0  }
0x2e: {  	[tilespmem:s26], [sflag:$0x5] =	stream.indirect.gather [hbm4b:s2+s13], $0x80, s30, s13, $0xb8;
	[tilespmem:$0x10800] =	vst v63  }
0x2f: {  	_ =	swait.ge [sflag:s12], $0x200  }
0x30: {  	[sflag:s12] =	ssyncset.done $0x0  }
0x31: {  	v5 =	vadd.s32 s4, v0;
	[sflag:s12] =	ssyncadd.s32 $0xFFFFFE00  }
0x32: {  	v5 =	vand.u32 $0x7F, v5;
	_ =	swait.ge [sflag:s28], $0x2000  }
0x33: {  	v6 =	vor.u32 v1, v5;
	[sflag:s28] =	ssyncset.done $0x0  }
0x34: {  	[sflag:s28] =	ssyncadd.s32 $0xFFFFE000  }
0x35: {  	v7 =	vor.u32 v2, v5;
	_ =	swait.ge [sflag:s28], $0x2000  }
0x36: {  	[sflag:s28] =	ssyncset.done $0x0  }
0x37: {  	v8 =	vor.u32 v3, v5;
	[sflag:s28] =	ssyncadd.s32 $0xFFFFE000  }
0x38: {  	s30 =	simm.s32 $0x1;
	v9 =	vld.idx.msk [tilespmem:v6+s14+$0x0], $0xffff  }
0x39: {  	v5 =	vor.u32 v4, v5;
	v10 =	vadd.s32 s30, v0;
	v6 =	vld.idx.msk [tilespmem:v6+s15+$0x0], $0xffff  }
0x3a: {  	v10 =	vand.u32 $0x7F, v10;
	v11 =	vld.idx.msk [tilespmem:v7+s14+$0x0], $0xffff  }
0x3b: {  	v12 =	vor.u32 v1, v10;
	v7 =	vld.idx.msk [tilespmem:v7+s15+$0x0], $0xffff  }
0x3c: {  	s30 =	simm.s32 $0x2;
	v13 =	vld.idx.msk [tilespmem:v8+s14+$0x0], $0xffff  }
0x3d: {  	v16 =	vadd.s32 s30, v0;
	v14 =	vor.u32 v2, v10;
	v8 =	vld.idx.msk [tilespmem:v8+s15+$0x0], $0xffff  }
0x3e: {  	v16 =	vand.u32 $0x7F, v16;
	v15 =	vld.idx.msk [tilespmem:v5+s14+$0x0], $0xffff  }
0x3f: {  	v17 =	vor.u32 v1, v16;
	v18 =	vld.idx.msk [tilespmem:v5+s15+$0x0], $0xffff  }
0x40: {  	v5 =	vor.u32 v3, v10;
	v19 =	vld.idx.msk [tilespmem:v12+s14+$0x0], $0xffff  }
0x41: {  	v20 =	vld.idx.msk [tilespmem:v12+s15+$0x0], $0xffff  }
0x42: {  	v10 =	vor.u32 v4, v10;
	v21 =	vld.idx.msk [tilespmem:v14+s14+$0x0], $0xffff  }
0x43: {  	v22 =	vld.idx.msk [tilespmem:v14+s15+$0x0], $0xffff  }
0x44: {  	v12 =	vld.idx.msk [tilespmem:v17+s14+$0x0], $0xffff  }
0x45: {  	v24 =	vor.u32 v2, v16;
	v23 =	vld.idx.msk [tilespmem:v5+s14+$0x0], $0xffff  }
0x46: {  	v25 =	vld.idx.msk [tilespmem:v5+s15+$0x0], $0xffff  }
0x47: {  	s30 =	simm.s32 $0x3;
	v27 =	vor.u32 v3, v16;
	v26 =	vld.idx.msk [tilespmem:v10+s14+$0x0], $0xffff  }
0x48: {  	v28 =	vld.idx.msk [tilespmem:v10+s15+$0x0], $0xffff;
	v5 =	vadd.s32 s30, v0;
	v9 =	vmul.f32 v6, v9;
	v10 =	vmul.f32 v7, v11  }
0x49: {  	v11 =	vmul.f32 v8, v13;
	v14 =	vand.u32 $0x7F, v5;
	v5 =	vld.idx.msk [tilespmem:v17+s15+$0x0], $0xffff;
	v17 =	vor.u32 v4, v16  }
0x4a: {  	v29 =	vimm.f32 $0.0e+00;
	v6 =	vld.idx.msk [tilespmem:v24+s14+$0x0], $0xffff;
	v13 =	vmul.f32 v18, v15;
	v63 =	vmul.f32 v20, v19  }
0x4b: {  	v7 =	vld.idx.msk [tilespmem:v24+s15+$0x0], $0xffff;
	v22 =	vmul.f32 v22, v21;
	v16 =	vor.u32 v1, v14;
	v9 =	vadd.f32 v9, v29  }
0x4c: {  	v8 =	vld.idx.msk [tilespmem:v27+s14+$0x0], $0xffff;
	v15 =	vor.u32 v2, v14;
	v30 =	vadd.f32 v10, v29;
	v19 =	vadd.f32 v11, v29  }
0x4d: {  	v10 =	vld.idx.msk [tilespmem:v27+s15+$0x0], $0xffff;
	v20 =	vadd.f32 v13, v29;
	v18 =	vmul.f32 v25, v23;
	v21 =	vmul.f32 v28, v26  }
0x4e: {  	s30 =	simm.s32 $0x4;
	v11 =	vadd.f32 v63, v9;
	v9 =	vadd.f32 v22, v30;
	v13 =	vld.idx.msk [tilespmem:v17+s14+$0x0], $0xffff  }
.LBB2_2:
0x4f: {  	p0 =	slt.u32 s30, $0x7E;
	v22 =	vld.idx.msk [tilespmem:v17+s15+$0x0], $0xffff;
	v17 =	vor.u32 v3, v14;
	v19 =	vadd.f32 v18, v19;
	v20 =	vadd.f32 v21, v20  }
0x50: {  	v18 =	vld.idx.msk [tilespmem:v16+s14+$0x0], $0xffff  }
0x51: {  	v21 =	vadd.s32 s30, v0;
	v14 =	vor.u32 v4, v14;
	v23 =	vld.idx.msk [tilespmem:v16+s15+$0x0], $0xffff  }
0x52: {  	v16 =	vand.u32 $0x7F, v21;
	v21 =	vld.idx.msk [tilespmem:v15+s14+$0x0], $0xffff  }
0x53: {  	v24 =	vor.u32 v1, v16;
	v25 =	vld.idx.msk [tilespmem:v15+s15+$0x0], $0xffff  }
0x54: {  	v26 =	vld.idx.msk [tilespmem:v17+s14+$0x0], $0xffff  }
0x55: {  	v15 =	vor.u32 v2, v16;
	v27 =	vld.idx.msk [tilespmem:v17+s15+$0x0], $0xffff  }
0x56: {  	s31 =	sadd.s32 $0x1, s30;
	v28 =	vld.idx.msk [tilespmem:v14+s14+$0x0], $0xffff  }
0x57: {  	v29 =	vor.u32 v3, v16;
	v17 =	vadd.s32 s31, v0;
	v30 =	vld.idx.msk [tilespmem:v14+s15+$0x0], $0xffff  }
0x58: {  	v14 =	vand.u32 $0x7F, v17;
	v31 =	vld.idx.msk [tilespmem:v24+s14+$0x0], $0xffff  }
0x59: {  	v12 =	vmul.f32 v5, v12;
	v17 =	vor.u32 v4, v16;
	v5 =	vld.idx.msk [tilespmem:v24+s15+$0x0], $0xffff;
	v24 =	vmul.f32 v7, v6  }
.Ltmp0:
0x5a: {  	v32 =	vmul.f32 v10, v8;
	v13 =	vmul.f32 v22, v13;
	v16 =	vor.u32 v1, v14;
	v6 =	vld.idx.msk [tilespmem:v15+s14+$0x0], $0xffff;
	(pc) =	sbr.rel @p0 .LBB2_2-.Ltmp0, $4  }
0x5b: {  	v22 =	vmul.f32 v23, v18;
	v23 =	vmul.f32 v25, v21;
	v7 =	vld.idx.msk [tilespmem:v15+s15+$0x0], $0xffff;
	v15 =	vor.u32 v2, v14  }
0x5c: {  	v11 =	vadd.f32 v12, v11;
	v18 =	vmul.f32 v27, v26;
	v9 =	vadd.f32 v24, v9;
	v8 =	vld.idx.msk [tilespmem:v29+s14+$0x0], $0xffff  }
0x5d: {  	v19 =	vadd.f32 v32, v19;
	v20 =	vadd.f32 v13, v20;
	v21 =	vmul.f32 v30, v28;
	v10 =	vld.idx.msk [tilespmem:v29+s15+$0x0], $0xffff  }
0x5e: {  	s30 =	sadd.s32 $0x2, s30;
	v11 =	vadd.f32 v22, v11;
	v9 =	vadd.f32 v23, v9;
	v12 =	vmov v31;
	v13 =	vld.idx.msk [tilespmem:v17+s14+$0x0], $0xffff  }
0x5f: {  	_ =	sdelay $0x3  }
0x60: {  	v17 =	vld.idx.msk [tilespmem:v17+s15+$0x0], $0xffff;
	v22 =	vor.u32 v3, v14  }
0x61: {  	v23 =	vld.idx.msk [tilespmem:v16+s14+$0x0], $0xffff  }
0x62: {  	v16 =	vld.idx.msk [tilespmem:v16+s15+$0x0], $0xffff;
	v14 =	vor.u32 v4, v14  }
0x63: {  	v24 =	vld.idx.msk [tilespmem:v15+s14+$0x0], $0xffff  }
0x64: {  	v15 =	vld.idx.msk [tilespmem:v15+s15+$0x0], $0xffff  }
0x65: {  	v25 =	vld.idx.msk [tilespmem:v22+s14+$0x0], $0xffff  }
0x66: {  	v22 =	vld.idx.msk [tilespmem:v22+s15+$0x0], $0xffff  }
0x67: {  	s30 =	simm.s32 $0x100;
	v26 =	vld.idx.msk [tilespmem:v14+s14+$0x0], $0xffff  }
0x68: {  	v14 =	vld.idx.msk [tilespmem:v14+s15+$0x0], $0xffff;
	[tilespmem:s14], [sflag:$0x2] =	stream.indirect.gather [hbm4b:s1+s13], $0x80, s30, s13, $0xb8  }
0x69: {  	s30 =	simm.s32 $0x300  }
0x6a: {  	v5 =	vmul.f32 v5, v12;
	[tilespmem:s15], [sflag:$0x2] =	stream.indirect.gather [hbm4b:s2+s13], $0x80, s30, s13, $0xb8;
	[tilespmem:$0x10800] =	vst v63  }
0x6b: {  	v12 =	vadd.f32 v18, v19;
	v18 =	vadd.f32 v21, v20;
	v6 =	vmul.f32 v7, v6;
	v7 =	vld [tilespmem:$0x400]  }
0x6c: {  	v5 =	vadd.f32 v5, v11;
	v8 =	vmul.f32 v10, v8;
	v10 =	vmul.f32 v16, v23;
	v11 =	vld [tilespmem:$0x410]  }
0x6d: {  	v6 =	vadd.f32 v6, v9;
	v13 =	vmul.f32 v17, v13;
	v15 =	vmul.f32 v15, v24;
	v9 =	vld [tilespmem:$0x420]  }
0x6e: {  	v8 =	vadd.f32 v8, v12;
	v5 =	vadd.f32 v10, v5;
	v10 =	vld [tilespmem:$0x430];
	v16 =	vmul.f32 v22, v25  }
0x6f: {  	v12 =	vadd.f32 v13, v18;
	v6 =	vadd.f32 v15, v6;
	v13 =	vmul.f32 v14, v26  }
0x70: {  	v8 =	vadd.f32 v16, v8;
	v5 =	vmul.f32 v7, v5  }
0x71: {  	v7 =	vadd.f32 v13, v12;
	v6 =	vmul.f32 v11, v6  }
0x72: {  	[tilespmem:$0x10600] =	vst v5;
	v5 =	vmul.f32 v9, v8  }
0x73: {  	[tilespmem:$0x10610] =	vst v6;
	v6 =	vmul.f32 v10, v7  }
0x74: {  	[tilespmem:$0x10620] =	vst v5  }
0x75: {  	s31 =	simm.s32 $0x10600;
	s30 =	simm.s32 $0x0;
	[tilespmem:$0x10630] =	vst v6  }
0x76: {  	v5 =	vadd.s32 s30, v0;
	[hbm4b:s8+s30] =	stream.linear.scatter [tilespmem:s31], [sflag:$0x1], $0x40, $0x38;
	[tilespmem:$0x10800] =	vst v63  }
0x77: {  	v5 =	vand.u32 $0x7F, v5;
	_ =	swait.ge [sflag:s0], $0x2000  }
0x78: {  	v6 =	vor.u32 v1, v5;
	[sflag:s0] =	ssyncset.done $0x0  }
0x79: {  	[sflag:s0] =	ssyncadd.s32 $0xFFFFE000  }
0x7a: {  	v7 =	vor.u32 v2, v5;
	_ =	swait.ge [sflag:s0], $0x2000  }
0x7b: {  	[sflag:s0] =	ssyncset.done $0x0  }
0x7c: {  	v8 =	vor.u32 v3, v5;
	[sflag:s0] =	ssyncadd.s32 $0xFFFFE000  }
0x7d: {  	s30 =	simm.s32 $0x1;
	v9 =	vld.idx.msk [tilespmem:v6+s16+$0x0], $0xffff  }
0x7e: {  	v10 =	vadd.s32 s30, v0;
	v5 =	vor.u32 v4, v5;
	v6 =	vld.idx.msk [tilespmem:v6+s18+$0x0], $0xffff  }
0x7f: {  	v10 =	vand.u32 $0x7F, v10;
	v11 =	vld.idx.msk [tilespmem:v7+s16+$0x0], $0xffff  }
0x80: {  	v12 =	vor.u32 v1, v10;
	v7 =	vld.idx.msk [tilespmem:v7+s18+$0x0], $0xffff  }
0x81: {  	s30 =	simm.s32 $0x2;
	v13 =	vld.idx.msk [tilespmem:v8+s16+$0x0], $0xffff  }
0x82: {  	v16 =	vadd.s32 s30, v0;
	v14 =	vor.u32 v2, v10;
	v8 =	vld.idx.msk [tilespmem:v8+s18+$0x0], $0xffff  }
0x83: {  	v16 =	vand.u32 $0x7F, v16;
	v15 =	vld.idx.msk [tilespmem:v5+s16+$0x0], $0xffff  }
0x84: {  	v17 =	vor.u32 v1, v16;
	v18 =	vld.idx.msk [tilespmem:v5+s18+$0x0], $0xffff  }
0x85: {  	v5 =	vor.u32 v3, v10;
	v19 =	vld.idx.msk [tilespmem:v12+s16+$0x0], $0xffff  }
0x86: {  	v20 =	vld.idx.msk [tilespmem:v12+s18+$0x0], $0xffff  }
0x87: {  	v10 =	vor.u32 v4, v10;
	v21 =	vld.idx.msk [tilespmem:v14+s16+$0x0], $0xffff  }
0x88: {  	v22 =	vld.idx.msk [tilespmem:v14+s18+$0x0], $0xffff  }
0x89: {  	v12 =	vld.idx.msk [tilespmem:v17+s16+$0x0], $0xffff  }
0x8a: {  	v60 =	vor.u32 v2, v16;
	v23 =	vld.idx.msk [tilespmem:v5+s16+$0x0], $0xffff  }
0x8b: {  	v61 =	vld.idx.msk [tilespmem:v5+s18+$0x0], $0xffff  }
0x8c: {  	s30 =	simm.s32 $0x3;
	v27 =	vor.u32 v3, v16;
	v62 =	vld.idx.msk [tilespmem:v10+s16+$0x0], $0xffff  }
0x8d: {  	v28 =	vld.idx.msk [tilespmem:v10+s18+$0x0], $0xffff;
	v5 =	vadd.s32 s30, v0;
	v9 =	vmul.f32 v6, v9;
	v10 =	vmul.f32 v7, v11  }
0x8e: {  	v11 =	vmul.f32 v8, v13;
	v14 =	vand.u32 $0x7F, v5;
	v5 =	vld.idx.msk [tilespmem:v17+s18+$0x0], $0xffff;
	v17 =	vor.u32 v4, v16  }
0x8f: {  	v29 =	vimm.f32 $0.0e+00;
	v6 =	vld.idx.msk [tilespmem:v60+s16+$0x0], $0xffff;
	v13 =	vmul.f32 v18, v15;
	v63 =	vmul.f32 v20, v19  }
0x90: {  	v7 =	vld.idx.msk [tilespmem:v60+s18+$0x0], $0xffff;
	v22 =	vmul.f32 v22, v21;
	v16 =	vor.u32 v1, v14;
	v9 =	vadd.f32 v9, v29  }
0x91: {  	v8 =	vld.idx.msk [tilespmem:v27+s16+$0x0], $0xffff;
	v15 =	vor.u32 v2, v14;
	v30 =	vadd.f32 v10, v29;
	v19 =	vadd.f32 v11, v29  }
0x92: {  	v10 =	vld.idx.msk [tilespmem:v27+s18+$0x0], $0xffff;
	v20 =	vadd.f32 v13, v29;
	v18 =	vmul.f32 v61, v23;
	v21 =	vmul.f32 v28, v62  }
0x93: {  	s30 =	simm.s32 $0x4;
	v11 =	vadd.f32 v63, v9;
	v9 =	vadd.f32 v22, v30;
	v13 =	vld.idx.msk [tilespmem:v17+s16+$0x0], $0xffff  }
.LBB2_4:
0x94: {  	p0 =	slt.u32 s30, $0x7E;
	v22 =	vld.idx.msk [tilespmem:v17+s18+$0x0], $0xffff;
	v17 =	vor.u32 v3, v14;
	v19 =	vadd.f32 v18, v19;
	v20 =	vadd.f32 v21, v20  }
0x95: {  	v18 =	vld.idx.msk [tilespmem:v16+s16+$0x0], $0xffff  }
0x96: {  	v21 =	vadd.s32 s30, v0;
	v14 =	vor.u32 v4, v14;
	v23 =	vld.idx.msk [tilespmem:v16+s18+$0x0], $0xffff  }
0x97: {  	v16 =	vand.u32 $0x7F, v21;
	v21 =	vld.idx.msk [tilespmem:v15+s16+$0x0], $0xffff  }
0x98: {  	v24 =	vor.u32 v1, v16;
	v25 =	vld.idx.msk [tilespmem:v15+s18+$0x0], $0xffff  }
0x99: {  	v26 =	vld.idx.msk [tilespmem:v17+s16+$0x0], $0xffff  }
0x9a: {  	v15 =	vor.u32 v2, v16;
	v27 =	vld.idx.msk [tilespmem:v17+s18+$0x0], $0xffff  }
0x9b: {  	s31 =	sadd.s32 $0x1, s30;
	v28 =	vld.idx.msk [tilespmem:v14+s16+$0x0], $0xffff  }
0x9c: {  	v29 =	vor.u32 v3, v16;
	v17 =	vadd.s32 s31, v0;
	v30 =	vld.idx.msk [tilespmem:v14+s18+$0x0], $0xffff  }
0x9d: {  	v14 =	vand.u32 $0x7F, v17;
	v31 =	vld.idx.msk [tilespmem:v24+s16+$0x0], $0xffff  }
0x9e: {  	v12 =	vmul.f32 v5, v12;
	v17 =	vor.u32 v4, v16;
	v5 =	vld.idx.msk [tilespmem:v24+s18+$0x0], $0xffff;
	v24 =	vmul.f32 v7, v6  }
.Ltmp1:
0x9f: {  	v32 =	vmul.f32 v10, v8;
	v13 =	vmul.f32 v22, v13;
	v16 =	vor.u32 v1, v14;
	v6 =	vld.idx.msk [tilespmem:v15+s16+$0x0], $0xffff;
	(pc) =	sbr.rel @p0 .LBB2_4-.Ltmp1, $4  }
0xa0: {  	v22 =	vmul.f32 v23, v18;
	v23 =	vmul.f32 v25, v21;
	v7 =	vld.idx.msk [tilespmem:v15+s18+$0x0], $0xffff;
	v15 =	vor.u32 v2, v14  }
0xa1: {  	v11 =	vadd.f32 v12, v11;
	v18 =	vmul.f32 v27, v26;
	v9 =	vadd.f32 v24, v9;
	v8 =	vld.idx.msk [tilespmem:v29+s16+$0x0], $0xffff  }
0xa2: {  	v19 =	vadd.f32 v32, v19;
	v20 =	vadd.f32 v13, v20;
	v21 =	vmul.f32 v30, v28;
	v10 =	vld.idx.msk [tilespmem:v29+s18+$0x0], $0xffff  }
0xa3: {  	s30 =	sadd.s32 $0x2, s30;
	v11 =	vadd.f32 v22, v11;
	v9 =	vadd.f32 v23, v9;
	v12 =	vmov v31;
	v13 =	vld.idx.msk [tilespmem:v17+s16+$0x0], $0xffff  }
0xa4: {  	_ =	sdelay $0x3  }
0xa5: {  	v17 =	vld.idx.msk [tilespmem:v17+s18+$0x0], $0xffff;
	v22 =	vor.u32 v3, v14  }
0xa6: {  	v23 =	vld.idx.msk [tilespmem:v16+s16+$0x0], $0xffff  }
0xa7: {  	v16 =	vld.idx.msk [tilespmem:v16+s18+$0x0], $0xffff;
	v14 =	vor.u32 v4, v14  }
0xa8: {  	v24 =	vld.idx.msk [tilespmem:v15+s16+$0x0], $0xffff  }
0xa9: {  	v15 =	vld.idx.msk [tilespmem:v15+s18+$0x0], $0xffff  }
0xaa: {  	v25 =	vld.idx.msk [tilespmem:v22+s16+$0x0], $0xffff  }
0xab: {  	v22 =	vld.idx.msk [tilespmem:v22+s18+$0x0], $0xffff  }
0xac: {  	s30 =	simm.s32 $0x140;
	v26 =	vld.idx.msk [tilespmem:v14+s16+$0x0], $0xffff  }
0xad: {  	v14 =	vld.idx.msk [tilespmem:v14+s18+$0x0], $0xffff;
	[tilespmem:s16], [sflag:$0x3] =	stream.indirect.gather [hbm4b:s1+s13], $0x80, s30, s13, $0xb8  }
0xae: {  	s30 =	simm.s32 $0x340  }
0xaf: {  	v5 =	vmul.f32 v5, v12;
	[tilespmem:s18], [sflag:$0x3] =	stream.indirect.gather [hbm4b:s2+s13], $0x80, s30, s13, $0xb8;
	[tilespmem:$0x10800] =	vst v63  }
0xb0: {  	v12 =	vadd.f32 v18, v19;
	v18 =	vadd.f32 v21, v20;
	v6 =	vmul.f32 v7, v6;
	v7 =	vld [tilespmem:$0x440]  }
0xb1: {  	v5 =	vadd.f32 v5, v11;
	v8 =	vmul.f32 v10, v8;
	v10 =	vmul.f32 v16, v23;
	v11 =	vld [tilespmem:$0x450]  }
0xb2: {  	v6 =	vadd.f32 v6, v9;
	v13 =	vmul.f32 v17, v13;
	v15 =	vmul.f32 v15, v24;
	v9 =	vld [tilespmem:$0x460]  }
0xb3: {  	v8 =	vadd.f32 v8, v12;
	v5 =	vadd.f32 v10, v5;
	v10 =	vld [tilespmem:$0x470];
	v16 =	vmul.f32 v22, v25  }
0xb4: {  	v12 =	vadd.f32 v13, v18;
	v6 =	vadd.f32 v15, v6;
	v13 =	vmul.f32 v14, v26  }
0xb5: {  	v8 =	vadd.f32 v16, v8;
	v5 =	vmul.f32 v7, v5  }
0xb6: {  	v7 =	vadd.f32 v13, v12;
	v6 =	vmul.f32 v11, v6  }
0xb7: {  	[tilespmem:$0x10640] =	vst v5;
	v5 =	vmul.f32 v9, v8  }
0xb8: {  	[tilespmem:$0x10650] =	vst v6;
	v6 =	vmul.f32 v10, v7  }
0xb9: {  	[tilespmem:$0x10660] =	vst v5  }
0xba: {  	s31 =	simm.s32 $0x0;
	s3 =	simm.s32 $0x10640;
	s30 =	sadd.s32 $0x8, s8;
	[tilespmem:$0x10670] =	vst v6  }
0xbb: {  	v5 =	vadd.s32 s31, v0;
	[hbm4b:s30+s31] =	stream.linear.scatter [tilespmem:s3], [sflag:$0x1], $0x40, $0x38;
	[tilespmem:$0x10800] =	vst v63  }
0xbc: {  	v5 =	vand.u32 $0x7F, v5;
	_ =	swait.ge [sflag:s19], $0x2000  }
0xbd: {  	v6 =	vor.u32 v1, v5;
	[sflag:s19] =	ssyncset.done $0x0  }
0xbe: {  	[sflag:s19] =	ssyncadd.s32 $0xFFFFE000  }
0xbf: {  	v7 =	vor.u32 v2, v5;
	_ =	swait.ge [sflag:s19], $0x2000  }
0xc0: {  	[sflag:s19] =	ssyncset.done $0x0  }
0xc1: {  	v8 =	vor.u32 v3, v5;
	[sflag:s19] =	ssyncadd.s32 $0xFFFFE000  }
0xc2: {  	s30 =	simm.s32 $0x1;
	v9 =	vld.idx.msk [tilespmem:v6+s20+$0x0], $0xffff  }
0xc3: {  	v10 =	vadd.s32 s30, v0;
	v5 =	vor.u32 v4, v5;
	v6 =	vld.idx.msk [tilespmem:v6+s22+$0x0], $0xffff  }
0xc4: {  	v10 =	vand.u32 $0x7F, v10;
	v11 =	vld.idx.msk [tilespmem:v7+s20+$0x0], $0xffff  }
0xc5: {  	v12 =	vor.u32 v1, v10;
	v7 =	vld.idx.msk [tilespmem:v7+s22+$0x0], $0xffff  }
0xc6: {  	s30 =	simm.s32 $0x2;
	v13 =	vld.idx.msk [tilespmem:v8+s20+$0x0], $0xffff  }
0xc7: {  	v16 =	vadd.s32 s30, v0;
	v14 =	vor.u32 v2, v10;
	v8 =	vld.idx.msk [tilespmem:v8+s22+$0x0], $0xffff  }
0xc8: {  	v16 =	vand.u32 $0x7F, v16;
	v15 =	vld.idx.msk [tilespmem:v5+s20+$0x0], $0xffff  }
0xc9: {  	v17 =	vor.u32 v1, v16;
	v18 =	vld.idx.msk [tilespmem:v5+s22+$0x0], $0xffff  }
0xca: {  	v5 =	vor.u32 v3, v10;
	v19 =	vld.idx.msk [tilespmem:v12+s20+$0x0], $0xffff  }
0xcb: {  	v20 =	vld.idx.msk [tilespmem:v12+s22+$0x0], $0xffff  }
0xcc: {  	v10 =	vor.u32 v4, v10;
	v21 =	vld.idx.msk [tilespmem:v14+s20+$0x0], $0xffff  }
0xcd: {  	v22 =	vld.idx.msk [tilespmem:v14+s22+$0x0], $0xffff  }
0xce: {  	v12 =	vld.idx.msk [tilespmem:v17+s20+$0x0], $0xffff  }
0xcf: {  	v60 =	vor.u32 v2, v16;
	v23 =	vld.idx.msk [tilespmem:v5+s20+$0x0], $0xffff  }
0xd0: {  	v61 =	vld.idx.msk [tilespmem:v5+s22+$0x0], $0xffff  }
0xd1: {  	s30 =	simm.s32 $0x3;
	v27 =	vor.u32 v3, v16;
	v62 =	vld.idx.msk [tilespmem:v10+s20+$0x0], $0xffff  }
0xd2: {  	v28 =	vld.idx.msk [tilespmem:v10+s22+$0x0], $0xffff;
	v5 =	vadd.s32 s30, v0;
	v9 =	vmul.f32 v6, v9;
	v10 =	vmul.f32 v7, v11  }
0xd3: {  	v11 =	vmul.f32 v8, v13;
	v14 =	vand.u32 $0x7F, v5;
	v5 =	vld.idx.msk [tilespmem:v17+s22+$0x0], $0xffff;
	v17 =	vor.u32 v4, v16  }
0xd4: {  	v29 =	vimm.f32 $0.0e+00;
	v6 =	vld.idx.msk [tilespmem:v60+s20+$0x0], $0xffff;
	v13 =	vmul.f32 v18, v15;
	v63 =	vmul.f32 v20, v19  }
0xd5: {  	v7 =	vld.idx.msk [tilespmem:v60+s22+$0x0], $0xffff;
	v22 =	vmul.f32 v22, v21;
	v16 =	vor.u32 v1, v14;
	v9 =	vadd.f32 v9, v29  }
0xd6: {  	v8 =	vld.idx.msk [tilespmem:v27+s20+$0x0], $0xffff;
	v15 =	vor.u32 v2, v14;
	v30 =	vadd.f32 v10, v29;
	v19 =	vadd.f32 v11, v29  }
0xd7: {  	v10 =	vld.idx.msk [tilespmem:v27+s22+$0x0], $0xffff;
	v20 =	vadd.f32 v13, v29;
	v18 =	vmul.f32 v61, v23;
	v21 =	vmul.f32 v28, v62  }
0xd8: {  	s30 =	simm.s32 $0x4;
	v11 =	vadd.f32 v63, v9;
	v9 =	vadd.f32 v22, v30;
	v13 =	vld.idx.msk [tilespmem:v17+s20+$0x0], $0xffff  }
.LBB2_6:
0xd9: {  	p0 =	slt.u32 s30, $0x7E;
	v22 =	vld.idx.msk [tilespmem:v17+s22+$0x0], $0xffff;
	v17 =	vor.u32 v3, v14;
	v19 =	vadd.f32 v18, v19;
	v20 =	vadd.f32 v21, v20  }
0xda: {  	v18 =	vld.idx.msk [tilespmem:v16+s20+$0x0], $0xffff  }
0xdb: {  	v21 =	vadd.s32 s30, v0;
	v14 =	vor.u32 v4, v14;
	v23 =	vld.idx.msk [tilespmem:v16+s22+$0x0], $0xffff  }
0xdc: {  	v16 =	vand.u32 $0x7F, v21;
	v21 =	vld.idx.msk [tilespmem:v15+s20+$0x0], $0xffff  }
0xdd: {  	v24 =	vor.u32 v1, v16;
	v25 =	vld.idx.msk [tilespmem:v15+s22+$0x0], $0xffff  }
0xde: {  	v26 =	vld.idx.msk [tilespmem:v17+s20+$0x0], $0xffff  }
0xdf: {  	v15 =	vor.u32 v2, v16;
	v27 =	vld.idx.msk [tilespmem:v17+s22+$0x0], $0xffff  }
0xe0: {  	s31 =	sadd.s32 $0x1, s30;
	v28 =	vld.idx.msk [tilespmem:v14+s20+$0x0], $0xffff  }
0xe1: {  	v29 =	vor.u32 v3, v16;
	v17 =	vadd.s32 s31, v0;
	v30 =	vld.idx.msk [tilespmem:v14+s22+$0x0], $0xffff  }
0xe2: {  	v14 =	vand.u32 $0x7F, v17;
	v31 =	vld.idx.msk [tilespmem:v24+s20+$0x0], $0xffff  }
0xe3: {  	v12 =	vmul.f32 v5, v12;
	v17 =	vor.u32 v4, v16;
	v5 =	vld.idx.msk [tilespmem:v24+s22+$0x0], $0xffff;
	v24 =	vmul.f32 v7, v6  }
.Ltmp2:
0xe4: {  	v32 =	vmul.f32 v10, v8;
	v13 =	vmul.f32 v22, v13;
	v16 =	vor.u32 v1, v14;
	v6 =	vld.idx.msk [tilespmem:v15+s20+$0x0], $0xffff;
	(pc) =	sbr.rel @p0 .LBB2_6-.Ltmp2, $4  }
0xe5: {  	v22 =	vmul.f32 v23, v18;
	v23 =	vmul.f32 v25, v21;
	v7 =	vld.idx.msk [tilespmem:v15+s22+$0x0], $0xffff;
	v15 =	vor.u32 v2, v14  }
0xe6: {  	v11 =	vadd.f32 v12, v11;
	v18 =	vmul.f32 v27, v26;
	v9 =	vadd.f32 v24, v9;
	v8 =	vld.idx.msk [tilespmem:v29+s20+$0x0], $0xffff  }
0xe7: {  	v19 =	vadd.f32 v32, v19;
	v20 =	vadd.f32 v13, v20;
	v21 =	vmul.f32 v30, v28;
	v10 =	vld.idx.msk [tilespmem:v29+s22+$0x0], $0xffff  }
0xe8: {  	s30 =	sadd.s32 $0x2, s30;
	v11 =	vadd.f32 v22, v11;
	v9 =	vadd.f32 v23, v9;
	v12 =	vmov v31;
	v13 =	vld.idx.msk [tilespmem:v17+s20+$0x0], $0xffff  }
0xe9: {  	_ =	sdelay $0x3  }
0xea: {  	v17 =	vld.idx.msk [tilespmem:v17+s22+$0x0], $0xffff;
	v22 =	vor.u32 v3, v14  }
0xeb: {  	v23 =	vld.idx.msk [tilespmem:v16+s20+$0x0], $0xffff  }
0xec: {  	v16 =	vld.idx.msk [tilespmem:v16+s22+$0x0], $0xffff;
	v14 =	vor.u32 v4, v14  }
0xed: {  	v24 =	vld.idx.msk [tilespmem:v15+s20+$0x0], $0xffff  }
0xee: {  	v15 =	vld.idx.msk [tilespmem:v15+s22+$0x0], $0xffff  }
0xef: {  	v25 =	vld.idx.msk [tilespmem:v22+s20+$0x0], $0xffff  }
0xf0: {  	v22 =	vld.idx.msk [tilespmem:v22+s22+$0x0], $0xffff  }
0xf1: {  	s3 =	simm.s32 $0x180;
	v26 =	vld.idx.msk [tilespmem:v14+s20+$0x0], $0xffff  }
0xf2: {  	v14 =	vld.idx.msk [tilespmem:v14+s22+$0x0], $0xffff;
	[tilespmem:s20], [sflag:$0x4] =	stream.indirect.gather [hbm4b:s1+s13], $0x80, s3, s13, $0xb8  }
0xf3: {  	s31 =	simm.s32 $0x380  }
0xf4: {  	v5 =	vmul.f32 v5, v12;
	[tilespmem:s22], [sflag:$0x4] =	stream.indirect.gather [hbm4b:s2+s13], $0x80, s31, s13, $0xb8;
	[tilespmem:$0x10800] =	vst v63  }
0xf5: {  	v12 =	vadd.f32 v18, v19;
	v18 =	vadd.f32 v21, v20;
	v6 =	vmul.f32 v7, v6;
	v7 =	vld [tilespmem:$0x480]  }
0xf6: {  	v5 =	vadd.f32 v5, v11;
	v8 =	vmul.f32 v10, v8;
	v10 =	vmul.f32 v16, v23;
	v11 =	vld [tilespmem:$0x490]  }
0xf7: {  	v6 =	vadd.f32 v6, v9;
	v13 =	vmul.f32 v17, v13;
	v15 =	vmul.f32 v15, v24;
	v9 =	vld [tilespmem:$0x4A0]  }
0xf8: {  	v8 =	vadd.f32 v8, v12;
	v5 =	vadd.f32 v10, v5;
	v10 =	vld [tilespmem:$0x4B0];
	v16 =	vmul.f32 v22, v25  }
0xf9: {  	v12 =	vadd.f32 v13, v18;
	v6 =	vadd.f32 v15, v6;
	v13 =	vmul.f32 v14, v26  }
0xfa: {  	v8 =	vadd.f32 v16, v8;
	v5 =	vmul.f32 v7, v5  }
0xfb: {  	v7 =	vadd.f32 v13, v12;
	v6 =	vmul.f32 v11, v6  }
0xfc: {  	[tilespmem:$0x10680] =	vst v5;
	v5 =	vmul.f32 v9, v8  }
0xfd: {  	[tilespmem:$0x10690] =	vst v6;
	v6 =	vmul.f32 v10, v7  }
0xfe: {  	[tilespmem:$0x106A0] =	vst v5  }
0xff: {  	s30 =	sadd.s32 $0x80, s8;
	s3 =	simm.s32 $0x10680;
	s31 =	simm.s32 $0x0;
	[tilespmem:$0x106B0] =	vst v6  }
0x100: {  	v5 =	vadd.s32 s31, v0;
	[hbm4b:s30+s31] =	stream.linear.scatter [tilespmem:s3], [sflag:$0x1], $0x40, $0x38;
	[tilespmem:$0x10800] =	vst v63  }
0x101: {  	v5 =	vand.u32 $0x7F, v5;
	_ =	swait.ge [sflag:s29], $0x2000  }
0x102: {  	v6 =	vor.u32 v1, v5;
	[sflag:s29] =	ssyncset.done $0x0  }
0x103: {  	[sflag:s29] =	ssyncadd.s32 $0xFFFFE000  }
0x104: {  	v7 =	vor.u32 v2, v5;
	_ =	swait.ge [sflag:s29], $0x2000  }
0x105: {  	[sflag:s29] =	ssyncset.done $0x0  }
0x106: {  	v8 =	vor.u32 v3, v5;
	[sflag:s29] =	ssyncadd.s32 $0xFFFFE000  }
0x107: {  	s30 =	simm.s32 $0x1;
	v9 =	vld.idx.msk [tilespmem:v6+s24+$0x0], $0xffff  }
0x108: {  	v10 =	vadd.s32 s30, v0;
	v5 =	vor.u32 v4, v5;
	v6 =	vld.idx.msk [tilespmem:v6+s26+$0x0], $0xffff  }
0x109: {  	v10 =	vand.u32 $0x7F, v10;
	v11 =	vld.idx.msk [tilespmem:v7+s24+$0x0], $0xffff  }
0x10a: {  	v12 =	vor.u32 v1, v10;
	v7 =	vld.idx.msk [tilespmem:v7+s26+$0x0], $0xffff  }
0x10b: {  	s30 =	simm.s32 $0x2;
	v13 =	vld.idx.msk [tilespmem:v8+s24+$0x0], $0xffff  }
0x10c: {  	v16 =	vadd.s32 s30, v0;
	v14 =	vor.u32 v2, v10;
	v8 =	vld.idx.msk [tilespmem:v8+s26+$0x0], $0xffff  }
0x10d: {  	v16 =	vand.u32 $0x7F, v16;
	v15 =	vld.idx.msk [tilespmem:v5+s24+$0x0], $0xffff  }
0x10e: {  	v17 =	vor.u32 v1, v16;
	v18 =	vld.idx.msk [tilespmem:v5+s26+$0x0], $0xffff  }
0x10f: {  	v5 =	vor.u32 v3, v10;
	v19 =	vld.idx.msk [tilespmem:v12+s24+$0x0], $0xffff  }
0x110: {  	v20 =	vld.idx.msk [tilespmem:v12+s26+$0x0], $0xffff  }
0x111: {  	v10 =	vor.u32 v4, v10;
	v21 =	vld.idx.msk [tilespmem:v14+s24+$0x0], $0xffff  }
0x112: {  	v22 =	vld.idx.msk [tilespmem:v14+s26+$0x0], $0xffff  }
0x113: {  	v12 =	vld.idx.msk [tilespmem:v17+s24+$0x0], $0xffff  }
0x114: {  	v60 =	vor.u32 v2, v16;
	v23 =	vld.idx.msk [tilespmem:v5+s24+$0x0], $0xffff  }
0x115: {  	v61 =	vld.idx.msk [tilespmem:v5+s26+$0x0], $0xffff  }
0x116: {  	s30 =	simm.s32 $0x3;
	v27 =	vor.u32 v3, v16;
	v62 =	vld.idx.msk [tilespmem:v10+s24+$0x0], $0xffff  }
0x117: {  	v28 =	vld.idx.msk [tilespmem:v10+s26+$0x0], $0xffff;
	v5 =	vadd.s32 s30, v0;
	v9 =	vmul.f32 v6, v9;
	v10 =	vmul.f32 v7, v11  }
0x118: {  	v11 =	vmul.f32 v8, v13;
	v14 =	vand.u32 $0x7F, v5;
	v5 =	vld.idx.msk [tilespmem:v17+s26+$0x0], $0xffff;
	v17 =	vor.u32 v4, v16  }
0x119: {  	v29 =	vimm.f32 $0.0e+00;
	v6 =	vld.idx.msk [tilespmem:v60+s24+$0x0], $0xffff;
	v13 =	vmul.f32 v18, v15;
	v63 =	vmul.f32 v20, v19  }
0x11a: {  	v7 =	vld.idx.msk [tilespmem:v60+s26+$0x0], $0xffff;
	v22 =	vmul.f32 v22, v21;
	v16 =	vor.u32 v1, v14;
	v9 =	vadd.f32 v9, v29  }
0x11b: {  	v8 =	vld.idx.msk [tilespmem:v27+s24+$0x0], $0xffff;
	v15 =	vor.u32 v2, v14;
	v30 =	vadd.f32 v10, v29;
	v19 =	vadd.f32 v11, v29  }
0x11c: {  	v10 =	vld.idx.msk [tilespmem:v27+s26+$0x0], $0xffff;
	v20 =	vadd.f32 v13, v29;
	v18 =	vmul.f32 v61, v23;
	v21 =	vmul.f32 v28, v62  }
0x11d: {  	s30 =	simm.s32 $0x4;
	v11 =	vadd.f32 v63, v9;
	v9 =	vadd.f32 v22, v30;
	v13 =	vld.idx.msk [tilespmem:v17+s24+$0x0], $0xffff  }
.LBB2_8:
0x11e: {  	p0 =	slt.u32 s30, $0x7E;
	v22 =	vld.idx.msk [tilespmem:v17+s26+$0x0], $0xffff;
	v17 =	vor.u32 v3, v14;
	v19 =	vadd.f32 v18, v19;
	v20 =	vadd.f32 v21, v20  }
0x11f: {  	v18 =	vld.idx.msk [tilespmem:v16+s24+$0x0], $0xffff  }
0x120: {  	v21 =	vadd.s32 s30, v0;
	v14 =	vor.u32 v4, v14;
	v23 =	vld.idx.msk [tilespmem:v16+s26+$0x0], $0xffff  }
0x121: {  	v16 =	vand.u32 $0x7F, v21;
	v21 =	vld.idx.msk [tilespmem:v15+s24+$0x0], $0xffff  }
0x122: {  	v24 =	vor.u32 v1, v16;
	v25 =	vld.idx.msk [tilespmem:v15+s26+$0x0], $0xffff  }
0x123: {  	v26 =	vld.idx.msk [tilespmem:v17+s24+$0x0], $0xffff  }
0x124: {  	v15 =	vor.u32 v2, v16;
	v27 =	vld.idx.msk [tilespmem:v17+s26+$0x0], $0xffff  }
0x125: {  	s31 =	sadd.s32 $0x1, s30;
	v28 =	vld.idx.msk [tilespmem:v14+s24+$0x0], $0xffff  }
0x126: {  	v29 =	vor.u32 v3, v16;
	v17 =	vadd.s32 s31, v0;
	v30 =	vld.idx.msk [tilespmem:v14+s26+$0x0], $0xffff  }
0x127: {  	v14 =	vand.u32 $0x7F, v17;
	v31 =	vld.idx.msk [tilespmem:v24+s24+$0x0], $0xffff  }
0x128: {  	v12 =	vmul.f32 v5, v12;
	v17 =	vor.u32 v4, v16;
	v5 =	vld.idx.msk [tilespmem:v24+s26+$0x0], $0xffff;
	v24 =	vmul.f32 v7, v6  }
.Ltmp3:
0x129: {  	v32 =	vmul.f32 v10, v8;
	v13 =	vmul.f32 v22, v13;
	v16 =	vor.u32 v1, v14;
	v6 =	vld.idx.msk [tilespmem:v15+s24+$0x0], $0xffff;
	(pc) =	sbr.rel @p0 .LBB2_8-.Ltmp3, $4  }
0x12a: {  	v22 =	vmul.f32 v23, v18;
	v23 =	vmul.f32 v25, v21;
	v7 =	vld.idx.msk [tilespmem:v15+s26+$0x0], $0xffff;
	v15 =	vor.u32 v2, v14  }
0x12b: {  	v11 =	vadd.f32 v12, v11;
	v18 =	vmul.f32 v27, v26;
	v9 =	vadd.f32 v24, v9;
	v8 =	vld.idx.msk [tilespmem:v29+s24+$0x0], $0xffff  }
0x12c: {  	v19 =	vadd.f32 v32, v19;
	v20 =	vadd.f32 v13, v20;
	v21 =	vmul.f32 v30, v28;
	v10 =	vld.idx.msk [tilespmem:v29+s26+$0x0], $0xffff  }
0x12d: {  	s30 =	sadd.s32 $0x2, s30;
	v11 =	vadd.f32 v22, v11;
	v9 =	vadd.f32 v23, v9;
	v12 =	vmov v31;
	v13 =	vld.idx.msk [tilespmem:v17+s24+$0x0], $0xffff  }
0x12e: {  	_ =	sdelay $0x3  }
0x12f: {  	v17 =	vld.idx.msk [tilespmem:v17+s26+$0x0], $0xffff;
	v22 =	vor.u32 v3, v14  }
0x130: {  	v23 =	vld.idx.msk [tilespmem:v16+s24+$0x0], $0xffff  }
0x131: {  	v16 =	vld.idx.msk [tilespmem:v16+s26+$0x0], $0xffff;
	v14 =	vor.u32 v4, v14  }
0x132: {  	v24 =	vld.idx.msk [tilespmem:v15+s24+$0x0], $0xffff  }
0x133: {  	v15 =	vld.idx.msk [tilespmem:v15+s26+$0x0], $0xffff  }
0x134: {  	v25 =	vld.idx.msk [tilespmem:v22+s24+$0x0], $0xffff  }
0x135: {  	v22 =	vld.idx.msk [tilespmem:v22+s26+$0x0], $0xffff  }
0x136: {  	s3 =	simm.s32 $0x1C0;
	v26 =	vld.idx.msk [tilespmem:v14+s24+$0x0], $0xffff  }
0x137: {  	v14 =	vld.idx.msk [tilespmem:v14+s26+$0x0], $0xffff;
	[tilespmem:s24], [sflag:$0x5] =	stream.indirect.gather [hbm4b:s1+s13], $0x80, s3, s13, $0xb8  }
0x138: {  	s31 =	simm.s32 $0x3C0  }
0x139: {  	v5 =	vmul.f32 v5, v12;
	[tilespmem:s26], [sflag:$0x5] =	stream.indirect.gather [hbm4b:s2+s13], $0x80, s31, s13, $0xb8;
	[tilespmem:$0x10800] =	vst v63  }
0x13a: {  	v12 =	vadd.f32 v18, v19;
	v18 =	vadd.f32 v21, v20;
	v6 =	vmul.f32 v7, v6;
	v7 =	vld [tilespmem:$0x4C0]  }
0x13b: {  	v5 =	vadd.f32 v5, v11;
	v8 =	vmul.f32 v10, v8;
	v10 =	vmul.f32 v16, v23;
	v11 =	vld [tilespmem:$0x4D0]  }
0x13c: {  	v6 =	vadd.f32 v6, v9;
	v13 =	vmul.f32 v17, v13;
	v15 =	vmul.f32 v15, v24;
	v9 =	vld [tilespmem:$0x4E0]  }
0x13d: {  	v8 =	vadd.f32 v8, v12;
	v5 =	vadd.f32 v10, v5;
	v10 =	vld [tilespmem:$0x4F0];
	v16 =	vmul.f32 v22, v25  }
0x13e: {  	v12 =	vadd.f32 v13, v18;
	v6 =	vadd.f32 v15, v6;
	v13 =	vmul.f32 v14, v26  }
0x13f: {  	v8 =	vadd.f32 v16, v8;
	v5 =	vmul.f32 v7, v5  }
0x140: {  	v7 =	vadd.f32 v13, v12;
	v6 =	vmul.f32 v11, v6  }
0x141: {  	[tilespmem:$0x106C0] =	vst v5;
	v5 =	vmul.f32 v9, v8  }
0x142: {  	[tilespmem:$0x106D0] =	vst v6;
	v6 =	vmul.f32 v10, v7  }
0x143: {  	[tilespmem:$0x106E0] =	vst v5  }
0x144: {  	s30 =	sadd.s32 $0x88, s8;
	s3 =	simm.s32 $0x106C0;
	s31 =	simm.s32 $0x0;
	[tilespmem:$0x106F0] =	vst v6  }
0x145: {  	v5 =	vadd.s32 s31, v0;
	[hbm4b:s30+s31] =	stream.linear.scatter [tilespmem:s3], [sflag:$0x1], $0x40, $0x38;
	[tilespmem:$0x10800] =	vst v63  }
0x146: {  	v5 =	vand.u32 $0x7F, v5;
	_ =	swait.ge [sflag:s28], $0x2000  }
0x147: {  	v6 =	vor.u32 v1, v5;
	[sflag:s28] =	ssyncset.done $0x0  }
0x148: {  	[sflag:s28] =	ssyncadd.s32 $0xFFFFE000  }
0x149: {  	v7 =	vor.u32 v2, v5;
	_ =	swait.ge [sflag:s28], $0x2000  }
0x14a: {  	[sflag:s28] =	ssyncset.done $0x0  }
0x14b: {  	v8 =	vor.u32 v3, v5;
	[sflag:s28] =	ssyncadd.s32 $0xFFFFE000  }
0x14c: {  	s30 =	simm.s32 $0x1;
	v9 =	vld.idx.msk [tilespmem:v6+s14+$0x0], $0xffff  }
0x14d: {  	v10 =	vadd.s32 s30, v0;
	v5 =	vor.u32 v4, v5;
	v6 =	vld.idx.msk [tilespmem:v6+s15+$0x0], $0xffff  }
0x14e: {  	v10 =	vand.u32 $0x7F, v10;
	v12 =	vld.idx.msk [tilespmem:v7+s14+$0x0], $0xffff  }
0x14f: {  	v11 =	vor.u32 v1, v10;
	v7 =	vld.idx.msk [tilespmem:v7+s15+$0x0], $0xffff  }
0x150: {  	s30 =	simm.s32 $0x2;
	v14 =	vld.idx.msk [tilespmem:v8+s14+$0x0], $0xffff  }
0x151: {  	v16 =	vadd.s32 s30, v0;
	v13 =	vor.u32 v2, v10;
	v8 =	vld.idx.msk [tilespmem:v8+s15+$0x0], $0xffff  }
0x152: {  	v16 =	vand.u32 $0x7F, v16;
	v15 =	vld.idx.msk [tilespmem:v5+s14+$0x0], $0xffff  }
0x153: {  	v17 =	vor.u32 v1, v16;
	v18 =	vld.idx.msk [tilespmem:v5+s15+$0x0], $0xffff  }
0x154: {  	v5 =	vor.u32 v3, v10;
	v19 =	vld.idx.msk [tilespmem:v11+s14+$0x0], $0xffff  }
0x155: {  	v20 =	vld.idx.msk [tilespmem:v11+s15+$0x0], $0xffff  }
0x156: {  	v10 =	vor.u32 v4, v10;
	v21 =	vld.idx.msk [tilespmem:v13+s14+$0x0], $0xffff  }
0x157: {  	v22 =	vld.idx.msk [tilespmem:v13+s15+$0x0], $0xffff  }
0x158: {  	v11 =	vld.idx.msk [tilespmem:v17+s14+$0x0], $0xffff  }
0x159: {  	v60 =	vor.u32 v2, v16;
	v23 =	vld.idx.msk [tilespmem:v5+s14+$0x0], $0xffff  }
0x15a: {  	v61 =	vld.idx.msk [tilespmem:v5+s15+$0x0], $0xffff  }
0x15b: {  	s30 =	simm.s32 $0x3;
	v27 =	vor.u32 v3, v16;
	v62 =	vld.idx.msk [tilespmem:v10+s14+$0x0], $0xffff  }
0x15c: {  	v28 =	vld.idx.msk [tilespmem:v10+s15+$0x0], $0xffff;
	v5 =	vadd.s32 s30, v0;
	v9 =	vmul.f32 v6, v9;
	v10 =	vmul.f32 v7, v12  }
0x15d: {  	v12 =	vmul.f32 v8, v14;
	v13 =	vand.u32 $0x7F, v5;
	v5 =	vld.idx.msk [tilespmem:v17+s15+$0x0], $0xffff;
	v17 =	vor.u32 v4, v16  }
0x15e: {  	v29 =	vimm.f32 $0.0e+00;
	v6 =	vld.idx.msk [tilespmem:v60+s14+$0x0], $0xffff;
	v14 =	vmul.f32 v18, v15;
	v63 =	vmul.f32 v20, v19  }
0x15f: {  	v7 =	vld.idx.msk [tilespmem:v60+s15+$0x0], $0xffff;
	v22 =	vmul.f32 v22, v21;
	v16 =	vor.u32 v1, v13;
	v9 =	vadd.f32 v9, v29  }
0x160: {  	v8 =	vld.idx.msk [tilespmem:v27+s14+$0x0], $0xffff;
	v15 =	vor.u32 v2, v13;
	v30 =	vadd.f32 v10, v29;
	v19 =	vadd.f32 v12, v29  }
0x161: {  	v10 =	vld.idx.msk [tilespmem:v27+s15+$0x0], $0xffff;
	v20 =	vadd.f32 v14, v29;
	v18 =	vmul.f32 v61, v23;
	v21 =	vmul.f32 v28, v62  }
0x162: {  	s30 =	simm.s32 $0x4;
	v12 =	vadd.f32 v63, v9;
	v9 =	vadd.f32 v22, v30;
	v14 =	vld.idx.msk [tilespmem:v17+s14+$0x0], $0xffff  }
.LBB2_10:
0x163: {  	p0 =	slt.u32 s30, $0x7E;
	v22 =	vld.idx.msk [tilespmem:v17+s15+$0x0], $0xffff;
	v17 =	vor.u32 v3, v13;
	v19 =	vadd.f32 v18, v19;
	v20 =	vadd.f32 v21, v20  }
0x164: {  	v18 =	vld.idx.msk [tilespmem:v16+s14+$0x0], $0xffff  }
0x165: {  	v21 =	vadd.s32 s30, v0;
	v13 =	vor.u32 v4, v13;
	v23 =	vld.idx.msk [tilespmem:v16+s15+$0x0], $0xffff  }
0x166: {  	v16 =	vand.u32 $0x7F, v21;
	v21 =	vld.idx.msk [tilespmem:v15+s14+$0x0], $0xffff  }
0x167: {  	v24 =	vor.u32 v1, v16;
	v25 =	vld.idx.msk [tilespmem:v15+s15+$0x0], $0xffff  }
0x168: {  	v26 =	vld.idx.msk [tilespmem:v17+s14+$0x0], $0xffff  }
0x169: {  	v15 =	vor.u32 v2, v16;
	v27 =	vld.idx.msk [tilespmem:v17+s15+$0x0], $0xffff  }
0x16a: {  	s31 =	sadd.s32 $0x1, s30;
	v28 =	vld.idx.msk [tilespmem:v13+s14+$0x0], $0xffff  }
0x16b: {  	v29 =	vor.u32 v3, v16;
	v17 =	vadd.s32 s31, v0;
	v30 =	vld.idx.msk [tilespmem:v13+s15+$0x0], $0xffff  }
0x16c: {  	v13 =	vand.u32 $0x7F, v17;
	v31 =	vld.idx.msk [tilespmem:v24+s14+$0x0], $0xffff  }
0x16d: {  	v11 =	vmul.f32 v5, v11;
	v17 =	vor.u32 v4, v16;
	v5 =	vld.idx.msk [tilespmem:v24+s15+$0x0], $0xffff;
	v24 =	vmul.f32 v7, v6  }
.Ltmp4:
0x16e: {  	v32 =	vmul.f32 v10, v8;
	v14 =	vmul.f32 v22, v14;
	v16 =	vor.u32 v1, v13;
	v6 =	vld.idx.msk [tilespmem:v15+s14+$0x0], $0xffff;
	(pc) =	sbr.rel @p0 .LBB2_10-.Ltmp4, $4  }
0x16f: {  	v22 =	vmul.f32 v23, v18;
	v23 =	vmul.f32 v25, v21;
	v7 =	vld.idx.msk [tilespmem:v15+s15+$0x0], $0xffff;
	v15 =	vor.u32 v2, v13  }
0x170: {  	v25 =	vadd.f32 v11, v12;
	v18 =	vmul.f32 v27, v26;
	v9 =	vadd.f32 v24, v9;
	v8 =	vld.idx.msk [tilespmem:v29+s14+$0x0], $0xffff  }
0x171: {  	v19 =	vadd.f32 v32, v19;
	v20 =	vadd.f32 v14, v20;
	v21 =	vmul.f32 v30, v28;
	v10 =	vld.idx.msk [tilespmem:v29+s15+$0x0], $0xffff  }
0x172: {  	s30 =	sadd.s32 $0x2, s30;
	v12 =	vadd.f32 v22, v25;
	v9 =	vadd.f32 v23, v9;
	v11 =	vmov v31;
	v14 =	vld.idx.msk [tilespmem:v17+s14+$0x0], $0xffff  }
0x173: {  	_ =	sdelay $0x3  }
0x174: {  	v17 =	vld.idx.msk [tilespmem:v17+s15+$0x0], $0xffff;
	v22 =	vor.u32 v3, v13  }
0x175: {  	v23 =	vld.idx.msk [tilespmem:v16+s14+$0x0], $0xffff  }
0x176: {  	v16 =	vld.idx.msk [tilespmem:v16+s15+$0x0], $0xffff;
	v13 =	vor.u32 v4, v13  }
0x177: {  	v24 =	vld.idx.msk [tilespmem:v15+s14+$0x0], $0xffff  }
0x178: {  	v15 =	vld.idx.msk [tilespmem:v15+s15+$0x0], $0xffff  }
0x179: {  	v25 =	vld.idx.msk [tilespmem:v22+s14+$0x0], $0xffff  }
0x17a: {  	v22 =	vld.idx.msk [tilespmem:v22+s15+$0x0], $0xffff  }
0x17b: {  	v26 =	vld.idx.msk [tilespmem:v13+s14+$0x0], $0xffff  }
0x17c: {  	v5 =	vmul.f32 v5, v11;
	v13 =	vld.idx.msk [tilespmem:v13+s15+$0x0], $0xffff  }
0x17d: {  	v11 =	vadd.f32 v18, v19;
	v18 =	vadd.f32 v21, v20;
	v6 =	vmul.f32 v7, v6;
	v7 =	vld [tilespmem:$0x500]  }
0x17e: {  	v5 =	vadd.f32 v5, v12;
	v12 =	vld [tilespmem:$0x510];
	v8 =	vmul.f32 v10, v8;
	v10 =	vmul.f32 v16, v23  }
0x17f: {  	v6 =	vadd.f32 v6, v9;
	v9 =	vld [tilespmem:$0x520];
	v14 =	vmul.f32 v17, v14;
	v15 =	vmul.f32 v15, v24  }
0x180: {  	v8 =	vadd.f32 v8, v11;
	v5 =	vadd.f32 v10, v5;
	v10 =	vld [tilespmem:$0x530];
	v16 =	vmul.f32 v22, v25  }
0x181: {  	v11 =	vadd.f32 v14, v18;
	v6 =	vadd.f32 v15, v6;
	v13 =	vmul.f32 v13, v26  }
0x182: {  	v5 =	vmul.f32 v7, v5;
	v8 =	vadd.f32 v16, v8  }
0x183: {  	v6 =	vmul.f32 v12, v6;
	v7 =	vadd.f32 v13, v11  }
0x184: {  	[tilespmem:$0x10700] =	vst v5;
	v5 =	vmul.f32 v9, v8  }
0x185: {  	[tilespmem:$0x10710] =	vst v6;
	v6 =	vmul.f32 v10, v7  }
0x186: {  	[tilespmem:$0x10720] =	vst v5  }
0x187: {  	s30 =	sadd.s32 $0x100, s8;
	s31 =	simm.s32 $0x0;
	[tilespmem:$0x10730] =	vst v6  }
0x188: {  	v5 =	vadd.s32 s31, v0;
	[hbm4b:s30+s31] =	stream.linear.scatter [tilespmem:s11], [sflag:$0x1], $0x40, $0x38;
	[tilespmem:$0x10800] =	vst v63  }
0x189: {  	v5 =	vand.u32 $0x7F, v5;
	_ =	swait.ge [sflag:s0], $0x2000  }
0x18a: {  	v6 =	vor.u32 v1, v5;
	[sflag:s0] =	ssyncset.done $0x0  }
0x18b: {  	[sflag:s0] =	ssyncadd.s32 $0xFFFFE000  }
0x18c: {  	v7 =	vor.u32 v2, v5;
	_ =	swait.ge [sflag:s0], $0x2000  }
0x18d: {  	[sflag:s0] =	ssyncset.done $0x0  }
0x18e: {  	v8 =	vor.u32 v3, v5;
	[sflag:s0] =	ssyncadd.s32 $0xFFFFE000  }
0x18f: {  	s30 =	simm.s32 $0x1;
	v9 =	vld.idx.msk [tilespmem:v6+s16+$0x0], $0xffff  }
0x190: {  	v10 =	vadd.s32 s30, v0;
	v5 =	vor.u32 v4, v5;
	v6 =	vld.idx.msk [tilespmem:v6+s18+$0x0], $0xffff  }
0x191: {  	v10 =	vand.u32 $0x7F, v10;
	v12 =	vld.idx.msk [tilespmem:v7+s16+$0x0], $0xffff  }
0x192: {  	v11 =	vor.u32 v1, v10;
	v7 =	vld.idx.msk [tilespmem:v7+s18+$0x0], $0xffff  }
0x193: {  	s30 =	simm.s32 $0x2;
	v14 =	vld.idx.msk [tilespmem:v8+s16+$0x0], $0xffff  }
0x194: {  	v16 =	vadd.s32 s30, v0;
	v13 =	vor.u32 v2, v10;
	v8 =	vld.idx.msk [tilespmem:v8+s18+$0x0], $0xffff  }
0x195: {  	v16 =	vand.u32 $0x7F, v16;
	v15 =	vld.idx.msk [tilespmem:v5+s16+$0x0], $0xffff  }
0x196: {  	v17 =	vor.u32 v1, v16;
	v18 =	vld.idx.msk [tilespmem:v5+s18+$0x0], $0xffff  }
0x197: {  	v5 =	vor.u32 v3, v10;
	v19 =	vld.idx.msk [tilespmem:v11+s16+$0x0], $0xffff  }
0x198: {  	v20 =	vld.idx.msk [tilespmem:v11+s18+$0x0], $0xffff  }
0x199: {  	v10 =	vor.u32 v4, v10;
	v21 =	vld.idx.msk [tilespmem:v13+s16+$0x0], $0xffff  }
0x19a: {  	v22 =	vld.idx.msk [tilespmem:v13+s18+$0x0], $0xffff  }
0x19b: {  	v11 =	vld.idx.msk [tilespmem:v17+s16+$0x0], $0xffff  }
0x19c: {  	v60 =	vor.u32 v2, v16;
	v23 =	vld.idx.msk [tilespmem:v5+s16+$0x0], $0xffff  }
0x19d: {  	v61 =	vld.idx.msk [tilespmem:v5+s18+$0x0], $0xffff  }
0x19e: {  	s30 =	simm.s32 $0x3;
	v27 =	vor.u32 v3, v16;
	v62 =	vld.idx.msk [tilespmem:v10+s16+$0x0], $0xffff  }
0x19f: {  	v28 =	vld.idx.msk [tilespmem:v10+s18+$0x0], $0xffff;
	v5 =	vadd.s32 s30, v0;
	v9 =	vmul.f32 v6, v9;
	v10 =	vmul.f32 v7, v12  }
0x1a0: {  	v12 =	vmul.f32 v8, v14;
	v13 =	vand.u32 $0x7F, v5;
	v5 =	vld.idx.msk [tilespmem:v17+s18+$0x0], $0xffff;
	v17 =	vor.u32 v4, v16  }
0x1a1: {  	v29 =	vimm.f32 $0.0e+00;
	v6 =	vld.idx.msk [tilespmem:v60+s16+$0x0], $0xffff;
	v14 =	vmul.f32 v18, v15;
	v63 =	vmul.f32 v20, v19  }
0x1a2: {  	v7 =	vld.idx.msk [tilespmem:v60+s18+$0x0], $0xffff;
	v22 =	vmul.f32 v22, v21;
	v16 =	vor.u32 v1, v13;
	v9 =	vadd.f32 v9, v29  }
0x1a3: {  	v8 =	vld.idx.msk [tilespmem:v27+s16+$0x0], $0xffff;
	v15 =	vor.u32 v2, v13;
	v30 =	vadd.f32 v10, v29;
	v19 =	vadd.f32 v12, v29  }
0x1a4: {  	v10 =	vld.idx.msk [tilespmem:v27+s18+$0x0], $0xffff;
	v20 =	vadd.f32 v14, v29;
	v18 =	vmul.f32 v61, v23;
	v21 =	vmul.f32 v28, v62  }
0x1a5: {  	s30 =	simm.s32 $0x4;
	v12 =	vadd.f32 v63, v9;
	v9 =	vadd.f32 v22, v30;
	v14 =	vld.idx.msk [tilespmem:v17+s16+$0x0], $0xffff  }
.LBB2_12:
0x1a6: {  	p0 =	slt.u32 s30, $0x7E;
	v22 =	vld.idx.msk [tilespmem:v17+s18+$0x0], $0xffff;
	v17 =	vor.u32 v3, v13;
	v19 =	vadd.f32 v18, v19;
	v20 =	vadd.f32 v21, v20  }
0x1a7: {  	v18 =	vld.idx.msk [tilespmem:v16+s16+$0x0], $0xffff  }
0x1a8: {  	v21 =	vadd.s32 s30, v0;
	v13 =	vor.u32 v4, v13;
	v23 =	vld.idx.msk [tilespmem:v16+s18+$0x0], $0xffff  }
0x1a9: {  	v16 =	vand.u32 $0x7F, v21;
	v21 =	vld.idx.msk [tilespmem:v15+s16+$0x0], $0xffff  }
0x1aa: {  	v24 =	vor.u32 v1, v16;
	v25 =	vld.idx.msk [tilespmem:v15+s18+$0x0], $0xffff  }
0x1ab: {  	v26 =	vld.idx.msk [tilespmem:v17+s16+$0x0], $0xffff  }
0x1ac: {  	v15 =	vor.u32 v2, v16;
	v27 =	vld.idx.msk [tilespmem:v17+s18+$0x0], $0xffff  }
0x1ad: {  	s31 =	sadd.s32 $0x1, s30;
	v28 =	vld.idx.msk [tilespmem:v13+s16+$0x0], $0xffff  }
0x1ae: {  	v29 =	vor.u32 v3, v16;
	v17 =	vadd.s32 s31, v0;
	v30 =	vld.idx.msk [tilespmem:v13+s18+$0x0], $0xffff  }
0x1af: {  	v13 =	vand.u32 $0x7F, v17;
	v31 =	vld.idx.msk [tilespmem:v24+s16+$0x0], $0xffff  }
0x1b0: {  	v11 =	vmul.f32 v5, v11;
	v17 =	vor.u32 v4, v16;
	v5 =	vld.idx.msk [tilespmem:v24+s18+$0x0], $0xffff;
	v24 =	vmul.f32 v7, v6  }
.Ltmp5:
0x1b1: {  	v32 =	vmul.f32 v10, v8;
	v14 =	vmul.f32 v22, v14;
	v16 =	vor.u32 v1, v13;
	v6 =	vld.idx.msk [tilespmem:v15+s16+$0x0], $0xffff;
	(pc) =	sbr.rel @p0 .LBB2_12-.Ltmp5, $4  }
0x1b2: {  	v22 =	vmul.f32 v23, v18;
	v23 =	vmul.f32 v25, v21;
	v7 =	vld.idx.msk [tilespmem:v15+s18+$0x0], $0xffff;
	v15 =	vor.u32 v2, v13  }
0x1b3: {  	v25 =	vadd.f32 v11, v12;
	v18 =	vmul.f32 v27, v26;
	v9 =	vadd.f32 v24, v9;
	v8 =	vld.idx.msk [tilespmem:v29+s16+$0x0], $0xffff  }
0x1b4: {  	v19 =	vadd.f32 v32, v19;
	v20 =	vadd.f32 v14, v20;
	v21 =	vmul.f32 v30, v28;
	v10 =	vld.idx.msk [tilespmem:v29+s18+$0x0], $0xffff  }
0x1b5: {  	s30 =	sadd.s32 $0x2, s30;
	v12 =	vadd.f32 v22, v25;
	v9 =	vadd.f32 v23, v9;
	v11 =	vmov v31;
	v14 =	vld.idx.msk [tilespmem:v17+s16+$0x0], $0xffff  }
0x1b6: {  	_ =	sdelay $0x3  }
0x1b7: {  	v17 =	vld.idx.msk [tilespmem:v17+s18+$0x0], $0xffff;
	v22 =	vor.u32 v3, v13  }
0x1b8: {  	v23 =	vld.idx.msk [tilespmem:v16+s16+$0x0], $0xffff  }
0x1b9: {  	v16 =	vld.idx.msk [tilespmem:v16+s18+$0x0], $0xffff;
	v13 =	vor.u32 v4, v13  }
0x1ba: {  	v24 =	vld.idx.msk [tilespmem:v15+s16+$0x0], $0xffff  }
0x1bb: {  	v15 =	vld.idx.msk [tilespmem:v15+s18+$0x0], $0xffff  }
0x1bc: {  	v25 =	vld.idx.msk [tilespmem:v22+s16+$0x0], $0xffff  }
0x1bd: {  	v22 =	vld.idx.msk [tilespmem:v22+s18+$0x0], $0xffff  }
0x1be: {  	v26 =	vld.idx.msk [tilespmem:v13+s16+$0x0], $0xffff  }
0x1bf: {  	v5 =	vmul.f32 v5, v11;
	v13 =	vld.idx.msk [tilespmem:v13+s18+$0x0], $0xffff  }
0x1c0: {  	v11 =	vadd.f32 v18, v19;
	v18 =	vadd.f32 v21, v20;
	v6 =	vmul.f32 v7, v6;
	v7 =	vld [tilespmem:$0x540]  }
0x1c1: {  	v5 =	vadd.f32 v5, v12;
	v12 =	vld [tilespmem:$0x550];
	v8 =	vmul.f32 v10, v8;
	v10 =	vmul.f32 v16, v23  }
0x1c2: {  	v6 =	vadd.f32 v6, v9;
	v9 =	vld [tilespmem:$0x560];
	v14 =	vmul.f32 v17, v14;
	v15 =	vmul.f32 v15, v24  }
0x1c3: {  	v8 =	vadd.f32 v8, v11;
	v5 =	vadd.f32 v10, v5;
	v10 =	vld [tilespmem:$0x570];
	v16 =	vmul.f32 v22, v25  }
0x1c4: {  	v11 =	vadd.f32 v14, v18;
	v6 =	vadd.f32 v15, v6;
	v13 =	vmul.f32 v13, v26  }
0x1c5: {  	v5 =	vmul.f32 v7, v5;
	v8 =	vadd.f32 v16, v8  }
0x1c6: {  	v6 =	vmul.f32 v12, v6;
	v7 =	vadd.f32 v13, v11  }
0x1c7: {  	[tilespmem:$0x10740] =	vst v5;
	v5 =	vmul.f32 v9, v8  }
0x1c8: {  	[tilespmem:$0x10750] =	vst v6;
	v6 =	vmul.f32 v10, v7  }
0x1c9: {  	[tilespmem:$0x10760] =	vst v5  }
0x1ca: {  	s30 =	sadd.s32 $0x108, s8;
	s31 =	simm.s32 $0x0;
	[tilespmem:$0x10770] =	vst v6  }
0x1cb: {  	v5 =	vadd.s32 s31, v0;
	[hbm4b:s30+s31] =	stream.linear.scatter [tilespmem:s17], [sflag:$0x1], $0x40, $0x38;
	[tilespmem:$0x10800] =	vst v63  }
0x1cc: {  	v5 =	vand.u32 $0x7F, v5;
	_ =	swait.ge [sflag:s19], $0x2000  }
0x1cd: {  	v6 =	vor.u32 v1, v5;
	[sflag:s19] =	ssyncset.done $0x0  }
0x1ce: {  	[sflag:s19] =	ssyncadd.s32 $0xFFFFE000  }
0x1cf: {  	v7 =	vor.u32 v2, v5;
	_ =	swait.ge [sflag:s19], $0x2000  }
0x1d0: {  	[sflag:s19] =	ssyncset.done $0x0  }
0x1d1: {  	v8 =	vor.u32 v3, v5;
	[sflag:s19] =	ssyncadd.s32 $0xFFFFE000  }
0x1d2: {  	s30 =	simm.s32 $0x1;
	v9 =	vld.idx.msk [tilespmem:v6+s20+$0x0], $0xffff  }
0x1d3: {  	v10 =	vadd.s32 s30, v0;
	v5 =	vor.u32 v4, v5;
	v6 =	vld.idx.msk [tilespmem:v6+s22+$0x0], $0xffff  }
0x1d4: {  	v10 =	vand.u32 $0x7F, v10;
	v12 =	vld.idx.msk [tilespmem:v7+s20+$0x0], $0xffff  }
0x1d5: {  	v11 =	vor.u32 v1, v10;
	v7 =	vld.idx.msk [tilespmem:v7+s22+$0x0], $0xffff  }
0x1d6: {  	s30 =	simm.s32 $0x2;
	v14 =	vld.idx.msk [tilespmem:v8+s20+$0x0], $0xffff  }
0x1d7: {  	v16 =	vadd.s32 s30, v0;
	v13 =	vor.u32 v2, v10;
	v8 =	vld.idx.msk [tilespmem:v8+s22+$0x0], $0xffff  }
0x1d8: {  	v16 =	vand.u32 $0x7F, v16;
	v15 =	vld.idx.msk [tilespmem:v5+s20+$0x0], $0xffff  }
0x1d9: {  	v17 =	vor.u32 v1, v16;
	v18 =	vld.idx.msk [tilespmem:v5+s22+$0x0], $0xffff  }
0x1da: {  	v5 =	vor.u32 v3, v10;
	v19 =	vld.idx.msk [tilespmem:v11+s20+$0x0], $0xffff  }
0x1db: {  	v20 =	vld.idx.msk [tilespmem:v11+s22+$0x0], $0xffff  }
0x1dc: {  	v10 =	vor.u32 v4, v10;
	v21 =	vld.idx.msk [tilespmem:v13+s20+$0x0], $0xffff  }
0x1dd: {  	v22 =	vld.idx.msk [tilespmem:v13+s22+$0x0], $0xffff  }
0x1de: {  	v11 =	vld.idx.msk [tilespmem:v17+s20+$0x0], $0xffff  }
0x1df: {  	v60 =	vor.u32 v2, v16;
	v23 =	vld.idx.msk [tilespmem:v5+s20+$0x0], $0xffff  }
0x1e0: {  	v61 =	vld.idx.msk [tilespmem:v5+s22+$0x0], $0xffff  }
0x1e1: {  	s30 =	simm.s32 $0x3;
	v27 =	vor.u32 v3, v16;
	v62 =	vld.idx.msk [tilespmem:v10+s20+$0x0], $0xffff  }
0x1e2: {  	v28 =	vld.idx.msk [tilespmem:v10+s22+$0x0], $0xffff;
	v5 =	vadd.s32 s30, v0;
	v9 =	vmul.f32 v6, v9;
	v10 =	vmul.f32 v7, v12  }
0x1e3: {  	v12 =	vmul.f32 v8, v14;
	v13 =	vand.u32 $0x7F, v5;
	v5 =	vld.idx.msk [tilespmem:v17+s22+$0x0], $0xffff;
	v17 =	vor.u32 v4, v16  }
0x1e4: {  	v29 =	vimm.f32 $0.0e+00;
	v6 =	vld.idx.msk [tilespmem:v60+s20+$0x0], $0xffff;
	v14 =	vmul.f32 v18, v15;
	v63 =	vmul.f32 v20, v19  }
0x1e5: {  	v7 =	vld.idx.msk [tilespmem:v60+s22+$0x0], $0xffff;
	v22 =	vmul.f32 v22, v21;
	v16 =	vor.u32 v1, v13;
	v9 =	vadd.f32 v9, v29  }
0x1e6: {  	v8 =	vld.idx.msk [tilespmem:v27+s20+$0x0], $0xffff;
	v15 =	vor.u32 v2, v13;
	v30 =	vadd.f32 v10, v29;
	v19 =	vadd.f32 v12, v29  }
0x1e7: {  	v10 =	vld.idx.msk [tilespmem:v27+s22+$0x0], $0xffff;
	v20 =	vadd.f32 v14, v29;
	v18 =	vmul.f32 v61, v23;
	v21 =	vmul.f32 v28, v62  }
0x1e8: {  	s30 =	simm.s32 $0x4;
	v12 =	vadd.f32 v63, v9;
	v9 =	vadd.f32 v22, v30;
	v14 =	vld.idx.msk [tilespmem:v17+s20+$0x0], $0xffff  }
.LBB2_14:
0x1e9: {  	p0 =	slt.u32 s30, $0x7E;
	v22 =	vld.idx.msk [tilespmem:v17+s22+$0x0], $0xffff;
	v17 =	vor.u32 v3, v13;
	v19 =	vadd.f32 v18, v19;
	v20 =	vadd.f32 v21, v20  }
0x1ea: {  	v18 =	vld.idx.msk [tilespmem:v16+s20+$0x0], $0xffff  }
0x1eb: {  	v21 =	vadd.s32 s30, v0;
	v13 =	vor.u32 v4, v13;
	v23 =	vld.idx.msk [tilespmem:v16+s22+$0x0], $0xffff  }
0x1ec: {  	v16 =	vand.u32 $0x7F, v21;
	v21 =	vld.idx.msk [tilespmem:v15+s20+$0x0], $0xffff  }
0x1ed: {  	v24 =	vor.u32 v1, v16;
	v25 =	vld.idx.msk [tilespmem:v15+s22+$0x0], $0xffff  }
0x1ee: {  	v26 =	vld.idx.msk [tilespmem:v17+s20+$0x0], $0xffff  }
0x1ef: {  	v15 =	vor.u32 v2, v16;
	v27 =	vld.idx.msk [tilespmem:v17+s22+$0x0], $0xffff  }
0x1f0: {  	s31 =	sadd.s32 $0x1, s30;
	v28 =	vld.idx.msk [tilespmem:v13+s20+$0x0], $0xffff  }
0x1f1: {  	v29 =	vor.u32 v3, v16;
	v17 =	vadd.s32 s31, v0;
	v30 =	vld.idx.msk [tilespmem:v13+s22+$0x0], $0xffff  }
0x1f2: {  	v13 =	vand.u32 $0x7F, v17;
	v31 =	vld.idx.msk [tilespmem:v24+s20+$0x0], $0xffff  }
0x1f3: {  	v11 =	vmul.f32 v5, v11;
	v17 =	vor.u32 v4, v16;
	v5 =	vld.idx.msk [tilespmem:v24+s22+$0x0], $0xffff;
	v24 =	vmul.f32 v7, v6  }
.Ltmp6:
0x1f4: {  	v32 =	vmul.f32 v10, v8;
	v14 =	vmul.f32 v22, v14;
	v16 =	vor.u32 v1, v13;
	v6 =	vld.idx.msk [tilespmem:v15+s20+$0x0], $0xffff;
	(pc) =	sbr.rel @p0 .LBB2_14-.Ltmp6, $4  }
0x1f5: {  	v22 =	vmul.f32 v23, v18;
	v23 =	vmul.f32 v25, v21;
	v7 =	vld.idx.msk [tilespmem:v15+s22+$0x0], $0xffff;
	v15 =	vor.u32 v2, v13  }
0x1f6: {  	v25 =	vadd.f32 v11, v12;
	v18 =	vmul.f32 v27, v26;
	v9 =	vadd.f32 v24, v9;
	v8 =	vld.idx.msk [tilespmem:v29+s20+$0x0], $0xffff  }
0x1f7: {  	v19 =	vadd.f32 v32, v19;
	v20 =	vadd.f32 v14, v20;
	v21 =	vmul.f32 v30, v28;
	v10 =	vld.idx.msk [tilespmem:v29+s22+$0x0], $0xffff  }
0x1f8: {  	s30 =	sadd.s32 $0x2, s30;
	v12 =	vadd.f32 v22, v25;
	v9 =	vadd.f32 v23, v9;
	v11 =	vmov v31;
	v14 =	vld.idx.msk [tilespmem:v17+s20+$0x0], $0xffff  }
0x1f9: {  	_ =	sdelay $0x3  }
0x1fa: {  	v17 =	vld.idx.msk [tilespmem:v17+s22+$0x0], $0xffff;
	v22 =	vor.u32 v3, v13  }
0x1fb: {  	v23 =	vld.idx.msk [tilespmem:v16+s20+$0x0], $0xffff  }
0x1fc: {  	v16 =	vld.idx.msk [tilespmem:v16+s22+$0x0], $0xffff;
	v13 =	vor.u32 v4, v13  }
0x1fd: {  	v24 =	vld.idx.msk [tilespmem:v15+s20+$0x0], $0xffff  }
0x1fe: {  	v15 =	vld.idx.msk [tilespmem:v15+s22+$0x0], $0xffff  }
0x1ff: {  	v25 =	vld.idx.msk [tilespmem:v22+s20+$0x0], $0xffff  }
0x200: {  	v22 =	vld.idx.msk [tilespmem:v22+s22+$0x0], $0xffff  }
0x201: {  	v26 =	vld.idx.msk [tilespmem:v13+s20+$0x0], $0xffff  }
0x202: {  	v5 =	vmul.f32 v5, v11;
	v13 =	vld.idx.msk [tilespmem:v13+s22+$0x0], $0xffff  }
0x203: {  	v11 =	vadd.f32 v18, v19;
	v18 =	vadd.f32 v21, v20;
	v6 =	vmul.f32 v7, v6;
	v7 =	vld [tilespmem:$0x580]  }
0x204: {  	v5 =	vadd.f32 v5, v12;
	v12 =	vld [tilespmem:$0x590];
	v8 =	vmul.f32 v10, v8;
	v10 =	vmul.f32 v16, v23  }
0x205: {  	v6 =	vadd.f32 v6, v9;
	v9 =	vld [tilespmem:$0x5A0];
	v14 =	vmul.f32 v17, v14;
	v15 =	vmul.f32 v15, v24  }
0x206: {  	v8 =	vadd.f32 v8, v11;
	v5 =	vadd.f32 v10, v5;
	v10 =	vld [tilespmem:$0x5B0];
	v16 =	vmul.f32 v22, v25  }
0x207: {  	v11 =	vadd.f32 v14, v18;
	v6 =	vadd.f32 v15, v6;
	v13 =	vmul.f32 v13, v26  }
0x208: {  	v5 =	vmul.f32 v7, v5;
	v8 =	vadd.f32 v16, v8  }
0x209: {  	v6 =	vmul.f32 v12, v6;
	v7 =	vadd.f32 v13, v11  }
0x20a: {  	[tilespmem:$0x10780] =	vst v5;
	v5 =	vmul.f32 v9, v8  }
0x20b: {  	[tilespmem:$0x10790] =	vst v6;
	v6 =	vmul.f32 v10, v7  }
0x20c: {  	[tilespmem:$0x107A0] =	vst v5  }
0x20d: {  	s30 =	sadd.s32 $0x180, s8;
	s31 =	simm.s32 $0x0;
	[tilespmem:$0x107B0] =	vst v6  }
0x20e: {  	v5 =	vadd.s32 s31, v0;
	[hbm4b:s30+s31] =	stream.linear.scatter [tilespmem:s21], [sflag:$0x1], $0x40, $0x38;
	[tilespmem:$0x10800] =	vst v63  }
0x20f: {  	v5 =	vand.u32 $0x7F, v5;
	_ =	swait.ge [sflag:s29], $0x2000  }
0x210: {  	v6 =	vor.u32 v1, v5;
	[sflag:s29] =	ssyncset.done $0x0  }
0x211: {  	[sflag:s29] =	ssyncadd.s32 $0xFFFFE000  }
0x212: {  	v7 =	vor.u32 v2, v5;
	_ =	swait.ge [sflag:s29], $0x2000  }
0x213: {  	[sflag:s29] =	ssyncset.done $0x0  }
0x214: {  	v8 =	vor.u32 v3, v5;
	[sflag:s29] =	ssyncadd.s32 $0xFFFFE000  }
0x215: {  	s30 =	simm.s32 $0x1;
	v9 =	vld.idx.msk [tilespmem:v6+s24+$0x0], $0xffff  }
0x216: {  	v10 =	vadd.s32 s30, v0;
	v5 =	vor.u32 v4, v5;
	v6 =	vld.idx.msk [tilespmem:v6+s26+$0x0], $0xffff  }
0x217: {  	v10 =	vand.u32 $0x7F, v10;
	v11 =	vld.idx.msk [tilespmem:v7+s24+$0x0], $0xffff  }
0x218: {  	v12 =	vor.u32 v1, v10;
	v7 =	vld.idx.msk [tilespmem:v7+s26+$0x0], $0xffff  }
0x219: {  	s30 =	simm.s32 $0x2;
	v14 =	vld.idx.msk [tilespmem:v8+s24+$0x0], $0xffff  }
0x21a: {  	v16 =	vadd.s32 s30, v0;
	v13 =	vor.u32 v2, v10;
	v8 =	vld.idx.msk [tilespmem:v8+s26+$0x0], $0xffff  }
0x21b: {  	v16 =	vand.u32 $0x7F, v16;
	v15 =	vld.idx.msk [tilespmem:v5+s24+$0x0], $0xffff  }
0x21c: {  	v17 =	vor.u32 v1, v16;
	v18 =	vld.idx.msk [tilespmem:v5+s26+$0x0], $0xffff  }
0x21d: {  	v5 =	vor.u32 v3, v10;
	v19 =	vld.idx.msk [tilespmem:v12+s24+$0x0], $0xffff  }
0x21e: {  	v20 =	vld.idx.msk [tilespmem:v12+s26+$0x0], $0xffff  }
0x21f: {  	v10 =	vor.u32 v4, v10;
	v21 =	vld.idx.msk [tilespmem:v13+s24+$0x0], $0xffff  }
0x220: {  	v22 =	vld.idx.msk [tilespmem:v13+s26+$0x0], $0xffff  }
0x221: {  	v12 =	vld.idx.msk [tilespmem:v17+s24+$0x0], $0xffff  }
0x222: {  	v60 =	vor.u32 v2, v16;
	v23 =	vld.idx.msk [tilespmem:v5+s24+$0x0], $0xffff  }
0x223: {  	v61 =	vld.idx.msk [tilespmem:v5+s26+$0x0], $0xffff  }
0x224: {  	s30 =	simm.s32 $0x3;
	v27 =	vor.u32 v3, v16;
	v62 =	vld.idx.msk [tilespmem:v10+s24+$0x0], $0xffff  }
0x225: {  	v28 =	vld.idx.msk [tilespmem:v10+s26+$0x0], $0xffff;
	v5 =	vadd.s32 s30, v0;
	v9 =	vmul.f32 v6, v9;
	v10 =	vmul.f32 v7, v11  }
0x226: {  	v11 =	vmul.f32 v8, v14;
	v13 =	vand.u32 $0x7F, v5;
	v5 =	vld.idx.msk [tilespmem:v17+s26+$0x0], $0xffff;
	v17 =	vor.u32 v4, v16  }
0x227: {  	v29 =	vimm.f32 $0.0e+00;
	v6 =	vld.idx.msk [tilespmem:v60+s24+$0x0], $0xffff;
	v14 =	vmul.f32 v18, v15;
	v63 =	vmul.f32 v20, v19  }
0x228: {  	v7 =	vld.idx.msk [tilespmem:v60+s26+$0x0], $0xffff;
	v22 =	vmul.f32 v22, v21;
	v16 =	vor.u32 v1, v13;
	v9 =	vadd.f32 v9, v29  }
0x229: {  	v8 =	vld.idx.msk [tilespmem:v27+s24+$0x0], $0xffff;
	v15 =	vor.u32 v2, v13;
	v30 =	vadd.f32 v10, v29;
	v19 =	vadd.f32 v11, v29  }
0x22a: {  	v10 =	vld.idx.msk [tilespmem:v27+s26+$0x0], $0xffff;
	v20 =	vadd.f32 v14, v29;
	v18 =	vmul.f32 v61, v23;
	v21 =	vmul.f32 v28, v62  }
0x22b: {  	s30 =	simm.s32 $0x4;
	v11 =	vadd.f32 v63, v9;
	v9 =	vadd.f32 v22, v30;
	v14 =	vld.idx.msk [tilespmem:v17+s24+$0x0], $0xffff  }
.LBB2_16:
0x22c: {  	p0 =	slt.u32 s30, $0x7E;
	v22 =	vld.idx.msk [tilespmem:v17+s26+$0x0], $0xffff;
	v17 =	vor.u32 v3, v13;
	v19 =	vadd.f32 v18, v19;
	v20 =	vadd.f32 v21, v20  }
0x22d: {  	v18 =	vld.idx.msk [tilespmem:v16+s24+$0x0], $0xffff  }
0x22e: {  	v21 =	vadd.s32 s30, v0;
	v13 =	vor.u32 v4, v13;
	v23 =	vld.idx.msk [tilespmem:v16+s26+$0x0], $0xffff  }
0x22f: {  	v16 =	vand.u32 $0x7F, v21;
	v21 =	vld.idx.msk [tilespmem:v15+s24+$0x0], $0xffff  }
0x230: {  	v24 =	vor.u32 v1, v16;
	v25 =	vld.idx.msk [tilespmem:v15+s26+$0x0], $0xffff  }
0x231: {  	v26 =	vld.idx.msk [tilespmem:v17+s24+$0x0], $0xffff  }
0x232: {  	v15 =	vor.u32 v2, v16;
	v27 =	vld.idx.msk [tilespmem:v17+s26+$0x0], $0xffff  }
0x233: {  	s31 =	sadd.s32 $0x1, s30;
	v28 =	vld.idx.msk [tilespmem:v13+s24+$0x0], $0xffff  }
0x234: {  	v29 =	vor.u32 v3, v16;
	v17 =	vadd.s32 s31, v0;
	v30 =	vld.idx.msk [tilespmem:v13+s26+$0x0], $0xffff  }
0x235: {  	v13 =	vand.u32 $0x7F, v17;
	v31 =	vld.idx.msk [tilespmem:v24+s24+$0x0], $0xffff  }
0x236: {  	v12 =	vmul.f32 v5, v12;
	v17 =	vor.u32 v4, v16;
	v5 =	vld.idx.msk [tilespmem:v24+s26+$0x0], $0xffff;
	v24 =	vmul.f32 v7, v6  }
.Ltmp7:
0x237: {  	v32 =	vmul.f32 v10, v8;
	v14 =	vmul.f32 v22, v14;
	v16 =	vor.u32 v1, v13;
	v6 =	vld.idx.msk [tilespmem:v15+s24+$0x0], $0xffff;
	(pc) =	sbr.rel @p0 .LBB2_16-.Ltmp7, $4  }
0x238: {  	v22 =	vmul.f32 v23, v18;
	v23 =	vmul.f32 v25, v21;
	v7 =	vld.idx.msk [tilespmem:v15+s26+$0x0], $0xffff;
	v15 =	vor.u32 v2, v13  }
0x239: {  	v11 =	vadd.f32 v12, v11;
	v18 =	vmul.f32 v27, v26;
	v9 =	vadd.f32 v24, v9;
	v8 =	vld.idx.msk [tilespmem:v29+s24+$0x0], $0xffff  }
0x23a: {  	v19 =	vadd.f32 v32, v19;
	v20 =	vadd.f32 v14, v20;
	v21 =	vmul.f32 v30, v28;
	v10 =	vld.idx.msk [tilespmem:v29+s26+$0x0], $0xffff  }
0x23b: {  	s30 =	sadd.s32 $0x2, s30;
	v11 =	vadd.f32 v22, v11;
	v9 =	vadd.f32 v23, v9;
	v12 =	vmov v31;
	v14 =	vld.idx.msk [tilespmem:v17+s24+$0x0], $0xffff  }
0x23c: {  	_ =	sdelay $0x3  }
0x23d: {  	v17 =	vld.idx.msk [tilespmem:v17+s26+$0x0], $0xffff;
	v22 =	vor.u32 v3, v13  }
0x23e: {  	v23 =	vld.idx.msk [tilespmem:v16+s24+$0x0], $0xffff  }
0x23f: {  	v52 =	vld.idx.msk [tilespmem:v16+s26+$0x0], $0xffff;
	v53 =	vor.u32 v4, v13  }
0x240: {  	v24 =	vld.idx.msk [tilespmem:v15+s24+$0x0], $0xffff  }
0x241: {  	v54 =	vld.idx.msk [tilespmem:v15+s26+$0x0], $0xffff  }
0x242: {  	v25 =	vld.idx.msk [tilespmem:v22+s24+$0x0], $0xffff  }
0x243: {  	v22 =	vld.idx.msk [tilespmem:v22+s26+$0x0], $0xffff  }
0x244: {  	v26 =	vld.idx.msk [tilespmem:v53+s24+$0x0], $0xffff  }
0x245: {  	v5 =	vmul.f32 v5, v12;
	v55 =	vld.idx.msk [tilespmem:v53+s26+$0x0], $0xffff  }
0x246: {  	v56 =	vadd.f32 v18, v19;
	v57 =	vadd.f32 v21, v20;
	v6 =	vmul.f32 v7, v6;
	v7 =	vld [tilespmem:$0x5C0]  }
0x247: {  	v59 =	vld [tilespmem:$0x5D0];
	v5 =	vadd.f32 v5, v11;
	v8 =	vmul.f32 v10, v8;
	v58 =	vmul.f32 v52, v23  }
0x248: {  	v60 =	vld [tilespmem:$0x5E0];
	v6 =	vadd.f32 v6, v9;
	v14 =	vmul.f32 v17, v14;
	v15 =	vmul.f32 v54, v24  }
0x249: {  	v62 =	vld [tilespmem:$0x5F0];
	v8 =	vadd.f32 v8, v56;
	v5 =	vadd.f32 v58, v5;
	v61 =	vmul.f32 v22, v25  }
0x24a: {  	v63 =	vadd.f32 v14, v57;
	v6 =	vadd.f32 v15, v6;
	v12 =	vmul.f32 v55, v26  }
0x24b: {  	v5 =	vmul.f32 v7, v5;
	v8 =	vadd.f32 v61, v8  }
0x24c: {  	v6 =	vmul.f32 v59, v6;
	v7 =	vadd.f32 v12, v63  }
0x24d: {  	[tilespmem:$0x107C0] =	vst v5;
	v5 =	vmul.f32 v60, v8  }
0x24e: {  	[tilespmem:$0x107D0] =	vst v6;
	v6 =	vmul.f32 v62, v7  }
0x24f: {  	[tilespmem:$0x107E0] =	vst v5  }
0x250: {  	s30 =	sadd.s32 $0x188, s8;
	[tilespmem:$0x107F0] =	vst v6  }
0x251: {  	[hbm4b:s30+s4] =	stream.linear.scatter [tilespmem:s23], [sflag:$0x1], $0x40, $0x38;
	[tilespmem:$0x10800] =	vst v63  }
0x252: {  	_ =	swait.ge [sflag:s12], $0x40  }
0x253: {  	[sflag:s12] =	ssyncset.done $0x0  }
0x254: {  	[sflag:s12] =	ssyncadd.s32 $0xFFFFFFC0  }
0x255: {  	_ =	swait.ge [sflag:s12], $0x40  }
0x256: {  	[sflag:s12] =	ssyncset.done $0x0  }
0x257: {  	[sflag:s12] =	ssyncadd.s32 $0xFFFFFFC0  }
0x258: {  	_ =	swait.ge [sflag:s12], $0x40  }
0x259: {  	[sflag:s12] =	ssyncset.done $0x0  }
0x25a: {  	[sflag:s12] =	ssyncadd.s32 $0xFFFFFFC0  }
0x25b: {  	_ =	swait.ge [sflag:s12], $0x40  }
0x25c: {  	[sflag:s12] =	ssyncset.done $0x0  }
0x25d: {  	[sflag:s12] =	ssyncadd.s32 $0xFFFFFFC0  }
0x25e: {  	_ =	swait.ge [sflag:s12], $0x40  }
0x25f: {  	[sflag:s12] =	ssyncset.done $0x0  }
0x260: {  	[sflag:s12] =	ssyncadd.s32 $0xFFFFFFC0  }
0x261: {  	_ =	swait.ge [sflag:s12], $0x40  }
0x262: {  	[sflag:s12] =	ssyncset.done $0x0  }
0x263: {  	s25 =	sadd.s32 $0x1, s25;
	[sflag:s12] =	ssyncadd.s32 $0xFFFFFFC0  }
0x264: {  	p0 =	sne.s32 s25, s9;
	_ =	swait.ge [sflag:s12], $0x40  }
.Ltmp8:
0x265: {  	[sflag:s12] =	ssyncset.done $0x0;
	(pc) =	sbr.rel @p0 .LBB2_1-.Ltmp8, $4  }
0x266: {  	[sflag:s12] =	ssyncadd.s32 $0xFFFFFFC0  }
0x267: {  	_ =	swait.ge [sflag:s12], $0x40  }
0x268: {  	[sflag:s12] =	ssyncset.done $0x0  }
0x269: {  	[sflag:s12] =	ssyncadd.s32 $0xFFFFFFC0  }
0x26a: {  	_ =	sfence.sel $0x180000  }
0x26b: {  	[bflag:$0x0] =	sbarrier.arrive $0xFFFF  }
0x26c: {  	_ =	strace $0x90000047  }
0x26d: {  	s0 =	stileid.u32;
	[bflag:$0x2] =	sbarrier.arrive $0xFFFF  }
0x26e: {  	p0 =	sne.s32 s0, $0x0;
	s0 =	rddreg [dreg:$0x6]  }
0x26f: {  	s0 =	sadd.s32 @!p0 $0x100000, s0  }
0x270: {  	[sflag:s0] =	ssyncadd.tile.s32 @!p0 $0x1;
	_ =	shalt  }
.Lfunc_end2:
_tile_overlayer_lowered:
.L_overlay_start_2:
0x271: {  	(tag) =	ssettag $0x2  }
0x272: {  	s0 =	rddreg [dreg:$0x0];
	s2 =	stileid.u32  }
0x273: {  	s1 =	rddreg [dreg:$0x1];
	p0 =	sne.s32 s2, $0x0  }
0x274: {  	s3 =	rddreg [dreg:$0x2];
	[bflag:$0x3] =	sbarrier.arrive $0xFFFF;
	s2 =	simm.s32 @!p0 $0x1C06  }
0x275: {  	[timem:s3], [sflag:s2] =	dma.local @!p0 [hbm:s0], s1  }
0x276: {  	s0 =	simm.s32 @!p0 $0x6  }
0x277: {  	_ =	swait.ge @!p0 [sflag:s0], s1  }
0x278: {  	s1 =	ssub.s32 @!p0 $0x0, s1;
	[sflag:s0] =	ssyncset.done @!p0 $0x0  }
0x279: {  	[sflag:s0] =	ssyncadd.s32 @!p0 s1  }
0x27a: {  	[bflag:$0x3] =	sbarrier.arrive $0xFFFF  }
0x27b: {  	_ =	shalt  }

</sc_bundles>
